<compile_context>
chip_gen: v7x
topology: tpu7x:2x2x1
jax: 0.10.2.dev20260603
libtpu: 0.0.44.dev20260713+nightly
codegen_flags: <defaults>
</compile_context>

<pallas_src>
import functools

import jax
import jax.numpy as jnp
from jax import lax
from jax.experimental import pallas as pl
from jax.experimental.pallas import tpu as pltpu
from jax.experimental.pallas import tpu_sc as plsc

_N = 10000
_E = 320000
_H = 128
_G = 64
_C = 10

_NC = 2
_NS = 16
_NW = _NC * _NS
_EPW = _E // _NW
_CHUNK = 64
_EPWP = 10240
_NCHUNK = _EPWP // _CHUNK
_EPAD = _NW * _EPWP
_NPAD = 10240
_RPT = _NPAD // _NS
_RING = 4
_NGRP = _NCHUNK // _RING


def _seg_sum_body(h_hbm, src_hbm, dst_hbm, zero_hbm, out_hbm,
                  agg_sh, src_v, *rest):
    dbufs = rest[:_RING]
    bufs = rest[_RING:2 * _RING]
    gsems = rest[2 * _RING:3 * _RING]
    ssems = rest[3 * _RING:4 * _RING]
    dsems = rest[4 * _RING:5 * _RING]
    c = lax.axis_index("c")
    s = lax.axis_index("s")
    wid = s * _NC + c
    r0 = s * _RPT
    pltpu.sync_copy(zero_hbm.at[pl.ds(r0, _RPT)], agg_sh.at[pl.ds(r0, _RPT)])
    pltpu.sync_copy(src_hbm.at[wid], src_v)
    plsc.subcore_barrier()

    def gather(i, b):
        off = pl.multiple_of(i * _CHUNK, _CHUNK)
        pltpu.async_copy(h_hbm.at[src_v.at[pl.ds(off, _CHUNK)]], bufs[b],
                         gsems[b])

    def gather_wait(b):
        pltpu.make_async_copy(h_hbm.at[src_v.at[pl.ds(0, _CHUNK)]], bufs[b],
                              gsems[b]).wait()

    def dst_fill(i, b):
        pltpu.async_copy(dst_hbm.at[wid, i], dbufs[b], dsems[b])

    def dst_wait(b):
        pltpu.make_async_copy(dst_hbm.at[0, 0], dbufs[b], dsems[b]).wait()

    def scat(b):
        pltpu.async_copy(bufs[b], agg_sh.at[dbufs[b]], ssems[b], add=True)

    def scat_wait(b):
        pltpu.make_async_copy(bufs[b], agg_sh.at[dbufs[b]], ssems[b]).wait()

    for b in range(_RING):
        gather(b, b)
        dst_fill(b, b)

    def body(g, carry):
        for b in range(_RING):
            gather_wait(b)
            dst_wait(b)
            scat(b)
        for b in range(_RING):
            scat_wait(b)
            gather((g + 1) * _RING + b, b)
            dst_fill((g + 1) * _RING + b, b)
        return carry

    lax.fori_loop(0, _NGRP - 1, body, 0)
    for b in range(_RING):
        gather_wait(b)
        dst_wait(b)
        scat(b)
    for b in range(_RING):
        scat_wait(b)
    plsc.subcore_barrier()
    pltpu.sync_copy(agg_sh.at[pl.ds(r0, _RPT)],
                    out_hbm.at[c, pl.ds(r0, _RPT)])


def _make_seg_sum():
    mesh = plsc.VectorSubcoreMesh(core_axis_name="c", subcore_axis_name="s")
    return pl.kernel(
        _seg_sum_body,
        mesh=mesh,
        out_type=jax.ShapeDtypeStruct((_NC, _NPAD, _H), jnp.float32),
        scratch_types=(
            [pltpu.VMEM_SHARED((_NPAD, _H), jnp.float32)]
            + [pltpu.VMEM((_EPWP,), jnp.int32)]
            + [pltpu.VMEM((_CHUNK,), jnp.int32)] * _RING
            + [pltpu.VMEM((_CHUNK, _H), jnp.float32)] * _RING
            + [pltpu.SemaphoreType.DMA] * (3 * _RING)
        ),
    )


_BN = 400


def _dense_block(agg_ref, h_ref, wr_ref, br_ref, wt_ref, out_ref):
    a = agg_ref[0] + agg_ref[1]
    acc = jnp.dot(a, wr_ref[...], preferred_element_type=jnp.float32)
    acc += jnp.dot(h_ref[...], wt_ref[...], preferred_element_type=jnp.float32)
    acc += br_ref[...]
    out_ref[...] = jnp.maximum(acc, 0.0)


def _dense(agg2, h, wr, br, wt):
    return pl.pallas_call(
        _dense_block,
        grid=(_N // _BN,),
        in_specs=[
            pl.BlockSpec((_NC, _BN, _H), lambda i: (0, i, 0)),
            pl.BlockSpec((_BN, _H), lambda i: (i, 0)),
            pl.BlockSpec((_H, _H), lambda i: (0, 0)),
            pl.BlockSpec((1, _H), lambda i: (0, 0)),
            pl.BlockSpec((_H, _H), lambda i: (0, 0)),
        ],
        out_specs=pl.BlockSpec((_BN, _H), lambda i: (i, 0)),
        out_shape=jax.ShapeDtypeStruct((_N, _H), jnp.float32),
    )(agg2, h, wr, br.reshape(1, _H), wt)


_BP = 400


def _pool_block(h_ref, b_ref, wo_ref, bo_ref, out_ref, psum, cnt):
    i = pl.program_id(0)

    @pl.when(i == 0)
    def _():
        psum[...] = jnp.zeros_like(psum)
        cnt[...] = jnp.zeros_like(cnt)

    bvals = b_ref[0, 0, :]
    gids = lax.broadcasted_iota(jnp.int32, (_G, _BP), 0)
    onehot = (bvals[None, :] == gids).astype(jnp.float32)
    psum[...] += jnp.dot(onehot, h_ref[...], preferred_element_type=jnp.float32)
    cnt[...] += jnp.sum(onehot, axis=1, keepdims=True)

    @pl.when(i == pl.num_programs(0) - 1)
    def _():
        pooled = psum[...] / jnp.maximum(cnt[...], 1.0)
        out_ref[...] = (jnp.dot(pooled, wo_ref[...],
                                preferred_element_type=jnp.float32)
                        + bo_ref[...])


def _pool(h, batch, wo, bo):
    return pl.pallas_call(
        _pool_block,
        grid=(_N // _BP,),
        in_specs=[
            pl.BlockSpec((_BP, _H), lambda i: (i, 0)),
            pl.BlockSpec((1, 1, _BP), lambda i: (i, 0, 0)),
            pl.BlockSpec((_H, _C), lambda i: (0, 0)),
            pl.BlockSpec((1, _C), lambda i: (0, 0)),
        ],
        out_specs=pl.BlockSpec((_G, _C), lambda i: (0, 0)),
        out_shape=jax.ShapeDtypeStruct((_G, _C), jnp.float32),
        scratch_shapes=[
            pltpu.VMEM((_G, _H), jnp.float32),
            pltpu.VMEM((_G, 1), jnp.float32),
        ],
    )(h, batch.reshape(_N // _BP, 1, _BP), wo, bo.reshape(1, _C))


def kernel(x, edge_index, batch, W_rel0, b_rel0, W_root0, W_rel1, b_rel1,
           W_root1, W_rel2, b_rel2, W_root2, W_out, b_out):
    pad = _EPAD - _E
    src = jnp.concatenate(
        [edge_index[0], jnp.zeros((pad,), jnp.int32)]).reshape(_NW, _EPWP)
    dst = jnp.concatenate(
        [edge_index[1], jnp.full((pad,), _N, jnp.int32)]
    ).reshape(_NW, _NCHUNK, _CHUNK)
    zeros = jnp.zeros((_NPAD, _H), jnp.float32)
    seg_sum = _make_seg_sum()
    h = x
    for wr, br, wt in ((W_rel0, b_rel0, W_root0),
                       (W_rel1, b_rel1, W_root1),
                       (W_rel2, b_rel2, W_root2)):
        agg2 = seg_sum(h, src, dst, zeros)
        h = _dense(agg2, h, wr, br, wt)
    return _pool(h, batch, W_out, b_out)

# --- scband reference (transcript-rebuilt; emitter-appended) ---
"""Pipeline reference for scband-gnn-10471130267877 (READ-ONLY COPY).

The authoritative reference and input builder live on the scoring server;
editing this copy changes nothing except your own understanding.
"""

import jax, jax.numpy as jnp
import numpy as np

N = 10000
E = 320000
F_IN = 128
H = 128
C = 10
G = 64
L = 3


def setup_inputs(seed: int = 0) -> dict:
    key = jax.random.key(seed)
    ks = jax.random.split(key, 20)
    inp = {}
    inp["x"] = jax.random.normal(ks[0], (N, F_IN), dtype=jnp.float32)
    inp["edge_index"] = jax.random.randint(ks[1], (2, E), 0, N, dtype=jnp.int32)
    inp["batch"] = jnp.sort(jax.random.randint(ks[2], (N,), 0, G, dtype=jnp.int32))
    dims = [F_IN] + [H] * L
    for i in range(L):
        fan = dims[i]
        inp[f"W_rel{i}"] = jax.random.normal(ks[3 + 2 * i], (fan, H), dtype=jnp.float32) / np.sqrt(fan)
        inp[f"b_rel{i}"] = jnp.zeros((H,), dtype=jnp.float32)
        inp[f"W_root{i}"] = jax.random.normal(ks[4 + 2 * i], (fan, H), dtype=jnp.float32) / np.sqrt(fan)
    inp["W_out"] = jax.random.normal(ks[10], (H, C), dtype=jnp.float32) / np.sqrt(H)
    inp["b_out"] = jnp.zeros((C,), dtype=jnp.float32)
    return inp


def reference(x, edge_index, batch, W_rel0, b_rel0, W_root0, W_rel1, b_rel1, W_root1, W_rel2, b_rel2, W_root2, W_out, b_out):
    # PyG GraphConv (aggr='add'): out = lin_rel(segment_sum(x[src] -> dst)) + lin_root(x)
    src = edge_index[0]
    dst = edge_index[1]
    params = [(W_rel0, b_rel0, W_root0), (W_rel1, b_rel1, W_root1), (W_rel2, b_rel2, W_root2)]
    h = x
    for (Wr, br, Wt) in params:
        msgs = jnp.take(h, src, axis=0)
        agg = jax.ops.segment_sum(msgs, dst, num_segments=N)
        h = jax.nn.relu(agg @ Wr + br + h @ Wt)
    # global_mean_pool over graph ids in `batch`
    cnt = jax.ops.segment_sum(jnp.ones((N,), dtype=jnp.float32), batch, num_segments=G)
    pooled = jax.ops.segment_sum(h, batch, num_segments=G) / jnp.maximum(cnt, 1.0)[:, None]
    return pooled @ W_out + b_out

if __name__ == "__main__":
    import jax
    _d = setup_inputs()
    print(jax.jit(kernel)(*tuple(_d.values())))

</pallas_src>

<mosaic_0001>
#map = affine_map<(d0, d1) -> (0, 0)>
#map1 = affine_map<(d0, d1) -> (0, 0, 0)>
module attributes {stable_mosaic.version = 14 : i64} {
  func.func @_seg_sum_body(%arg0: i32, %arg1: i32, %arg2: memref<10000x128xf32, #tpu.memory_space<hbm>>, %arg3: memref<32x10240xi32, #tpu.memory_space<hbm>>, %arg4: memref<32x160x64xi32, #tpu.memory_space<hbm>>, %arg5: memref<10240x128xf32, #tpu.memory_space<hbm>>, %arg6: memref<2x10240x128xf32, #tpu.memory_space<hbm>>, %arg7: memref<10240x128xf32, #tpu.memory_space<vmem_shared>>, %arg8: memref<10240xi32, #tpu.memory_space<vmem>>, %arg9: memref<64xi32, #tpu.memory_space<vmem>>, %arg10: memref<64xi32, #tpu.memory_space<vmem>>, %arg11: memref<64xi32, #tpu.memory_space<vmem>>, %arg12: memref<64xi32, #tpu.memory_space<vmem>>, %arg13: memref<64x128xf32, #tpu.memory_space<vmem>>, %arg14: memref<64x128xf32, #tpu.memory_space<vmem>>, %arg15: memref<64x128xf32, #tpu.memory_space<vmem>>, %arg16: memref<64x128xf32, #tpu.memory_space<vmem>>, %arg17: memref<!tpu.dma_semaphore, #tpu.memory_space<semaphore_mem>>, %arg18: memref<!tpu.dma_semaphore, #tpu.memory_space<semaphore_mem>>, %arg19: memref<!tpu.dma_semaphore, #tpu.memory_space<semaphore_mem>>, %arg20: memref<!tpu.dma_semaphore, #tpu.memory_space<semaphore_mem>>, %arg21: memref<!tpu.dma_semaphore, #tpu.memory_space<semaphore_mem>>, %arg22: memref<!tpu.dma_semaphore, #tpu.memory_space<semaphore_mem>>, %arg23: memref<!tpu.dma_semaphore, #tpu.memory_space<semaphore_mem>>, %arg24: memref<!tpu.dma_semaphore, #tpu.memory_space<semaphore_mem>>, %arg25: memref<!tpu.dma_semaphore, #tpu.memory_space<semaphore_mem>>, %arg26: memref<!tpu.dma_semaphore, #tpu.memory_space<semaphore_mem>>, %arg27: memref<!tpu.dma_semaphore, #tpu.memory_space<semaphore_mem>>, %arg28: memref<!tpu.dma_semaphore, #tpu.memory_space<semaphore_mem>>) attributes {dimension_semantics = [#tpu.dimension_semantics<core_parallel>, #tpu.dimension_semantics<subcore_parallel>], iteration_bounds = array<i64: 2, 16>, scalar_prefetch = 0 : i64, scratch_operands = 22 : i64, tpu.core_type = #tpu.core_type<sc_vector_subcore>, window_params = [{transform_indices = #map}, {transform_indices = #map}, {transform_indices = #map1}, {transform_indices = #map}, {transform_indices = #map1}]} {
    %mul3A = arith.constant 2 : i32
    %mul3A_0 = arith.muli %arg1, %mul3A : i32
    %add3A = arith.addi %mul3A_0, %arg0 : i32
    %mul3A_1 = arith.constant 640 : i32
    %mul3A_2 = arith.muli %arg1, %mul3A_1 : i32
    "tpu.region"() ({
      %run_scoped3A = tpu.sem_alloc : memref<!tpu.dma_semaphore, #tpu.memory_space<semaphore_mem>>
      %dma_start3A_134 = arith.constant 0 : i32
      %dma_start3A_135 = tpu.memref_slice %arg7[%mul3A_2, %dma_start3A_134] : memref<10240x128xf32, #tpu.memory_space<vmem_shared>> -> memref<640x128xf32, #tpu.memory_space<vmem_shared>>
      %dma_start3A_136 = arith.constant 0 : i32
      %dma_start3A_137 = tpu.memref_slice %arg5[%mul3A_2, %dma_start3A_136] : memref<10240x128xf32, #tpu.memory_space<hbm>> -> memref<640x128xf32, #tpu.memory_space<hbm>>
      tpu.enqueue_dma source(%dma_start3A_137 : memref<640x128xf32, #tpu.memory_space<hbm>>) target(%dma_start3A_135 : memref<640x128xf32, #tpu.memory_space<vmem_shared>>) target_semaphore(%run_scoped3A : memref<!tpu.dma_semaphore, #tpu.memory_space<semaphore_mem>>)
      %dma_wait3A_138 = arith.constant 0 : i32
      %dma_wait3A_139 = tpu.memref_slice %arg7[%mul3A_2, %dma_wait3A_138] : memref<10240x128xf32, #tpu.memory_space<vmem_shared>> -> memref<640x128xf32, #tpu.memory_space<vmem_shared>>
      %dma_wait3A_140 = arith.constant 0 : i32
      %dma_wait3A_141 = tpu.memref_slice %arg5[%mul3A_2, %dma_wait3A_140] : memref<10240x128xf32, #tpu.memory_space<hbm>> -> memref<640x128xf32, #tpu.memory_space<hbm>>
      tpu.wait_dma2 semaphore(%run_scoped3A : memref<!tpu.dma_semaphore, #tpu.memory_space<semaphore_mem>>) src(%dma_wait3A_141 : memref<640x128xf32, #tpu.memory_space<hbm>>) dst(%dma_wait3A_139 : memref<640x128xf32, #tpu.memory_space<vmem_shared>>)
      tpu.yield
    }) : () -> ()
    "tpu.region"() ({
      %run_scoped3A = tpu.sem_alloc : memref<!tpu.dma_semaphore, #tpu.memory_space<semaphore_mem>>
      %dma_start3A_134 = arith.constant 0 : i32
      %dma_start3A_135 = tpu.memref_slice %arg3[%add3A, %dma_start3A_134] : memref<32x10240xi32, #tpu.memory_space<hbm>> -> memref<1x10240xi32, #tpu.memory_space<hbm>>
      %dma_start3A_136 = tpu.memref_squeeze %dma_start3A_135 : memref<1x10240xi32, #tpu.memory_space<hbm>> -> memref<10240xi32, #tpu.memory_space<hbm>>
      %dma_start3A_137 = arith.constant 0 : i32
      %dma_start3A_138 = tpu.memref_slice %arg3[%add3A, %dma_start3A_137] : memref<32x10240xi32, #tpu.memory_space<hbm>> -> memref<1x10240xi32, #tpu.memory_space<hbm>>
      %dma_start3A_139 = tpu.memref_squeeze %dma_start3A_138 : memref<1x10240xi32, #tpu.memory_space<hbm>> -> memref<10240xi32, #tpu.memory_space<hbm>>
      tpu.enqueue_dma source(%dma_start3A_139 : memref<10240xi32, #tpu.memory_space<hbm>>) target(%arg8 : memref<10240xi32, #tpu.memory_space<vmem>>) target_semaphore(%run_scoped3A : memref<!tpu.dma_semaphore, #tpu.memory_space<semaphore_mem>>)
      %dma_wait3A_140 = arith.constant 0 : i32
      %dma_wait3A_141 = tpu.memref_slice %arg3[%add3A, %dma_wait3A_140] : memref<32x10240xi32, #tpu.memory_space<hbm>> -> memref<1x10240xi32, #tpu.memory_space<hbm>>
      %dma_wait3A_142 = tpu.memref_squeeze %dma_wait3A_141 : memref<1x10240xi32, #tpu.memory_space<hbm>> -> memref<10240xi32, #tpu.memory_space<hbm>>
      %dma_wait3A_143 = arith.constant 0 : i32
      %dma_wait3A_144 = tpu.memref_slice %arg3[%add3A, %dma_wait3A_143] : memref<32x10240xi32, #tpu.memory_space<hbm>> -> memref<1x10240xi32, #tpu.memory_space<hbm>>
      %dma_wait3A_145 = tpu.memref_squeeze %dma_wait3A_144 : memref<1x10240xi32, #tpu.memory_space<hbm>> -> memref<10240xi32, #tpu.memory_space<hbm>>
      tpu.wait_dma2 semaphore(%run_scoped3A : memref<!tpu.dma_semaphore, #tpu.memory_space<semaphore_mem>>) src(%dma_wait3A_145 : memref<10240xi32, #tpu.memory_space<hbm>>) dst(%arg8 : memref<10240xi32, #tpu.memory_space<vmem>>)
      tpu.yield
    }) : () -> ()
    %barrier3A = arith.constant 0 : index
    tpu.barrier barrier_id(%barrier3A)
    %multiple_of3A = arith.constant 0 : i32
    %multiple_of3A_3 = tpu.assume_multiple %multiple_of3A, 64 : i32
    %dma_start3A = tpu.memref_slice %arg8[%multiple_of3A_3] : memref<10240xi32, #tpu.memory_space<vmem>> -> memref<64xi32, #tpu.memory_space<vmem>>
    %dma_start3A_4 = arith.constant 0 : i32
    %dma_start3A_5 = arith.constant 0 : i32
    %dma_start3A_6 = tpu.memref_slice %arg2[%dma_start3A_4, %dma_start3A_5] : memref<10000x128xf32, #tpu.memory_space<hbm>> -> memref<10000x128xf32, #tpu.memory_space<hbm>>
    tpu.enqueue_indirect_dma source(%dma_start3A_6 : memref<10000x128xf32, #tpu.memory_space<hbm>>) target(%arg13 : memref<64x128xf32, #tpu.memory_space<vmem>>) offsets(%dma_start3A : memref<64xi32, #tpu.memory_space<vmem>>) semaphore(%arg17 : memref<!tpu.dma_semaphore, #tpu.memory_space<semaphore_mem>>)
    %dma_start3A_7 = arith.constant 0 : i32
    %dma_start3A_8 = arith.constant 0 : i32
    %dma_start3A_9 = tpu.memref_slice %arg4[%add3A, %dma_start3A_7, %dma_start3A_8] : memref<32x160x64xi32, #tpu.memory_space<hbm>> -> memref<1x1x64xi32, #tpu.memory_space<hbm>>
    %dma_start3A_10 = tpu.memref_squeeze %dma_start3A_9 : memref<1x1x64xi32, #tpu.memory_space<hbm>> -> memref<64xi32, #tpu.memory_space<hbm>>
    %dma_start3A_11 = arith.constant 0 : i32
    %dma_start3A_12 = tpu.memref_slice %arg4[%add3A, %dma_start3A_7, %dma_start3A_11] : memref<32x160x64xi32, #tpu.memory_space<hbm>> -> memref<1x1x64xi32, #tpu.memory_space<hbm>>
    %dma_start3A_13 = tpu.memref_squeeze %dma_start3A_12 : memref<1x1x64xi32, #tpu.memory_space<hbm>> -> memref<64xi32, #tpu.memory_space<hbm>>
    tpu.enqueue_dma source(%dma_start3A_13 : memref<64xi32, #tpu.memory_space<hbm>>) target(%arg9 : memref<64xi32, #tpu.memory_space<vmem>>) target_semaphore(%arg25 : memref<!tpu.dma_semaphore, #tpu.memory_space<semaphore_mem>>)
    %multiple_of3A_14 = arith.constant 64 : i32
    %multiple_of3A_15 = tpu.assume_multiple %multiple_of3A_14, 64 : i32
    %dma_start3A_16 = tpu.memref_slice %arg8[%multiple_of3A_15] : memref<10240xi32, #tpu.memory_space<vmem>> -> memref<64xi32, #tpu.memory_space<vmem>>
    %dma_start3A_17 = arith.constant 0 : i32
    %dma_start3A_18 = arith.constant 0 : i32
    %dma_start3A_19 = tpu.memref_slice %arg2[%dma_start3A_17, %dma_start3A_18] : memref<10000x128xf32, #tpu.memory_space<hbm>> -> memref<10000x128xf32, #tpu.memory_space<hbm>>
    tpu.enqueue_indirect_dma source(%dma_start3A_19 : memref<10000x128xf32, #tpu.memory_space<hbm>>) target(%arg14 : memref<64x128xf32, #tpu.memory_space<vmem>>) offsets(%dma_start3A_16 : memref<64xi32, #tpu.memory_space<vmem>>) semaphore(%arg18 : memref<!tpu.dma_semaphore, #tpu.memory_space<semaphore_mem>>)
    %dma_start3A_20 = arith.constant 1 : i32
    %dma_start3A_21 = arith.constant 0 : i32
    %dma_start3A_22 = tpu.memref_slice %arg4[%add3A, %dma_start3A_20, %dma_start3A_21] : memref<32x160x64xi32, #tpu.memory_space<hbm>> -> memref<1x1x64xi32, #tpu.memory_space<hbm>>
    %dma_start3A_23 = tpu.memref_squeeze %dma_start3A_22 : memref<1x1x64xi32, #tpu.memory_space<hbm>> -> memref<64xi32, #tpu.memory_space<hbm>>
    %dma_start3A_24 = arith.constant 0 : i32
    %dma_start3A_25 = tpu.memref_slice %arg4[%add3A, %dma_start3A_20, %dma_start3A_24] : memref<32x160x64xi32, #tpu.memory_space<hbm>> -> memref<1x1x64xi32, #tpu.memory_space<hbm>>
    %dma_start3A_26 = tpu.memref_squeeze %dma_start3A_25 : memref<1x1x64xi32, #tpu.memory_space<hbm>> -> memref<64xi32, #tpu.memory_space<hbm>>
    tpu.enqueue_dma source(%dma_start3A_26 : memref<64xi32, #tpu.memory_space<hbm>>) target(%arg10 : memref<64xi32, #tpu.memory_space<vmem>>) target_semaphore(%arg26 : memref<!tpu.dma_semaphore, #tpu.memory_space<semaphore_mem>>)
    %multiple_of3A_27 = arith.constant 128 : i32
    %multiple_of3A_28 = tpu.assume_multiple %multiple_of3A_27, 64 : i32
    %dma_start3A_29 = tpu.memref_slice %arg8[%multiple_of3A_28] : memref<10240xi32, #tpu.memory_space<vmem>> -> memref<64xi32, #tpu.memory_space<vmem>>
    %dma_start3A_30 = arith.constant 0 : i32
    %dma_start3A_31 = arith.constant 0 : i32
    %dma_start3A_32 = tpu.memref_slice %arg2[%dma_start3A_30, %dma_start3A_31] : memref<10000x128xf32, #tpu.memory_space<hbm>> -> memref<10000x128xf32, #tpu.memory_space<hbm>>
    tpu.enqueue_indirect_dma source(%dma_start3A_32 : memref<10000x128xf32, #tpu.memory_space<hbm>>) target(%arg15 : memref<64x128xf32, #tpu.memory_space<vmem>>) offsets(%dma_start3A_29 : memref<64xi32, #tpu.memory_space<vmem>>) semaphore(%arg19 : memref<!tpu.dma_semaphore, #tpu.memory_space<semaphore_mem>>)
    %dma_start3A_33 = arith.constant 2 : i32
    %dma_start3A_34 = arith.constant 0 : i32
    %dma_start3A_35 = tpu.memref_slice %arg4[%add3A, %dma_start3A_33, %dma_start3A_34] : memref<32x160x64xi32, #tpu.memory_space<hbm>> -> memref<1x1x64xi32, #tpu.memory_space<hbm>>
    %dma_start3A_36 = tpu.memref_squeeze %dma_start3A_35 : memref<1x1x64xi32, #tpu.memory_space<hbm>> -> memref<64xi32, #tpu.memory_space<hbm>>
    %dma_start3A_37 = arith.constant 0 : i32
    %dma_start3A_38 = tpu.memref_slice %arg4[%add3A, %dma_start3A_33, %dma_start3A_37] : memref<32x160x64xi32, #tpu.memory_space<hbm>> -> memref<1x1x64xi32, #tpu.memory_space<hbm>>
    %dma_start3A_39 = tpu.memref_squeeze %dma_start3A_38 : memref<1x1x64xi32, #tpu.memory_space<hbm>> -> memref<64xi32, #tpu.memory_space<hbm>>
    tpu.enqueue_dma source(%dma_start3A_39 : memref<64xi32, #tpu.memory_space<hbm>>) target(%arg11 : memref<64xi32, #tpu.memory_space<vmem>>) target_semaphore(%arg27 : memref<!tpu.dma_semaphore, #tpu.memory_space<semaphore_mem>>)
    %multiple_of3A_40 = arith.constant 192 : i32
    %multiple_of3A_41 = tpu.assume_multiple %multiple_of3A_40, 64 : i32
    %dma_start3A_42 = tpu.memref_slice %arg8[%multiple_of3A_41] : memref<10240xi32, #tpu.memory_space<vmem>> -> memref<64xi32, #tpu.memory_space<vmem>>
    %dma_start3A_43 = arith.constant 0 : i32
    %dma_start3A_44 = arith.constant 0 : i32
    %dma_start3A_45 = tpu.memref_slice %arg2[%dma_start3A_43, %dma_start3A_44] : memref<10000x128xf32, #tpu.memory_space<hbm>> -> memref<10000x128xf32, #tpu.memory_space<hbm>>
    tpu.enqueue_indirect_dma source(%dma_start3A_45 : memref<10000x128xf32, #tpu.memory_space<hbm>>) target(%arg16 : memref<64x128xf32, #tpu.memory_space<vmem>>) offsets(%dma_start3A_42 : memref<64xi32, #tpu.memory_space<vmem>>) semaphore(%arg20 : memref<!tpu.dma_semaphore, #tpu.memory_space<semaphore_mem>>)
    %dma_start3A_46 = arith.constant 3 : i32
    %dma_start3A_47 = arith.constant 0 : i32
    %dma_start3A_48 = tpu.memref_slice %arg4[%add3A, %dma_start3A_46, %dma_start3A_47] : memref<32x160x64xi32, #tpu.memory_space<hbm>> -> memref<1x1x64xi32, #tpu.memory_space<hbm>>
    %dma_start3A_49 = tpu.memref_squeeze %dma_start3A_48 : memref<1x1x64xi32, #tpu.memory_space<hbm>> -> memref<64xi32, #tpu.memory_space<hbm>>
    %dma_start3A_50 = arith.constant 0 : i32
    %dma_start3A_51 = tpu.memref_slice %arg4[%add3A, %dma_start3A_46, %dma_start3A_50] : memref<32x160x64xi32, #tpu.memory_space<hbm>> -> memref<1x1x64xi32, #tpu.memory_space<hbm>>
    %dma_start3A_52 = tpu.memref_squeeze %dma_start3A_51 : memref<1x1x64xi32, #tpu.memory_space<hbm>> -> memref<64xi32, #tpu.memory_space<hbm>>
    tpu.enqueue_dma source(%dma_start3A_52 : memref<64xi32, #tpu.memory_space<hbm>>) target(%arg12 : memref<64xi32, #tpu.memory_space<vmem>>) target_semaphore(%arg28 : memref<!tpu.dma_semaphore, #tpu.memory_space<semaphore_mem>>)
    %scan3A = arith.constant 0 : i32
    %scan3A_53 = arith.constant 0 : i32
    %scan3A_54 = arith.constant 39 : i32
    %scan3A_55 = arith.addi %scan3A_53, %scan3A_54 : i32
    %scan3A_56 = arith.constant 1 : i32
    scf.for %scan3A_134 = %scan3A_53 to %scan3A_55 step %scan3A_56  : i32 {
      %dma_wait3A_135 = arith.constant 0 : i32
      %dma_wait3A_136 = tpu.memref_slice %arg8[%dma_wait3A_135] : memref<10240xi32, #tpu.memory_space<vmem>> -> memref<64xi32, #tpu.memory_space<vmem>>
      %dma_wait3A_137 = arith.constant 0 : i32
      %dma_wait3A_138 = arith.constant 0 : i32
      %dma_wait3A_139 = tpu.memref_slice %arg2[%dma_wait3A_137, %dma_wait3A_138] : memref<10000x128xf32, #tpu.memory_space<hbm>> -> memref<10000x128xf32, #tpu.memory_space<hbm>>
      tpu.wait_indirect_dma semaphore(%arg17 : memref<!tpu.dma_semaphore, #tpu.memory_space<semaphore_mem>>) src(%dma_wait3A_139 : memref<10000x128xf32, #tpu.memory_space<hbm>>) dst(%arg13 : memref<64x128xf32, #tpu.memory_space<vmem>>)
      %dma_wait3A_140 = arith.constant 0 : i32
      %dma_wait3A_141 = arith.constant 0 : i32
      %dma_wait3A_142 = arith.constant 0 : i32
      %dma_wait3A_143 = tpu.memref_slice %arg4[%dma_wait3A_140, %dma_wait3A_141, %dma_wait3A_142] : memref<32x160x64xi32, #tpu.memory_space<hbm>> -> memref<1x1x64xi32, #tpu.memory_space<hbm>>
      %dma_wait3A_144 = tpu.memref_squeeze %dma_wait3A_143 : memref<1x1x64xi32, #tpu.memory_space<hbm>> -> memref<64xi32, #tpu.memory_space<hbm>>
      %dma_wait3A_145 = arith.constant 0 : i32
      %dma_wait3A_146 = tpu.memref_slice %arg4[%dma_wait3A_140, %dma_wait3A_141, %dma_wait3A_145] : memref<32x160x64xi32, #tpu.memory_space<hbm>> -> memref<1x1x64xi32, #tpu.memory_space<hbm>>
      %dma_wait3A_147 = tpu.memref_squeeze %dma_wait3A_146 : memref<1x1x64xi32, #tpu.memory_space<hbm>> -> memref<64xi32, #tpu.memory_space<hbm>>
      tpu.wait_dma2 semaphore(%arg25 : memref<!tpu.dma_semaphore, #tpu.memory_space<semaphore_mem>>) src(%dma_wait3A_147 : memref<64xi32, #tpu.memory_space<hbm>>) dst(%arg9 : memref<64xi32, #tpu.memory_space<vmem>>)
      %dma_start3A_148 = arith.constant 0 : i32
      %dma_start3A_149 = arith.constant 0 : i32
      %dma_start3A_150 = tpu.memref_slice %arg7[%dma_start3A_148, %dma_start3A_149] : memref<10240x128xf32, #tpu.memory_space<vmem_shared>> -> memref<10240x128xf32, #tpu.memory_space<vmem_shared>>
      tpu.enqueue_indirect_dma source(%arg13 : memref<64x128xf32, #tpu.memory_space<vmem>>) target(%dma_start3A_150 : memref<10240x128xf32, #tpu.memory_space<vmem_shared>>) offsets(%arg9 : memref<64xi32, #tpu.memory_space<vmem>>) semaphore(%arg21 : memref<!tpu.dma_semaphore, #tpu.memory_space<semaphore_mem>>) {add = true}
      %dma_wait3A_151 = arith.constant 0 : i32
      %dma_wait3A_152 = tpu.memref_slice %arg8[%dma_wait3A_151] : memref<10240xi32, #tpu.memory_space<vmem>> -> memref<64xi32, #tpu.memory_space<vmem>>
      %dma_wait3A_153 = arith.constant 0 : i32
      %dma_wait3A_154 = arith.constant 0 : i32
      %dma_wait3A_155 = tpu.memref_slice %arg2[%dma_wait3A_153, %dma_wait3A_154] : memref<10000x128xf32, #tpu.memory_space<hbm>> -> memref<10000x128xf32, #tpu.memory_space<hbm>>
      tpu.wait_indirect_dma semaphore(%arg18 : memref<!tpu.dma_semaphore, #tpu.memory_space<semaphore_mem>>) src(%dma_wait3A_155 : memref<10000x128xf32, #tpu.memory_space<hbm>>) dst(%arg14 : memref<64x128xf32, #tpu.memory_space<vmem>>)
      %dma_wait3A_156 = arith.constant 0 : i32
      %dma_wait3A_157 = arith.constant 0 : i32
      %dma_wait3A_158 = arith.constant 0 : i32
      %dma_wait3A_159 = tpu.memref_slice %arg4[%dma_wait3A_156, %dma_wait3A_157, %dma_wait3A_158] : memref<32x160x64xi32, #tpu.memory_space<hbm>> -> memref<1x1x64xi32, #tpu.memory_space<hbm>>
      %dma_wait3A_160 = tpu.memref_squeeze %dma_wait3A_159 : memref<1x1x64xi32, #tpu.memory_space<hbm>> -> memref<64xi32, #tpu.memory_space<hbm>>
      %dma_wait3A_161 = arith.constant 0 : i32
      %dma_wait3A_162 = tpu.memref_slice %arg4[%dma_wait3A_156, %dma_wait3A_157, %dma_wait3A_161] : memref<32x160x64xi32, #tpu.memory_space<hbm>> -> memref<1x1x64xi32, #tpu.memory_space<hbm>>
      %dma_wait3A_163 = tpu.memref_squeeze %dma_wait3A_162 : memref<1x1x64xi32, #tpu.memory_space<hbm>> -> memref<64xi32, #tpu.memory_space<hbm>>
      tpu.wait_dma2 semaphore(%arg26 : memref<!tpu.dma_semaphore, #tpu.memory_space<semaphore_mem>>) src(%dma_wait3A_163 : memref<64xi32, #tpu.memory_space<hbm>>) dst(%arg10 : memref<64xi32, #tpu.memory_space<vmem>>)
      %dma_start3A_164 = arith.constant 0 : i32
      %dma_start3A_165 = arith.constant 0 : i32
      %dma_start3A_166 = tpu.memref_slice %arg7[%dma_start3A_164, %dma_start3A_165] : memref<10240x128xf32, #tpu.memory_space<vmem_shared>> -> memref<10240x128xf32, #tpu.memory_space<vmem_shared>>
      tpu.enqueue_indirect_dma source(%arg14 : memref<64x128xf32, #tpu.memory_space<vmem>>) target(%dma_start3A_166 : memref<10240x128xf32, #tpu.memory_space<vmem_shared>>) offsets(%arg10 : memref<64xi32, #tpu.memory_space<vmem>>) semaphore(%arg22 : memref<!tpu.dma_semaphore, #tpu.memory_space<semaphore_mem>>) {add = true}
      %dma_wait3A_167 = arith.constant 0 : i32
      %dma_wait3A_168 = tpu.memref_slice %arg8[%dma_wait3A_167] : memref<10240xi32, #tpu.memory_space<vmem>> -> memref<64xi32, #tpu.memory_space<vmem>>
      %dma_wait3A_169 = arith.constant 0 : i32
      %dma_wait3A_170 = arith.constant 0 : i32
      %dma_wait3A_171 = tpu.memref_slice %arg2[%dma_wait3A_169, %dma_wait3A_170] : memref<10000x128xf32, #tpu.memory_space<hbm>> -> memref<10000x128xf32, #tpu.memory_space<hbm>>
      tpu.wait_indirect_dma semaphore(%arg19 : memref<!tpu.dma_semaphore, #tpu.memory_space<semaphore_mem>>) src(%dma_wait3A_171 : memref<10000x128xf32, #tpu.memory_space<hbm>>) dst(%arg15 : memref<64x128xf32, #tpu.memory_space<vmem>>)
      %dma_wait3A_172 = arith.constant 0 : i32
      %dma_wait3A_173 = arith.constant 0 : i32
      %dma_wait3A_174 = arith.constant 0 : i32
      %dma_wait3A_175 = tpu.memref_slice %arg4[%dma_wait3A_172, %dma_wait3A_173, %dma_wait3A_174] : memref<32x160x64xi32, #tpu.memory_space<hbm>> -> memref<1x1x64xi32, #tpu.memory_space<hbm>>
      %dma_wait3A_176 = tpu.memref_squeeze %dma_wait3A_175 : memref<1x1x64xi32, #tpu.memory_space<hbm>> -> memref<64xi32, #tpu.memory_space<hbm>>
      %dma_wait3A_177 = arith.constant 0 : i32
      %dma_wait3A_178 = tpu.memref_slice %arg4[%dma_wait3A_172, %dma_wait3A_173, %dma_wait3A_177] : memref<32x160x64xi32, #tpu.memory_space<hbm>> -> memref<1x1x64xi32, #tpu.memory_space<hbm>>
      %dma_wait3A_179 = tpu.memref_squeeze %dma_wait3A_178 : memref<1x1x64xi32, #tpu.memory_space<hbm>> -> memref<64xi32, #tpu.memory_space<hbm>>
      tpu.wait_dma2 semaphore(%arg27 : memref<!tpu.dma_semaphore, #tpu.memory_space<semaphore_mem>>) src(%dma_wait3A_179 : memref<64xi32, #tpu.memory_space<hbm>>) dst(%arg11 : memref<64xi32, #tpu.memory_space<vmem>>)
      %dma_start3A_180 = arith.constant 0 : i32
      %dma_start3A_181 = arith.constant 0 : i32
      %dma_start3A_182 = tpu.memref_slice %arg7[%dma_start3A_180, %dma_start3A_181] : memref<10240x128xf32, #tpu.memory_space<vmem_shared>> -> memref<10240x128xf32, #tpu.memory_space<vmem_shared>>
      tpu.enqueue_indirect_dma source(%arg15 : memref<64x128xf32, #tpu.memory_space<vmem>>) target(%dma_start3A_182 : memref<10240x128xf32, #tpu.memory_space<vmem_shared>>) offsets(%arg11 : memref<64xi32, #tpu.memory_space<vmem>>) semaphore(%arg23 : memref<!tpu.dma_semaphore, #tpu.memory_space<semaphore_mem>>) {add = true}
      %dma_wait3A_183 = arith.constant 0 : i32
      %dma_wait3A_184 = tpu.memref_slice %arg8[%dma_wait3A_183] : memref<10240xi32, #tpu.memory_space<vmem>> -> memref<64xi32, #tpu.memory_space<vmem>>
      %dma_wait3A_185 = arith.constant 0 : i32
      %dma_wait3A_186 = arith.constant 0 : i32
      %dma_wait3A_187 = tpu.memref_slice %arg2[%dma_wait3A_185, %dma_wait3A_186] : memref<10000x128xf32, #tpu.memory_space<hbm>> -> memref<10000x128xf32, #tpu.memory_space<hbm>>
      tpu.wait_indirect_dma semaphore(%arg20 : memref<!tpu.dma_semaphore, #tpu.memory_space<semaphore_mem>>) src(%dma_wait3A_187 : memref<10000x128xf32, #tpu.memory_space<hbm>>) dst(%arg16 : memref<64x128xf32, #tpu.memory_space<vmem>>)
      %dma_wait3A_188 = arith.constant 0 : i32
      %dma_wait3A_189 = arith.constant 0 : i32
      %dma_wait3A_190 = arith.constant 0 : i32
      %dma_wait3A_191 = tpu.memref_slice %arg4[%dma_wait3A_188, %dma_wait3A_189, %dma_wait3A_190] : memref<32x160x64xi32, #tpu.memory_space<hbm>> -> memref<1x1x64xi32, #tpu.memory_space<hbm>>
      %dma_wait3A_192 = tpu.memref_squeeze %dma_wait3A_191 : memref<1x1x64xi32, #tpu.memory_space<hbm>> -> memref<64xi32, #tpu.memory_space<hbm>>
      %dma_wait3A_193 = arith.constant 0 : i32
      %dma_wait3A_194 = tpu.memref_slice %arg4[%dma_wait3A_188, %dma_wait3A_189, %dma_wait3A_193] : memref<32x160x64xi32, #tpu.memory_space<hbm>> -> memref<1x1x64xi32, #tpu.memory_space<hbm>>
      %dma_wait3A_195 = tpu.memref_squeeze %dma_wait3A_194 : memref<1x1x64xi32, #tpu.memory_space<hbm>> -> memref<64xi32, #tpu.memory_space<hbm>>
      tpu.wait_dma2 semaphore(%arg28 : memref<!tpu.dma_semaphore, #tpu.memory_space<semaphore_mem>>) src(%dma_wait3A_195 : memref<64xi32, #tpu.memory_space<hbm>>) dst(%arg12 : memref<64xi32, #tpu.memory_space<vmem>>)
      %dma_start3A_196 = arith.constant 0 : i32
      %dma_start3A_197 = arith.constant 0 : i32
      %dma_start3A_198 = tpu.memref_slice %arg7[%dma_start3A_196, %dma_start3A_197] : memref<10240x128xf32, #tpu.memory_space<vmem_shared>> -> memref<10240x128xf32, #tpu.memory_space<vmem_shared>>
      tpu.enqueue_indirect_dma source(%arg16 : memref<64x128xf32, #tpu.memory_space<vmem>>) target(%dma_start3A_198 : memref<10240x128xf32, #tpu.memory_space<vmem_shared>>) offsets(%arg12 : memref<64xi32, #tpu.memory_space<vmem>>) semaphore(%arg24 : memref<!tpu.dma_semaphore, #tpu.memory_space<semaphore_mem>>) {add = true}
      %dma_wait3A_199 = arith.constant 0 : i32
      %dma_wait3A_200 = arith.constant 0 : i32
      %dma_wait3A_201 = tpu.memref_slice %arg7[%dma_wait3A_199, %dma_wait3A_200] : memref<10240x128xf32, #tpu.memory_space<vmem_shared>> -> memref<10240x128xf32, #tpu.memory_space<vmem_shared>>
      tpu.wait_indirect_dma semaphore(%arg21 : memref<!tpu.dma_semaphore, #tpu.memory_space<semaphore_mem>>) src(%arg13 : memref<64x128xf32, #tpu.memory_space<vmem>>) dst(%dma_wait3A_201 : memref<10240x128xf32, #tpu.memory_space<vmem_shared>>)
      %add3A_202 = arith.constant 1 : i32
      %add3A_203 = arith.addi %scan3A_134, %add3A_202 : i32
      %mul3A_204 = arith.constant 4 : i32
      %mul3A_205 = arith.muli %add3A_203, %mul3A_204 : i32
      %add3A_206 = arith.constant 0 : i32
      %add3A_207 = arith.addi %mul3A_205, %add3A_206 : i32
      %mul3A_208 = arith.constant 64 : i32
      %mul3A_209 = arith.muli %add3A_207, %mul3A_208 : i32
      %multiple_of3A_210 = tpu.assume_multiple %mul3A_209, 64 : i32
      %dma_start3A_211 = tpu.memref_slice %arg8[%multiple_of3A_210] : memref<10240xi32, #tpu.memory_space<vmem>> -> memref<64xi32, #tpu.memory_space<vmem>>
      %dma_start3A_212 = arith.constant 0 : i32
      %dma_start3A_213 = arith.constant 0 : i32
      %dma_start3A_214 = tpu.memref_slice %arg2[%dma_start3A_212, %dma_start3A_213] : memref<10000x128xf32, #tpu.memory_space<hbm>> -> memref<10000x128xf32, #tpu.memory_space<hbm>>
      tpu.enqueue_indirect_dma source(%dma_start3A_214 : memref<10000x128xf32, #tpu.memory_space<hbm>>) target(%arg13 : memref<64x128xf32, #tpu.memory_space<vmem>>) offsets(%dma_start3A_211 : memref<64xi32, #tpu.memory_space<vmem>>) semaphore(%arg17 : memref<!tpu.dma_semaphore, #tpu.memory_space<semaphore_mem>>)
      %add3A_215 = arith.constant 1 : i32
      %add3A_216 = arith.addi %scan3A_134, %add3A_215 : i32
      %mul3A_217 = arith.constant 4 : i32
      %mul3A_218 = arith.muli %add3A_216, %mul3A_217 : i32
      %add3A_219 = arith.constant 0 : i32
      %add3A_220 = arith.addi %mul3A_218, %add3A_219 : i32
      %dma_start3A_221 = arith.constant 0 : i32
      %dma_start3A_222 = tpu.memref_slice %arg4[%add3A, %add3A_220, %dma_start3A_221] : memref<32x160x64xi32, #tpu.memory_space<hbm>> -> memref<1x1x64xi32, #tpu.memory_space<hbm>>
      %dma_start3A_223 = tpu.memref_squeeze %dma_start3A_222 : memref<1x1x64xi32, #tpu.memory_space<hbm>> -> memref<64xi32, #tpu.memory_space<hbm>>
      %dma_start3A_224 = arith.constant 0 : i32
      %dma_start3A_225 = tpu.memref_slice %arg4[%add3A, %add3A_220, %dma_start3A_224] : memref<32x160x64xi32, #tpu.memory_space<hbm>> -> memref<1x1x64xi32, #tpu.memory_space<hbm>>
      %dma_start3A_226 = tpu.memref_squeeze %dma_start3A_225 : memref<1x1x64xi32, #tpu.memory_space<hbm>> -> memref<64xi32, #tpu.memory_space<hbm>>
      tpu.enqueue_dma source(%dma_start3A_226 : memref<64xi32, #tpu.memory_space<hbm>>) target(%arg9 : memref<64xi32, #tpu.memory_space<vmem>>) target_semaphore(%arg25 : memref<!tpu.dma_semaphore, #tpu.memory_space<semaphore_mem>>)
      %dma_wait3A_227 = arith.constant 0 : i32
      %dma_wait3A_228 = arith.constant 0 : i32
      %dma_wait3A_229 = tpu.memref_slice %arg7[%dma_wait3A_227, %dma_wait3A_228] : memref<10240x128xf32, #tpu.memory_space<vmem_shared>> -> memref<10240x128xf32, #tpu.memory_space<vmem_shared>>
      tpu.wait_indirect_dma semaphore(%arg22 : memref<!tpu.dma_semaphore, #tpu.memory_space<semaphore_mem>>) src(%arg14 : memref<64x128xf32, #tpu.memory_space<vmem>>) dst(%dma_wait3A_229 : memref<10240x128xf32, #tpu.memory_space<vmem_shared>>)
      %add3A_230 = arith.constant 1 : i32
      %add3A_231 = arith.addi %scan3A_134, %add3A_230 : i32
      %mul3A_232 = arith.constant 4 : i32
      %mul3A_233 = arith.muli %add3A_231, %mul3A_232 : i32
      %add3A_234 = arith.constant 1 : i32
      %add3A_235 = arith.addi %mul3A_233, %add3A_234 : i32
      %mul3A_236 = arith.constant 64 : i32
      %mul3A_237 = arith.muli %add3A_235, %mul3A_236 : i32
      %multiple_of3A_238 = tpu.assume_multiple %mul3A_237, 64 : i32
      %dma_start3A_239 = tpu.memref_slice %arg8[%multiple_of3A_238] : memref<10240xi32, #tpu.memory_space<vmem>> -> memref<64xi32, #tpu.memory_space<vmem>>
      %dma_start3A_240 = arith.constant 0 : i32
      %dma_start3A_241 = arith.constant 0 : i32
      %dma_start3A_242 = tpu.memref_slice %arg2[%dma_start3A_240, %dma_start3A_241] : memref<10000x128xf32, #tpu.memory_space<hbm>> -> memref<10000x128xf32, #tpu.memory_space<hbm>>
      tpu.enqueue_indirect_dma source(%dma_start3A_242 : memref<10000x128xf32, #tpu.memory_space<hbm>>) target(%arg14 : memref<64x128xf32, #tpu.memory_space<vmem>>) offsets(%dma_start3A_239 : memref<64xi32, #tpu.memory_space<vmem>>) semaphore(%arg18 : memref<!tpu.dma_semaphore, #tpu.memory_space<semaphore_mem>>)
      %add3A_243 = arith.constant 1 : i32
      %add3A_244 = arith.addi %scan3A_134, %add3A_243 : i32
      %mul3A_245 = arith.constant 4 : i32
      %mul3A_246 = arith.muli %add3A_244, %mul3A_245 : i32
      %add3A_247 = arith.constant 1 : i32
      %add3A_248 = arith.addi %mul3A_246, %add3A_247 : i32
      %dma_start3A_249 = arith.constant 0 : i32
      %dma_start3A_250 = tpu.memref_slice %arg4[%add3A, %add3A_248, %dma_start3A_249] : memref<32x160x64xi32, #tpu.memory_space<hbm>> -> memref<1x1x64xi32, #tpu.memory_space<hbm>>
      %dma_start3A_251 = tpu.memref_squeeze %dma_start3A_250 : memref<1x1x64xi32, #tpu.memory_space<hbm>> -> memref<64xi32, #tpu.memory_space<hbm>>
      %dma_start3A_252 = arith.constant 0 : i32
      %dma_start3A_253 = tpu.memref_slice %arg4[%add3A, %add3A_248, %dma_start3A_252] : memref<32x160x64xi32, #tpu.memory_space<hbm>> -> memref<1x1x64xi32, #tpu.memory_space<hbm>>
      %dma_start3A_254 = tpu.memref_squeeze %dma_start3A_253 : memref<1x1x64xi32, #tpu.memory_space<hbm>> -> memref<64xi32, #tpu.memory_space<hbm>>
      tpu.enqueue_dma source(%dma_start3A_254 : memref<64xi32, #tpu.memory_space<hbm>>) target(%arg10 : memref<64xi32, #tpu.memory_space<vmem>>) target_semaphore(%arg26 : memref<!tpu.dma_semaphore, #tpu.memory_space<semaphore_mem>>)
      %dma_wait3A_255 = arith.constant 0 : i32
      %dma_wait3A_256 = arith.constant 0 : i32
      %dma_wait3A_257 = tpu.memref_slice %arg7[%dma_wait3A_255, %dma_wait3A_256] : memref<10240x128xf32, #tpu.memory_space<vmem_shared>> -> memref<10240x128xf32, #tpu.memory_space<vmem_shared>>
      tpu.wait_indirect_dma semaphore(%arg23 : memref<!tpu.dma_semaphore, #tpu.memory_space<semaphore_mem>>) src(%arg15 : memref<64x128xf32, #tpu.memory_space<vmem>>) dst(%dma_wait3A_257 : memref<10240x128xf32, #tpu.memory_space<vmem_shared>>)
      %add3A_258 = arith.constant 1 : i32
      %add3A_259 = arith.addi %scan3A_134, %add3A_258 : i32
      %mul3A_260 = arith.constant 4 : i32
      %mul3A_261 = arith.muli %add3A_259, %mul3A_260 : i32
      %add3A_262 = arith.constant 2 : i32
      %add3A_263 = arith.addi %mul3A_261, %add3A_262 : i32
      %mul3A_264 = arith.constant 64 : i32
      %mul3A_265 = arith.muli %add3A_263, %mul3A_264 : i32
      %multiple_of3A_266 = tpu.assume_multiple %mul3A_265, 64 : i32
      %dma_start3A_267 = tpu.memref_slice %arg8[%multiple_of3A_266] : memref<10240xi32, #tpu.memory_space<vmem>> -> memref<64xi32, #tpu.memory_space<vmem>>
      %dma_start3A_268 = arith.constant 0 : i32
      %dma_start3A_269 = arith.constant 0 : i32
      %dma_start3A_270 = tpu.memref_slice %arg2[%dma_start3A_268, %dma_start3A_269] : memref<10000x128xf32, #tpu.memory_space<hbm>> -> memref<10000x128xf32, #tpu.memory_space<hbm>>
      tpu.enqueue_indirect_dma source(%dma_start3A_270 : memref<10000x128xf32, #tpu.memory_space<hbm>>) target(%arg15 : memref<64x128xf32, #tpu.memory_space<vmem>>) offsets(%dma_start3A_267 : memref<64xi32, #tpu.memory_space<vmem>>) semaphore(%arg19 : memref<!tpu.dma_semaphore, #tpu.memory_space<semaphore_mem>>)
      %add3A_271 = arith.constant 1 : i32
      %add3A_272 = arith.addi %scan3A_134, %add3A_271 : i32
      %mul3A_273 = arith.constant 4 : i32
      %mul3A_274 = arith.muli %add3A_272, %mul3A_273 : i32
      %add3A_275 = arith.constant 2 : i32
      %add3A_276 = arith.addi %mul3A_274, %add3A_275 : i32
      %dma_start3A_277 = arith.constant 0 : i32
      %dma_start3A_278 = tpu.memref_slice %arg4[%add3A, %add3A_276, %dma_start3A_277] : memref<32x160x64xi32, #tpu.memory_space<hbm>> -> memref<1x1x64xi32, #tpu.memory_space<hbm>>
      %dma_start3A_279 = tpu.memref_squeeze %dma_start3A_278 : memref<1x1x64xi32, #tpu.memory_space<hbm>> -> memref<64xi32, #tpu.memory_space<hbm>>
      %dma_start3A_280 = arith.constant 0 : i32
      %dma_start3A_281 = tpu.memref_slice %arg4[%add3A, %add3A_276, %dma_start3A_280] : memref<32x160x64xi32, #tpu.memory_space<hbm>> -> memref<1x1x64xi32, #tpu.memory_space<hbm>>
      %dma_start3A_282 = tpu.memref_squeeze %dma_start3A_281 : memref<1x1x64xi32, #tpu.memory_space<hbm>> -> memref<64xi32, #tpu.memory_space<hbm>>
      tpu.enqueue_dma source(%dma_start3A_282 : memref<64xi32, #tpu.memory_space<hbm>>) target(%arg11 : memref<64xi32, #tpu.memory_space<vmem>>) target_semaphore(%arg27 : memref<!tpu.dma_semaphore, #tpu.memory_space<semaphore_mem>>)
      %dma_wait3A_283 = arith.constant 0 : i32
      %dma_wait3A_284 = arith.constant 0 : i32
      %dma_wait3A_285 = tpu.memref_slice %arg7[%dma_wait3A_283, %dma_wait3A_284] : memref<10240x128xf32, #tpu.memory_space<vmem_shared>> -> memref<10240x128xf32, #tpu.memory_space<vmem_shared>>
      tpu.wait_indirect_dma semaphore(%arg24 : memref<!tpu.dma_semaphore, #tpu.memory_space<semaphore_mem>>) src(%arg16 : memref<64x128xf32, #tpu.memory_space<vmem>>) dst(%dma_wait3A_285 : memref<10240x128xf32, #tpu.memory_space<vmem_shared>>)
      %add3A_286 = arith.constant 1 : i32
      %add3A_287 = arith.addi %scan3A_134, %add3A_286 : i32
      %mul3A_288 = arith.constant 4 : i32
      %mul3A_289 = arith.muli %add3A_287, %mul3A_288 : i32
      %add3A_290 = arith.constant 3 : i32
      %add3A_291 = arith.addi %mul3A_289, %add3A_290 : i32
      %mul3A_292 = arith.constant 64 : i32
      %mul3A_293 = arith.muli %add3A_291, %mul3A_292 : i32
      %multiple_of3A_294 = tpu.assume_multiple %mul3A_293, 64 : i32
      %dma_start3A_295 = tpu.memref_slice %arg8[%multiple_of3A_294] : memref<10240xi32, #tpu.memory_space<vmem>> -> memref<64xi32, #tpu.memory_space<vmem>>
      %dma_start3A_296 = arith.constant 0 : i32
      %dma_start3A_297 = arith.constant 0 : i32
      %dma_start3A_298 = tpu.memref_slice %arg2[%dma_start3A_296, %dma_start3A_297] : memref<10000x128xf32, #tpu.memory_space<hbm>> -> memref<10000x128xf32, #tpu.memory_space<hbm>>
      tpu.enqueue_indirect_dma source(%dma_start3A_298 : memref<10000x128xf32, #tpu.memory_space<hbm>>) target(%arg16 : memref<64x128xf32, #tpu.memory_space<vmem>>) offsets(%dma_start3A_295 : memref<64xi32, #tpu.memory_space<vmem>>) semaphore(%arg20 : memref<!tpu.dma_semaphore, #tpu.memory_space<semaphore_mem>>)
      %add3A_299 = arith.constant 1 : i32
      %add3A_300 = arith.addi %scan3A_134, %add3A_299 : i32
      %mul3A_301 = arith.constant 4 : i32
      %mul3A_302 = arith.muli %add3A_300, %mul3A_301 : i32
      %add3A_303 = arith.constant 3 : i32
      %add3A_304 = arith.addi %mul3A_302, %add3A_303 : i32
      %dma_start3A_305 = arith.constant 0 : i32
      %dma_start3A_306 = tpu.memref_slice %arg4[%add3A, %add3A_304, %dma_start3A_305] : memref<32x160x64xi32, #tpu.memory_space<hbm>> -> memref<1x1x64xi32, #tpu.memory_space<hbm>>
      %dma_start3A_307 = tpu.memref_squeeze %dma_start3A_306 : memref<1x1x64xi32, #tpu.memory_space<hbm>> -> memref<64xi32, #tpu.memory_space<hbm>>
      %dma_start3A_308 = arith.constant 0 : i32
      %dma_start3A_309 = tpu.memref_slice %arg4[%add3A, %add3A_304, %dma_start3A_308] : memref<32x160x64xi32, #tpu.memory_space<hbm>> -> memref<1x1x64xi32, #tpu.memory_space<hbm>>
      %dma_start3A_310 = tpu.memref_squeeze %dma_start3A_309 : memref<1x1x64xi32, #tpu.memory_space<hbm>> -> memref<64xi32, #tpu.memory_space<hbm>>
      tpu.enqueue_dma source(%dma_start3A_310 : memref<64xi32, #tpu.memory_space<hbm>>) target(%arg12 : memref<64xi32, #tpu.memory_space<vmem>>) target_semaphore(%arg28 : memref<!tpu.dma_semaphore, #tpu.memory_space<semaphore_mem>>)
    }
    %scan3A_57 = arith.constant 39 : i32
    %dma_wait3A = arith.constant 0 : i32
    %dma_wait3A_58 = tpu.memref_slice %arg8[%dma_wait3A] : memref<10240xi32, #tpu.memory_space<vmem>> -> memref<64xi32, #tpu.memory_space<vmem>>
    %dma_wait3A_59 = arith.constant 0 : i32
    %dma_wait3A_60 = arith.constant 0 : i32
    %dma_wait3A_61 = tpu.memref_slice %arg2[%dma_wait3A_59, %dma_wait3A_60] : memref<10000x128xf32, #tpu.memory_space<hbm>> -> memref<10000x128xf32, #tpu.memory_space<hbm>>
    tpu.wait_indirect_dma semaphore(%arg17 : memref<!tpu.dma_semaphore, #tpu.memory_space<semaphore_mem>>) src(%dma_wait3A_61 : memref<10000x128xf32, #tpu.memory_space<hbm>>) dst(%arg13 : memref<64x128xf32, #tpu.memory_space<vmem>>)
    %dma_wait3A_62 = arith.constant 0 : i32
    %dma_wait3A_63 = arith.constant 0 : i32
    %dma_wait3A_64 = arith.constant 0 : i32
    %dma_wait3A_65 = tpu.memref_slice %arg4[%dma_wait3A_62, %dma_wait3A_63, %dma_wait3A_64] : memref<32x160x64xi32, #tpu.memory_space<hbm>> -> memref<1x1x64xi32, #tpu.memory_space<hbm>>
    %dma_wait3A_66 = tpu.memref_squeeze %dma_wait3A_65 : memref<1x1x64xi32, #tpu.memory_space<hbm>> -> memref<64xi32, #tpu.memory_space<hbm>>
    %dma_wait3A_67 = arith.constant 0 : i32
    %dma_wait3A_68 = tpu.memref_slice %arg4[%dma_wait3A_62, %dma_wait3A_63, %dma_wait3A_67] : memref<32x160x64xi32, #tpu.memory_space<hbm>> -> memref<1x1x64xi32, #tpu.memory_space<hbm>>
    %dma_wait3A_69 = tpu.memref_squeeze %dma_wait3A_68 : memref<1x1x64xi32, #tpu.memory_space<hbm>> -> memref<64xi32, #tpu.memory_space<hbm>>
    tpu.wait_dma2 semaphore(%arg25 : memref<!tpu.dma_semaphore, #tpu.memory_space<semaphore_mem>>) src(%dma_wait3A_69 : memref<64xi32, #tpu.memory_space<hbm>>) dst(%arg9 : memref<64xi32, #tpu.memory_space<vmem>>)
    %dma_start3A_70 = arith.constant 0 : i32
    %dma_start3A_71 = arith.constant 0 : i32
    %dma_start3A_72 = tpu.memref_slice %arg7[%dma_start3A_70, %dma_start3A_71] : memref<10240x128xf32, #tpu.memory_space<vmem_shared>> -> memref<10240x128xf32, #tpu.memory_space<vmem_shared>>
    tpu.enqueue_indirect_dma source(%arg13 : memref<64x128xf32, #tpu.memory_space<vmem>>) target(%dma_start3A_72 : memref<10240x128xf32, #tpu.memory_space<vmem_shared>>) offsets(%arg9 : memref<64xi32, #tpu.memory_space<vmem>>) semaphore(%arg21 : memref<!tpu.dma_semaphore, #tpu.memory_space<semaphore_mem>>) {add = true}
    %dma_wait3A_73 = arith.constant 0 : i32
    %dma_wait3A_74 = tpu.memref_slice %arg8[%dma_wait3A_73] : memref<10240xi32, #tpu.memory_space<vmem>> -> memref<64xi32, #tpu.memory_space<vmem>>
    %dma_wait3A_75 = arith.constant 0 : i32
    %dma_wait3A_76 = arith.constant 0 : i32
    %dma_wait3A_77 = tpu.memref_slice %arg2[%dma_wait3A_75, %dma_wait3A_76] : memref<10000x128xf32, #tpu.memory_space<hbm>> -> memref<10000x128xf32, #tpu.memory_space<hbm>>
    tpu.wait_indirect_dma semaphore(%arg18 : memref<!tpu.dma_semaphore, #tpu.memory_space<semaphore_mem>>) src(%dma_wait3A_77 : memref<10000x128xf32, #tpu.memory_space<hbm>>) dst(%arg14 : memref<64x128xf32, #tpu.memory_space<vmem>>)
    %dma_wait3A_78 = arith.constant 0 : i32
    %dma_wait3A_79 = arith.constant 0 : i32
    %dma_wait3A_80 = arith.constant 0 : i32
    %dma_wait3A_81 = tpu.memref_slice %arg4[%dma_wait3A_78, %dma_wait3A_79, %dma_wait3A_80] : memref<32x160x64xi32, #tpu.memory_space<hbm>> -> memref<1x1x64xi32, #tpu.memory_space<hbm>>
    %dma_wait3A_82 = tpu.memref_squeeze %dma_wait3A_81 : memref<1x1x64xi32, #tpu.memory_space<hbm>> -> memref<64xi32, #tpu.memory_space<hbm>>
    %dma_wait3A_83 = arith.constant 0 : i32
    %dma_wait3A_84 = tpu.memref_slice %arg4[%dma_wait3A_78, %dma_wait3A_79, %dma_wait3A_83] : memref<32x160x64xi32, #tpu.memory_space<hbm>> -> memref<1x1x64xi32, #tpu.memory_space<hbm>>
    %dma_wait3A_85 = tpu.memref_squeeze %dma_wait3A_84 : memref<1x1x64xi32, #tpu.memory_space<hbm>> -> memref<64xi32, #tpu.memory_space<hbm>>
    tpu.wait_dma2 semaphore(%arg26 : memref<!tpu.dma_semaphore, #tpu.memory_space<semaphore_mem>>) src(%dma_wait3A_85 : memref<64xi32, #tpu.memory_space<hbm>>) dst(%arg10 : memref<64xi32, #tpu.memory_space<vmem>>)
    %dma_start3A_86 = arith.constant 0 : i32
    %dma_start3A_87 = arith.constant 0 : i32
    %dma_start3A_88 = tpu.memref_slice %arg7[%dma_start3A_86, %dma_start3A_87] : memref<10240x128xf32, #tpu.memory_space<vmem_shared>> -> memref<10240x128xf32, #tpu.memory_space<vmem_shared>>
    tpu.enqueue_indirect_dma source(%arg14 : memref<64x128xf32, #tpu.memory_space<vmem>>) target(%dma_start3A_88 : memref<10240x128xf32, #tpu.memory_space<vmem_shared>>) offsets(%arg10 : memref<64xi32, #tpu.memory_space<vmem>>) semaphore(%arg22 : memref<!tpu.dma_semaphore, #tpu.memory_space<semaphore_mem>>) {add = true}
    %dma_wait3A_89 = arith.constant 0 : i32
    %dma_wait3A_90 = tpu.memref_slice %arg8[%dma_wait3A_89] : memref<10240xi32, #tpu.memory_space<vmem>> -> memref<64xi32, #tpu.memory_space<vmem>>
    %dma_wait3A_91 = arith.constant 0 : i32
    %dma_wait3A_92 = arith.constant 0 : i32
    %dma_wait3A_93 = tpu.memref_slice %arg2[%dma_wait3A_91, %dma_wait3A_92] : memref<10000x128xf32, #tpu.memory_space<hbm>> -> memref<10000x128xf32, #tpu.memory_space<hbm>>
    tpu.wait_indirect_dma semaphore(%arg19 : memref<!tpu.dma_semaphore, #tpu.memory_space<semaphore_mem>>) src(%dma_wait3A_93 : memref<10000x128xf32, #tpu.memory_space<hbm>>) dst(%arg15 : memref<64x128xf32, #tpu.memory_space<vmem>>)
    %dma_wait3A_94 = arith.constant 0 : i32
    %dma_wait3A_95 = arith.constant 0 : i32
    %dma_wait3A_96 = arith.constant 0 : i32
    %dma_wait3A_97 = tpu.memref_slice %arg4[%dma_wait3A_94, %dma_wait3A_95, %dma_wait3A_96] : memref<32x160x64xi32, #tpu.memory_space<hbm>> -> memref<1x1x64xi32, #tpu.memory_space<hbm>>
    %dma_wait3A_98 = tpu.memref_squeeze %dma_wait3A_97 : memref<1x1x64xi32, #tpu.memory_space<hbm>> -> memref<64xi32, #tpu.memory_space<hbm>>
    %dma_wait3A_99 = arith.constant 0 : i32
    %dma_wait3A_100 = tpu.memref_slice %arg4[%dma_wait3A_94, %dma_wait3A_95, %dma_wait3A_99] : memref<32x160x64xi32, #tpu.memory_space<hbm>> -> memref<1x1x64xi32, #tpu.memory_space<hbm>>
    %dma_wait3A_101 = tpu.memref_squeeze %dma_wait3A_100 : memref<1x1x64xi32, #tpu.memory_space<hbm>> -> memref<64xi32, #tpu.memory_space<hbm>>
    tpu.wait_dma2 semaphore(%arg27 : memref<!tpu.dma_semaphore, #tpu.memory_space<semaphore_mem>>) src(%dma_wait3A_101 : memref<64xi32, #tpu.memory_space<hbm>>) dst(%arg11 : memref<64xi32, #tpu.memory_space<vmem>>)
    %dma_start3A_102 = arith.constant 0 : i32
    %dma_start3A_103 = arith.constant 0 : i32
    %dma_start3A_104 = tpu.memref_slice %arg7[%dma_start3A_102, %dma_start3A_103] : memref<10240x128xf32, #tpu.memory_space<vmem_shared>> -> memref<10240x128xf32, #tpu.memory_space<vmem_shared>>
    tpu.enqueue_indirect_dma source(%arg15 : memref<64x128xf32, #tpu.memory_space<vmem>>) target(%dma_start3A_104 : memref<10240x128xf32, #tpu.memory_space<vmem_shared>>) offsets(%arg11 : memref<64xi32, #tpu.memory_space<vmem>>) semaphore(%arg23 : memref<!tpu.dma_semaphore, #tpu.memory_space<semaphore_mem>>) {add = true}
    %dma_wait3A_105 = arith.constant 0 : i32
    %dma_wait3A_106 = tpu.memref_slice %arg8[%dma_wait3A_105] : memref<10240xi32, #tpu.memory_space<vmem>> -> memref<64xi32, #tpu.memory_space<vmem>>
    %dma_wait3A_107 = arith.constant 0 : i32
    %dma_wait3A_108 = arith.constant 0 : i32
    %dma_wait3A_109 = tpu.memref_slice %arg2[%dma_wait3A_107, %dma_wait3A_108] : memref<10000x128xf32, #tpu.memory_space<hbm>> -> memref<10000x128xf32, #tpu.memory_space<hbm>>
    tpu.wait_indirect_dma semaphore(%arg20 : memref<!tpu.dma_semaphore, #tpu.memory_space<semaphore_mem>>) src(%dma_wait3A_109 : memref<10000x128xf32, #tpu.memory_space<hbm>>) dst(%arg16 : memref<64x128xf32, #tpu.memory_space<vmem>>)
    %dma_wait3A_110 = arith.constant 0 : i32
    %dma_wait3A_111 = arith.constant 0 : i32
    %dma_wait3A_112 = arith.constant 0 : i32
    %dma_wait3A_113 = tpu.memref_slice %arg4[%dma_wait3A_110, %dma_wait3A_111, %dma_wait3A_112] : memref<32x160x64xi32, #tpu.memory_space<hbm>> -> memref<1x1x64xi32, #tpu.memory_space<hbm>>
    %dma_wait3A_114 = tpu.memref_squeeze %dma_wait3A_113 : memref<1x1x64xi32, #tpu.memory_space<hbm>> -> memref<64xi32, #tpu.memory_space<hbm>>
    %dma_wait3A_115 = arith.constant 0 : i32
    %dma_wait3A_116 = tpu.memref_slice %arg4[%dma_wait3A_110, %dma_wait3A_111, %dma_wait3A_115] : memref<32x160x64xi32, #tpu.memory_space<hbm>> -> memref<1x1x64xi32, #tpu.memory_space<hbm>>
    %dma_wait3A_117 = tpu.memref_squeeze %dma_wait3A_116 : memref<1x1x64xi32, #tpu.memory_space<hbm>> -> memref<64xi32, #tpu.memory_space<hbm>>
    tpu.wait_dma2 semaphore(%arg28 : memref<!tpu.dma_semaphore, #tpu.memory_space<semaphore_mem>>) src(%dma_wait3A_117 : memref<64xi32, #tpu.memory_space<hbm>>) dst(%arg12 : memref<64xi32, #tpu.memory_space<vmem>>)
    %dma_start3A_118 = arith.constant 0 : i32
    %dma_start3A_119 = arith.constant 0 : i32
    %dma_start3A_120 = tpu.memref_slice %arg7[%dma_start3A_118, %dma_start3A_119] : memref<10240x128xf32, #tpu.memory_space<vmem_shared>> -> memref<10240x128xf32, #tpu.memory_space<vmem_shared>>
    tpu.enqueue_indirect_dma source(%arg16 : memref<64x128xf32, #tpu.memory_space<vmem>>) target(%dma_start3A_120 : memref<10240x128xf32, #tpu.memory_space<vmem_shared>>) offsets(%arg12 : memref<64xi32, #tpu.memory_space<vmem>>) semaphore(%arg24 : memref<!tpu.dma_semaphore, #tpu.memory_space<semaphore_mem>>) {add = true}
    %dma_wait3A_121 = arith.constant 0 : i32
    %dma_wait3A_122 = arith.constant 0 : i32
    %dma_wait3A_123 = tpu.memref_slice %arg7[%dma_wait3A_121, %dma_wait3A_122] : memref<10240x128xf32, #tpu.memory_space<vmem_shared>> -> memref<10240x128xf32, #tpu.memory_space<vmem_shared>>
    tpu.wait_indirect_dma semaphore(%arg21 : memref<!tpu.dma_semaphore, #tpu.memory_space<semaphore_mem>>) src(%arg13 : memref<64x128xf32, #tpu.memory_space<vmem>>) dst(%dma_wait3A_123 : memref<10240x128xf32, #tpu.memory_space<vmem_shared>>)
    %dma_wait3A_124 = arith.constant 0 : i32
    %dma_wait3A_125 = arith.constant 0 : i32
    %dma_wait3A_126 = tpu.memref_slice %arg7[%dma_wait3A_124, %dma_wait3A_125] : memref<10240x128xf32, #tpu.memory_space<vmem_shared>> -> memref<10240x128xf32, #tpu.memory_space<vmem_shared>>
    tpu.wait_indirect_dma semaphore(%arg22 : memref<!tpu.dma_semaphore, #tpu.memory_space<semaphore_mem>>) src(%arg14 : memref<64x128xf32, #tpu.memory_space<vmem>>) dst(%dma_wait3A_126 : memref<10240x128xf32, #tpu.memory_space<vmem_shared>>)
    %dma_wait3A_127 = arith.constant 0 : i32
    %dma_wait3A_128 = arith.constant 0 : i32
    %dma_wait3A_129 = tpu.memref_slice %arg7[%dma_wait3A_127, %dma_wait3A_128] : memref<10240x128xf32, #tpu.memory_space<vmem_shared>> -> memref<10240x128xf32, #tpu.memory_space<vmem_shared>>
    tpu.wait_indirect_dma semaphore(%arg23 : memref<!tpu.dma_semaphore, #tpu.memory_space<semaphore_mem>>) src(%arg15 : memref<64x128xf32, #tpu.memory_space<vmem>>) dst(%dma_wait3A_129 : memref<10240x128xf32, #tpu.memory_space<vmem_shared>>)
    %dma_wait3A_130 = arith.constant 0 : i32
    %dma_wait3A_131 = arith.constant 0 : i32
    %dma_wait3A_132 = tpu.memref_slice %arg7[%dma_wait3A_130, %dma_wait3A_131] : memref<10240x128xf32, #tpu.memory_space<vmem_shared>> -> memref<10240x128xf32, #tpu.memory_space<vmem_shared>>
    tpu.wait_indirect_dma semaphore(%arg24 : memref<!tpu.dma_semaphore, #tpu.memory_space<semaphore_mem>>) src(%arg16 : memref<64x128xf32, #tpu.memory_space<vmem>>) dst(%dma_wait3A_132 : memref<10240x128xf32, #tpu.memory_space<vmem_shared>>)
    %barrier3A_133 = arith.constant 0 : index
    tpu.barrier barrier_id(%barrier3A_133)
    "tpu.region"() ({
      %run_scoped3A = tpu.sem_alloc : memref<!tpu.dma_semaphore, #tpu.memory_space<semaphore_mem>>
      %dma_start3A_134 = arith.constant 0 : i32
      %dma_start3A_135 = tpu.memref_slice %arg6[%arg0, %mul3A_2, %dma_start3A_134] : memref<2x10240x128xf32, #tpu.memory_space<hbm>> -> memref<1x640x128xf32, #tpu.memory_space<hbm>>
      %dma_start3A_136 = tpu.memref_squeeze %dma_start3A_135 : memref<1x640x128xf32, #tpu.memory_space<hbm>> -> memref<640x128xf32, #tpu.memory_space<hbm>>
      %dma_start3A_137 = arith.constant 0 : i32
      %dma_start3A_138 = tpu.memref_slice %arg7[%mul3A_2, %dma_start3A_137] : memref<10240x128xf32, #tpu.memory_space<vmem_shared>> -> memref<640x128xf32, #tpu.memory_space<vmem_shared>>
      tpu.enqueue_dma source(%dma_start3A_138 : memref<640x128xf32, #tpu.memory_space<vmem_shared>>) target(%dma_start3A_136 : memref<640x128xf32, #tpu.memory_space<hbm>>) target_semaphore(%run_scoped3A : memref<!tpu.dma_semaphore, #tpu.memory_space<semaphore_mem>>)
      %dma_wait3A_139 = arith.constant 0 : i32
      %dma_wait3A_140 = tpu.memref_slice %arg6[%arg0, %mul3A_2, %dma_wait3A_139] : memref<2x10240x128xf32, #tpu.memory_space<hbm>> -> memref<1x640x128xf32, #tpu.memory_space<hbm>>
      %dma_wait3A_141 = tpu.memref_squeeze %dma_wait3A_140 : memref<1x640x128xf32, #tpu.memory_space<hbm>> -> memref<640x128xf32, #tpu.memory_space<hbm>>
      %dma_wait3A_142 = arith.constant 0 : i32
      %dma_wait3A_143 = tpu.memref_slice %arg7[%mul3A_2, %dma_wait3A_142] : memref<10240x128xf32, #tpu.memory_space<vmem_shared>> -> memref<640x128xf32, #tpu.memory_space<vmem_shared>>
      tpu.wait_dma2 semaphore(%run_scoped3A : memref<!tpu.dma_semaphore, #tpu.memory_space<semaphore_mem>>) src(%dma_wait3A_143 : memref<640x128xf32, #tpu.memory_space<vmem_shared>>) dst(%dma_wait3A_141 : memref<640x128xf32, #tpu.memory_space<hbm>>)
      tpu.yield
    }) : () -> ()
    return
  }
}

#map = affine_map<(d0, d1) -> (0, 0)>
#map1 = affine_map<(d0, d1) -> (0, 0, 0)>
module attributes {stable_mosaic.version = 14 : i64} {
  func.func @_seg_sum_body(%arg0: i32, %arg1: i32, %arg2: memref<10000x128xf32, #tpu.memory_space<hbm>>, %arg3: memref<32x10240xi32, #tpu.memory_space<hbm>>, %arg4: memref<32x160x64xi32, #tpu.memory_space<hbm>>, %arg5: memref<10240x128xf32, #tpu.memory_space<hbm>>, %arg6: memref<2x10240x128xf32, #tpu.memory_space<hbm>>, %arg7: memref<10240x128xf32, #tpu.memory_space<vmem_shared>>, %arg8: memref<10240xi32, #tpu.memory_space<vmem>>, %arg9: memref<64xi32, #tpu.memory_space<vmem>>, %arg10: memref<64xi32, #tpu.memory_space<vmem>>, %arg11: memref<64xi32, #tpu.memory_space<vmem>>, %arg12: memref<64xi32, #tpu.memory_space<vmem>>, %arg13: memref<64x128xf32, #tpu.memory_space<vmem>>, %arg14: memref<64x128xf32, #tpu.memory_space<vmem>>, %arg15: memref<64x128xf32, #tpu.memory_space<vmem>>, %arg16: memref<64x128xf32, #tpu.memory_space<vmem>>, %arg17: memref<!tpu.dma_semaphore, #tpu.memory_space<semaphore_mem>>, %arg18: memref<!tpu.dma_semaphore, #tpu.memory_space<semaphore_mem>>, %arg19: memref<!tpu.dma_semaphore, #tpu.memory_space<semaphore_mem>>, %arg20: memref<!tpu.dma_semaphore, #tpu.memory_space<semaphore_mem>>, %arg21: memref<!tpu.dma_semaphore, #tpu.memory_space<semaphore_mem>>, %arg22: memref<!tpu.dma_semaphore, #tpu.memory_space<semaphore_mem>>, %arg23: memref<!tpu.dma_semaphore, #tpu.memory_space<semaphore_mem>>, %arg24: memref<!tpu.dma_semaphore, #tpu.memory_space<semaphore_mem>>, %arg25: memref<!tpu.dma_semaphore, #tpu.memory_space<semaphore_mem>>, %arg26: memref<!tpu.dma_semaphore, #tpu.memory_space<semaphore_mem>>, %arg27: memref<!tpu.dma_semaphore, #tpu.memory_space<semaphore_mem>>, %arg28: memref<!tpu.dma_semaphore, #tpu.memory_space<semaphore_mem>>) attributes {dimension_semantics = [#tpu.dimension_semantics<core_parallel>, #tpu.dimension_semantics<subcore_parallel>], iteration_bounds = array<i64: 2, 16>, scalar_prefetch = 0 : i64, scratch_operands = 22 : i64, tpu.core_type = #tpu.core_type<sc_vector_subcore>, window_params = [{transform_indices = #map}, {transform_indices = #map}, {transform_indices = #map1}, {transform_indices = #map}, {transform_indices = #map1}]} {
    %mul3A = arith.constant 2 : i32
    %mul3A_0 = arith.muli %arg1, %mul3A : i32
    %add3A = arith.addi %mul3A_0, %arg0 : i32
    %mul3A_1 = arith.constant 640 : i32
    %mul3A_2 = arith.muli %arg1, %mul3A_1 : i32
    "tpu.region"() ({
      %run_scoped3A = tpu.sem_alloc : memref<!tpu.dma_semaphore, #tpu.memory_space<semaphore_mem>>
      %dma_start3A_134 = arith.constant 0 : i32
      %dma_start3A_135 = tpu.memref_slice %arg7[%mul3A_2, %dma_start3A_134] : memref<10240x128xf32, #tpu.memory_space<vmem_shared>> -> memref<640x128xf32, #tpu.memory_space<vmem_shared>>
      %dma_start3A_136 = arith.constant 0 : i32
      %dma_start3A_137 = tpu.memref_slice %arg5[%mul3A_2, %dma_start3A_136] : memref<10240x128xf32, #tpu.memory_space<hbm>> -> memref<640x128xf32, #tpu.memory_space<hbm>>
      tpu.enqueue_dma source(%dma_start3A_137 : memref<640x128xf32, #tpu.memory_space<hbm>>) target(%dma_start3A_135 : memref<640x128xf32, #tpu.memory_space<vmem_shared>>) target_semaphore(%run_scoped3A : memref<!tpu.dma_semaphore, #tpu.memory_space<semaphore_mem>>)
      %dma_wait3A_138 = arith.constant 0 : i32
      %dma_wait3A_139 = tpu.memref_slice %arg7[%mul3A_2, %dma_wait3A_138] : memref<10240x128xf32, #tpu.memory_space<vmem_shared>> -> memref<640x128xf32, #tpu.memory_space<vmem_shared>>
      %dma_wait3A_140 = arith.constant 0 : i32
      %dma_wait3A_141 = tpu.memref_slice %arg5[%mul3A_2, %dma_wait3A_140] : memref<10240x128xf32, #tpu.memory_space<hbm>> -> memref<640x128xf32, #tpu.memory_space<hbm>>
      tpu.wait_dma2 semaphore(%run_scoped3A : memref<!tpu.dma_semaphore, #tpu.memory_space<semaphore_mem>>) src(%dma_wait3A_141 : memref<640x128xf32, #tpu.memory_space<hbm>>) dst(%dma_wait3A_139 : memref<640x128xf32, #tpu.memory_space<vmem_shared>>)
      tpu.yield
    }) : () -> ()
    "tpu.region"() ({
      %run_scoped3A = tpu.sem_alloc : memref<!tpu.dma_semaphore, #tpu.memory_space<semaphore_mem>>
      %dma_start3A_134 = arith.constant 0 : i32
      %dma_start3A_135 = tpu.memref_slice %arg3[%add3A, %dma_start3A_134] : memref<32x10240xi32, #tpu.memory_space<hbm>> -> memref<1x10240xi32, #tpu.memory_space<hbm>>
      %dma_start3A_136 = tpu.memref_squeeze %dma_start3A_135 : memref<1x10240xi32, #tpu.memory_space<hbm>> -> memref<10240xi32, #tpu.memory_space<hbm>>
      %dma_start3A_137 = arith.constant 0 : i32
      %dma_start3A_138 = tpu.memref_slice %arg3[%add3A, %dma_start3A_137] : memref<32x10240xi32, #tpu.memory_space<hbm>> -> memref<1x10240xi32, #tpu.memory_space<hbm>>
      %dma_start3A_139 = tpu.memref_squeeze %dma_start3A_138 : memref<1x10240xi32, #tpu.memory_space<hbm>> -> memref<10240xi32, #tpu.memory_space<hbm>>
      tpu.enqueue_dma source(%dma_start3A_139 : memref<10240xi32, #tpu.memory_space<hbm>>) target(%arg8 : memref<10240xi32, #tpu.memory_space<vmem>>) target_semaphore(%run_scoped3A : memref<!tpu.dma_semaphore, #tpu.memory_space<semaphore_mem>>)
      %dma_wait3A_140 = arith.constant 0 : i32
      %dma_wait3A_141 = tpu.memref_slice %arg3[%add3A, %dma_wait3A_140] : memref<32x10240xi32, #tpu.memory_space<hbm>> -> memref<1x10240xi32, #tpu.memory_space<hbm>>
      %dma_wait3A_142 = tpu.memref_squeeze %dma_wait3A_141 : memref<1x10240xi32, #tpu.memory_space<hbm>> -> memref<10240xi32, #tpu.memory_space<hbm>>
      %dma_wait3A_143 = arith.constant 0 : i32
      %dma_wait3A_144 = tpu.memref_slice %arg3[%add3A, %dma_wait3A_143] : memref<32x10240xi32, #tpu.memory_space<hbm>> -> memref<1x10240xi32, #tpu.memory_space<hbm>>
      %dma_wait3A_145 = tpu.memref_squeeze %dma_wait3A_144 : memref<1x10240xi32, #tpu.memory_space<hbm>> -> memref<10240xi32, #tpu.memory_space<hbm>>
      tpu.wait_dma2 semaphore(%run_scoped3A : memref<!tpu.dma_semaphore, #tpu.memory_space<semaphore_mem>>) src(%dma_wait3A_145 : memref<10240xi32, #tpu.memory_space<hbm>>) dst(%arg8 : memref<10240xi32, #tpu.memory_space<vmem>>)
      tpu.yield
    }) : () -> ()
    %barrier3A = arith.constant 0 : index
    tpu.barrier barrier_id(%barrier3A)
    %multiple_of3A = arith.constant 0 : i32
    %multiple_of3A_3 = tpu.assume_multiple %multiple_of3A, 64 : i32
    %dma_start3A = tpu.memref_slice %arg8[%multiple_of3A_3] : memref<10240xi32, #tpu.memory_space<vmem>> -> memref<64xi32, #tpu.memory_space<vmem>>
    %dma_start3A_4 = arith.constant 0 : i32
    %dma_start3A_5 = arith.constant 0 : i32
    %dma_start3A_6 = tpu.memref_slice %arg2[%dma_start3A_4, %dma_start3A_5] : memref<10000x128xf32, #tpu.memory_space<hbm>> -> memref<10000x128xf32, #tpu.memory_space<hbm>>
    tpu.enqueue_indirect_dma source(%dma_start3A_6 : memref<10000x128xf32, #tpu.memory_space<hbm>>) target(%arg13 : memref<64x128xf32, #tpu.memory_space<vmem>>) offsets(%dma_start3A : memref<64xi32, #tpu.memory_space<vmem>>) semaphore(%arg17 : memref<!tpu.dma_semaphore, #tpu.memory_space<semaphore_mem>>)
    %dma_start3A_7 = arith.constant 0 : i32
    %dma_start3A_8 = arith.constant 0 : i32
    %dma_start3A_9 = tpu.memref_slice %arg4[%add3A, %dma_start3A_7, %dma_start3A_8] : memref<32x160x64xi32, #tpu.memory_space<hbm>> -> memref<1x1x64xi32, #tpu.memory_space<hbm>>
    %dma_start3A_10 = tpu.memref_squeeze %dma_start3A_9 : memref<1x1x64xi32, #tpu.memory_space<hbm>> -> memref<64xi32, #tpu.memory_space<hbm>>
    %dma_start3A_11 = arith.constant 0 : i32
    %dma_start3A_12 = tpu.memref_slice %arg4[%add3A, %dma_start3A_7, %dma_start3A_11] : memref<32x160x64xi32, #tpu.memory_space<hbm>> -> memref<1x1x64xi32, #tpu.memory_space<hbm>>
    %dma_start3A_13 = tpu.memref_squeeze %dma_start3A_12 : memref<1x1x64xi32, #tpu.memory_space<hbm>> -> memref<64xi32, #tpu.memory_space<hbm>>
    tpu.enqueue_dma source(%dma_start3A_13 : memref<64xi32, #tpu.memory_space<hbm>>) target(%arg9 : memref<64xi32, #tpu.memory_space<vmem>>) target_semaphore(%arg25 : memref<!tpu.dma_semaphore, #tpu.memory_space<semaphore_mem>>)
    %multiple_of3A_14 = arith.constant 64 : i32
    %multiple_of3A_15 = tpu.assume_multiple %multiple_of3A_14, 64 : i32
    %dma_start3A_16 = tpu.memref_slice %arg8[%multiple_of3A_15] : memref<10240xi32, #tpu.memory_space<vmem>> -> memref<64xi32, #tpu.memory_space<vmem>>
    %dma_start3A_17 = arith.constant 0 : i32
    %dma_start3A_18 = arith.constant 0 : i32
    %dma_start3A_19 = tpu.memref_slice %arg2[%dma_start3A_17, %dma_start3A_18] : memref<10000x128xf32, #tpu.memory_space<hbm>> -> memref<10000x128xf32, #tpu.memory_space<hbm>>
    tpu.enqueue_indirect_dma source(%dma_start3A_19 : memref<10000x128xf32, #tpu.memory_space<hbm>>) target(%arg14 : memref<64x128xf32, #tpu.memory_space<vmem>>) offsets(%dma_start3A_16 : memref<64xi32, #tpu.memory_space<vmem>>) semaphore(%arg18 : memref<!tpu.dma_semaphore, #tpu.memory_space<semaphore_mem>>)
    %dma_start3A_20 = arith.constant 1 : i32
    %dma_start3A_21 = arith.constant 0 : i32
    %dma_start3A_22 = tpu.memref_slice %arg4[%add3A, %dma_start3A_20, %dma_start3A_21] : memref<32x160x64xi32, #tpu.memory_space<hbm>> -> memref<1x1x64xi32, #tpu.memory_space<hbm>>
    %dma_start3A_23 = tpu.memref_squeeze %dma_start3A_22 : memref<1x1x64xi32, #tpu.memory_space<hbm>> -> memref<64xi32, #tpu.memory_space<hbm>>
    %dma_start3A_24 = arith.constant 0 : i32
    %dma_start3A_25 = tpu.memref_slice %arg4[%add3A, %dma_start3A_20, %dma_start3A_24] : memref<32x160x64xi32, #tpu.memory_space<hbm>> -> memref<1x1x64xi32, #tpu.memory_space<hbm>>
    %dma_start3A_26 = tpu.memref_squeeze %dma_start3A_25 : memref<1x1x64xi32, #tpu.memory_space<hbm>> -> memref<64xi32, #tpu.memory_space<hbm>>
    tpu.enqueue_dma source(%dma_start3A_26 : memref<64xi32, #tpu.memory_space<hbm>>) target(%arg10 : memref<64xi32, #tpu.memory_space<vmem>>) target_semaphore(%arg26 : memref<!tpu.dma_semaphore, #tpu.memory_space<semaphore_mem>>)
    %multiple_of3A_27 = arith.constant 128 : i32
    %multiple_of3A_28 = tpu.assume_multiple %multiple_of3A_27, 64 : i32
    %dma_start3A_29 = tpu.memref_slice %arg8[%multiple_of3A_28] : memref<10240xi32, #tpu.memory_space<vmem>> -> memref<64xi32, #tpu.memory_space<vmem>>
    %dma_start3A_30 = arith.constant 0 : i32
    %dma_start3A_31 = arith.constant 0 : i32
    %dma_start3A_32 = tpu.memref_slice %arg2[%dma_start3A_30, %dma_start3A_31] : memref<10000x128xf32, #tpu.memory_space<hbm>> -> memref<10000x128xf32, #tpu.memory_space<hbm>>
    tpu.enqueue_indirect_dma source(%dma_start3A_32 : memref<10000x128xf32, #tpu.memory_space<hbm>>) target(%arg15 : memref<64x128xf32, #tpu.memory_space<vmem>>) offsets(%dma_start3A_29 : memref<64xi32, #tpu.memory_space<vmem>>) semaphore(%arg19 : memref<!tpu.dma_semaphore, #tpu.memory_space<semaphore_mem>>)
    %dma_start3A_33 = arith.constant 2 : i32
    %dma_start3A_34 = arith.constant 0 : i32
    %dma_start3A_35 = tpu.memref_slice %arg4[%add3A, %dma_start3A_33, %dma_start3A_34] : memref<32x160x64xi32, #tpu.memory_space<hbm>> -> memref<1x1x64xi32, #tpu.memory_space<hbm>>
    %dma_start3A_36 = tpu.memref_squeeze %dma_start3A_35 : memref<1x1x64xi32, #tpu.memory_space<hbm>> -> memref<64xi32, #tpu.memory_space<hbm>>
    %dma_start3A_37 = arith.constant 0 : i32
    %dma_start3A_38 = tpu.memref_slice %arg4[%add3A, %dma_start3A_33, %dma_start3A_37] : memref<32x160x64xi32, #tpu.memory_space<hbm>> -> memref<1x1x64xi32, #tpu.memory_space<hbm>>
    %dma_start3A_39 = tpu.memref_squeeze %dma_start3A_38 : memref<1x1x64xi32, #tpu.memory_space<hbm>> -> memref<64xi32, #tpu.memory_space<hbm>>
    tpu.enqueue_dma source(%dma_start3A_39 : memref<64xi32, #tpu.memory_space<hbm>>) target(%arg11 : memref<64xi32, #tpu.memory_space<vmem>>) target_semaphore(%arg27 : memref<!tpu.dma_semaphore, #tpu.memory_space<semaphore_mem>>)
    %multiple_of3A_40 = arith.constant 192 : i32
    %multiple_of3A_41 = tpu.assume_multiple %multiple_of3A_40, 64 : i32
    %dma_start3A_42 = tpu.memref_slice %arg8[%multiple_of3A_41] : memref<10240xi32, #tpu.memory_space<vmem>> -> memref<64xi32, #tpu.memory_space<vmem>>
    %dma_start3A_43 = arith.constant 0 : i32
    %dma_start3A_44 = arith.constant 0 : i32
    %dma_start3A_45 = tpu.memref_slice %arg2[%dma_start3A_43, %dma_start3A_44] : memref<10000x128xf32, #tpu.memory_space<hbm>> -> memref<10000x128xf32, #tpu.memory_space<hbm>>
    tpu.enqueue_indirect_dma source(%dma_start3A_45 : memref<10000x128xf32, #tpu.memory_space<hbm>>) target(%arg16 : memref<64x128xf32, #tpu.memory_space<vmem>>) offsets(%dma_start3A_42 : memref<64xi32, #tpu.memory_space<vmem>>) semaphore(%arg20 : memref<!tpu.dma_semaphore, #tpu.memory_space<semaphore_mem>>)
    %dma_start3A_46 = arith.constant 3 : i32
    %dma_start3A_47 = arith.constant 0 : i32
    %dma_start3A_48 = tpu.memref_slice %arg4[%add3A, %dma_start3A_46, %dma_start3A_47] : memref<32x160x64xi32, #tpu.memory_space<hbm>> -> memref<1x1x64xi32, #tpu.memory_space<hbm>>
    %dma_start3A_49 = tpu.memref_squeeze %dma_start3A_48 : memref<1x1x64xi32, #tpu.memory_space<hbm>> -> memref<64xi32, #tpu.memory_space<hbm>>
    %dma_start3A_50 = arith.constant 0 : i32
    %dma_start3A_51 = tpu.memref_slice %arg4[%add3A, %dma_start3A_46, %dma_start3A_50] : memref<32x160x64xi32, #tpu.memory_space<hbm>> -> memref<1x1x64xi32, #tpu.memory_space<hbm>>
    %dma_start3A_52 = tpu.memref_squeeze %dma_start3A_51 : memref<1x1x64xi32, #tpu.memory_space<hbm>> -> memref<64xi32, #tpu.memory_space<hbm>>
    tpu.enqueue_dma source(%dma_start3A_52 : memref<64xi32, #tpu.memory_space<hbm>>) target(%arg12 : memref<64xi32, #tpu.memory_space<vmem>>) target_semaphore(%arg28 : memref<!tpu.dma_semaphore, #tpu.memory_space<semaphore_mem>>)
    %scan3A = arith.constant 0 : i32
    %scan3A_53 = arith.constant 0 : i32
    %scan3A_54 = arith.constant 39 : i32
    %scan3A_55 = arith.addi %scan3A_53, %scan3A_54 : i32
    %scan3A_56 = arith.constant 1 : i32
    scf.for %scan3A_134 = %scan3A_53 to %scan3A_55 step %scan3A_56  : i32 {
      %dma_wait3A_135 = arith.constant 0 : i32
      %dma_wait3A_136 = tpu.memref_slice %arg8[%dma_wait3A_135] : memref<10240xi32, #tpu.memory_space<vmem>> -> memref<64xi32, #tpu.memory_space<vmem>>
      %dma_wait3A_137 = arith.constant 0 : i32
      %dma_wait3A_138 = arith.constant 0 : i32
      %dma_wait3A_139 = tpu.memref_slice %arg2[%dma_wait3A_137, %dma_wait3A_138] : memref<10000x128xf32, #tpu.memory_space<hbm>> -> memref<10000x128xf32, #tpu.memory_space<hbm>>
      tpu.wait_indirect_dma semaphore(%arg17 : memref<!tpu.dma_semaphore, #tpu.memory_space<semaphore_mem>>) src(%dma_wait3A_139 : memref<10000x128xf32, #tpu.memory_space<hbm>>) dst(%arg13 : memref<64x128xf32, #tpu.memory_space<vmem>>)
      %dma_wait3A_140 = arith.constant 0 : i32
      %dma_wait3A_141 = arith.constant 0 : i32
      %dma_wait3A_142 = arith.constant 0 : i32
      %dma_wait3A_143 = tpu.memref_slice %arg4[%dma_wait3A_140, %dma_wait3A_141, %dma_wait3A_142] : memref<32x160x64xi32, #tpu.memory_space<hbm>> -> memref<1x1x64xi32, #tpu.memory_space<hbm>>
      %dma_wait3A_144 = tpu.memref_squeeze %dma_wait3A_143 : memref<1x1x64xi32, #tpu.memory_space<hbm>> -> memref<64xi32, #tpu.memory_space<hbm>>
      %dma_wait3A_145 = arith.constant 0 : i32
      %dma_wait3A_146 = tpu.memref_slice %arg4[%dma_wait3A_140, %dma_wait3A_141, %dma_wait3A_145] : memref<32x160x64xi32, #tpu.memory_space<hbm>> -> memref<1x1x64xi32, #tpu.memory_space<hbm>>
      %dma_wait3A_147 = tpu.memref_squeeze %dma_wait3A_146 : memref<1x1x64xi32, #tpu.memory_space<hbm>> -> memref<64xi32, #tpu.memory_space<hbm>>
      tpu.wait_dma2 semaphore(%arg25 : memref<!tpu.dma_semaphore, #tpu.memory_space<semaphore_mem>>) src(%dma_wait3A_147 : memref<64xi32, #tpu.memory_space<hbm>>) dst(%arg9 : memref<64xi32, #tpu.memory_space<vmem>>)
      %dma_start3A_148 = arith.constant 0 : i32
      %dma_start3A_149 = arith.constant 0 : i32
      %dma_start3A_150 = tpu.memref_slice %arg7[%dma_start3A_148, %dma_start3A_149] : memref<10240x128xf32, #tpu.memory_space<vmem_shared>> -> memref<10240x128xf32, #tpu.memory_space<vmem_shared>>
      tpu.enqueue_indirect_dma source(%arg13 : memref<64x128xf32, #tpu.memory_space<vmem>>) target(%dma_start3A_150 : memref<10240x128xf32, #tpu.memory_space<vmem_shared>>) offsets(%arg9 : memref<64xi32, #tpu.memory_space<vmem>>) semaphore(%arg21 : memref<!tpu.dma_semaphore, #tpu.memory_space<semaphore_mem>>) {add = true}
      %dma_wait3A_151 = arith.constant 0 : i32
      %dma_wait3A_152 = tpu.memref_slice %arg8[%dma_wait3A_151] : memref<10240xi32, #tpu.memory_space<vmem>> -> memref<64xi32, #tpu.memory_space<vmem>>
      %dma_wait3A_153 = arith.constant 0 : i32
      %dma_wait3A_154 = arith.constant 0 : i32
      %dma_wait3A_155 = tpu.memref_slice %arg2[%dma_wait3A_153, %dma_wait3A_154] : memref<10000x128xf32, #tpu.memory_space<hbm>> -> memref<10000x128xf32, #tpu.memory_space<hbm>>
      tpu.wait_indirect_dma semaphore(%arg18 : memref<!tpu.dma_semaphore, #tpu.memory_space<semaphore_mem>>) src(%dma_wait3A_155 : memref<10000x128xf32, #tpu.memory_space<hbm>>) dst(%arg14 : memref<64x128xf32, #tpu.memory_space<vmem>>)
      %dma_wait3A_156 = arith.constant 0 : i32
      %dma_wait3A_157 = arith.constant 0 : i32
      %dma_wait3A_158 = arith.constant 0 : i32
      %dma_wait3A_159 = tpu.memref_slice %arg4[%dma_wait3A_156, %dma_wait3A_157, %dma_wait3A_158] : memref<32x160x64xi32, #tpu.memory_space<hbm>> -> memref<1x1x64xi32, #tpu.memory_space<hbm>>
      %dma_wait3A_160 = tpu.memref_squeeze %dma_wait3A_159 : memref<1x1x64xi32, #tpu.memory_space<hbm>> -> memref<64xi32, #tpu.memory_space<hbm>>
      %dma_wait3A_161 = arith.constant 0 : i32
      %dma_wait3A_162 = tpu.memref_slice %arg4[%dma_wait3A_156, %dma_wait3A_157, %dma_wait3A_161] : memref<32x160x64xi32, #tpu.memory_space<hbm>> -> memref<1x1x64xi32, #tpu.memory_space<hbm>>
      %dma_wait3A_163 = tpu.memref_squeeze %dma_wait3A_162 : memref<1x1x64xi32, #tpu.memory_space<hbm>> -> memref<64xi32, #tpu.memory_space<hbm>>
      tpu.wait_dma2 semaphore(%arg26 : memref<!tpu.dma_semaphore, #tpu.memory_space<semaphore_mem>>) src(%dma_wait3A_163 : memref<64xi32, #tpu.memory_space<hbm>>) dst(%arg10 : memref<64xi32, #tpu.memory_space<vmem>>)
      %dma_start3A_164 = arith.constant 0 : i32
      %dma_start3A_165 = arith.constant 0 : i32
      %dma_start3A_166 = tpu.memref_slice %arg7[%dma_start3A_164, %dma_start3A_165] : memref<10240x128xf32, #tpu.memory_space<vmem_shared>> -> memref<10240x128xf32, #tpu.memory_space<vmem_shared>>
      tpu.enqueue_indirect_dma source(%arg14 : memref<64x128xf32, #tpu.memory_space<vmem>>) target(%dma_start3A_166 : memref<10240x128xf32, #tpu.memory_space<vmem_shared>>) offsets(%arg10 : memref<64xi32, #tpu.memory_space<vmem>>) semaphore(%arg22 : memref<!tpu.dma_semaphore, #tpu.memory_space<semaphore_mem>>) {add = true}
      %dma_wait3A_167 = arith.constant 0 : i32
      %dma_wait3A_168 = tpu.memref_slice %arg8[%dma_wait3A_167] : memref<10240xi32, #tpu.memory_space<vmem>> -> memref<64xi32, #tpu.memory_space<vmem>>
      %dma_wait3A_169 = arith.constant 0 : i32
      %dma_wait3A_170 = arith.constant 0 : i32
      %dma_wait3A_171 = tpu.memref_slice %arg2[%dma_wait3A_169, %dma_wait3A_170] : memref<10000x128xf32, #tpu.memory_space<hbm>> -> memref<10000x128xf32, #tpu.memory_space<hbm>>
      tpu.wait_indirect_dma semaphore(%arg19 : memref<!tpu.dma_semaphore, #tpu.memory_space<semaphore_mem>>) src(%dma_wait3A_171 : memref<10000x128xf32, #tpu.memory_space<hbm>>) dst(%arg15 : memref<64x128xf32, #tpu.memory_space<vmem>>)
      %dma_wait3A_172 = arith.constant 0 : i32
      %dma_wait3A_173 = arith.constant 0 : i32
      %dma_wait3A_174 = arith.constant 0 : i32
      %dma_wait3A_175 = tpu.memref_slice %arg4[%dma_wait3A_172, %dma_wait3A_173, %dma_wait3A_174] : memref<32x160x64xi32, #tpu.memory_space<hbm>> -> memref<1x1x64xi32, #tpu.memory_space<hbm>>
      %dma_wait3A_176 = tpu.memref_squeeze %dma_wait3A_175 : memref<1x1x64xi32, #tpu.memory_space<hbm>> -> memref<64xi32, #tpu.memory_space<hbm>>
      %dma_wait3A_177 = arith.constant 0 : i32
      %dma_wait3A_178 = tpu.memref_slice %arg4[%dma_wait3A_172, %dma_wait3A_173, %dma_wait3A_177] : memref<32x160x64xi32, #tpu.memory_space<hbm>> -> memref<1x1x64xi32, #tpu.memory_space<hbm>>
      %dma_wait3A_179 = tpu.memref_squeeze %dma_wait3A_178 : memref<1x1x64xi32, #tpu.memory_space<hbm>> -> memref<64xi32, #tpu.memory_space<hbm>>
      tpu.wait_dma2 semaphore(%arg27 : memref<!tpu.dma_semaphore, #tpu.memory_space<semaphore_mem>>) src(%dma_wait3A_179 : memref<64xi32, #tpu.memory_space<hbm>>) dst(%arg11 : memref<64xi32, #tpu.memory_space<vmem>>)
      %dma_start3A_180 = arith.constant 0 : i32
      %dma_start3A_181 = arith.constant 0 : i32
      %dma_start3A_182 = tpu.memref_slice %arg7[%dma_start3A_180, %dma_start3A_181] : memref<10240x128xf32, #tpu.memory_space<vmem_shared>> -> memref<10240x128xf32, #tpu.memory_space<vmem_shared>>
      tpu.enqueue_indirect_dma source(%arg15 : memref<64x128xf32, #tpu.memory_space<vmem>>) target(%dma_start3A_182 : memref<10240x128xf32, #tpu.memory_space<vmem_shared>>) offsets(%arg11 : memref<64xi32, #tpu.memory_space<vmem>>) semaphore(%arg23 : memref<!tpu.dma_semaphore, #tpu.memory_space<semaphore_mem>>) {add = true}
      %dma_wait3A_183 = arith.constant 0 : i32
      %dma_wait3A_184 = tpu.memref_slice %arg8[%dma_wait3A_183] : memref<10240xi32, #tpu.memory_space<vmem>> -> memref<64xi32, #tpu.memory_space<vmem>>
      %dma_wait3A_185 = arith.constant 0 : i32
      %dma_wait3A_186 = arith.constant 0 : i32
      %dma_wait3A_187 = tpu.memref_slice %arg2[%dma_wait3A_185, %dma_wait3A_186] : memref<10000x128xf32, #tpu.memory_space<hbm>> -> memref<10000x128xf32, #tpu.memory_space<hbm>>
      tpu.wait_indirect_dma semaphore(%arg20 : memref<!tpu.dma_semaphore, #tpu.memory_space<semaphore_mem>>) src(%dma_wait3A_187 : memref<10000x128xf32, #tpu.memory_space<hbm>>) dst(%arg16 : memref<64x128xf32, #tpu.memory_space<vmem>>)
      %dma_wait3A_188 = arith.constant 0 : i32
      %dma_wait3A_189 = arith.constant 0 : i32
      %dma_wait3A_190 = arith.constant 0 : i32
      %dma_wait3A_191 = tpu.memref_slice %arg4[%dma_wait3A_188, %dma_wait3A_189, %dma_wait3A_190] : memref<32x160x64xi32, #tpu.memory_space<hbm>> -> memref<1x1x64xi32, #tpu.memory_space<hbm>>
      %dma_wait3A_192 = tpu.memref_squeeze %dma_wait3A_191 : memref<1x1x64xi32, #tpu.memory_space<hbm>> -> memref<64xi32, #tpu.memory_space<hbm>>
      %dma_wait3A_193 = arith.constant 0 : i32
      %dma_wait3A_194 = tpu.memref_slice %arg4[%dma_wait3A_188, %dma_wait3A_189, %dma_wait3A_193] : memref<32x160x64xi32, #tpu.memory_space<hbm>> -> memref<1x1x64xi32, #tpu.memory_space<hbm>>
      %dma_wait3A_195 = tpu.memref_squeeze %dma_wait3A_194 : memref<1x1x64xi32, #tpu.memory_space<hbm>> -> memref<64xi32, #tpu.memory_space<hbm>>
      tpu.wait_dma2 semaphore(%arg28 : memref<!tpu.dma_semaphore, #tpu.memory_space<semaphore_mem>>) src(%dma_wait3A_195 : memref<64xi32, #tpu.memory_space<hbm>>) dst(%arg12 : memref<64xi32, #tpu.memory_space<vmem>>)
      %dma_start3A_196 = arith.constant 0 : i32
      %dma_start3A_197 = arith.constant 0 : i32
      %dma_start3A_198 = tpu.memref_slice %arg7[%dma_start3A_196, %dma_start3A_197] : memref<10240x128xf32, #tpu.memory_space<vmem_shared>> -> memref<10240x128xf32, #tpu.memory_space<vmem_shared>>
      tpu.enqueue_indirect_dma source(%arg16 : memref<64x128xf32, #tpu.memory_space<vmem>>) target(%dma_start3A_198 : memref<10240x128xf32, #tpu.memory_space<vmem_shared>>) offsets(%arg12 : memref<64xi32, #tpu.memory_space<vmem>>) semaphore(%arg24 : memref<!tpu.dma_semaphore, #tpu.memory_space<semaphore_mem>>) {add = true}
      %dma_wait3A_199 = arith.constant 0 : i32
      %dma_wait3A_200 = arith.constant 0 : i32
      %dma_wait3A_201 = tpu.memref_slice %arg7[%dma_wait3A_199, %dma_wait3A_200] : memref<10240x128xf32, #tpu.memory_space<vmem_shared>> -> memref<10240x128xf32, #tpu.memory_space<vmem_shared>>
      tpu.wait_indirect_dma semaphore(%arg21 : memref<!tpu.dma_semaphore, #tpu.memory_space<semaphore_mem>>) src(%arg13 : memref<64x128xf32, #tpu.memory_space<vmem>>) dst(%dma_wait3A_201 : memref<10240x128xf32, #tpu.memory_space<vmem_shared>>)
      %add3A_202 = arith.constant 1 : i32
      %add3A_203 = arith.addi %scan3A_134, %add3A_202 : i32
      %mul3A_204 = arith.constant 4 : i32
      %mul3A_205 = arith.muli %add3A_203, %mul3A_204 : i32
      %add3A_206 = arith.constant 0 : i32
      %add3A_207 = arith.addi %mul3A_205, %add3A_206 : i32
      %mul3A_208 = arith.constant 64 : i32
      %mul3A_209 = arith.muli %add3A_207, %mul3A_208 : i32
      %multiple_of3A_210 = tpu.assume_multiple %mul3A_209, 64 : i32
      %dma_start3A_211 = tpu.memref_slice %arg8[%multiple_of3A_210] : memref<10240xi32, #tpu.memory_space<vmem>> -> memref<64xi32, #tpu.memory_space<vmem>>
      %dma_start3A_212 = arith.constant 0 : i32
      %dma_start3A_213 = arith.constant 0 : i32
      %dma_start3A_214 = tpu.memref_slice %arg2[%dma_start3A_212, %dma_start3A_213] : memref<10000x128xf32, #tpu.memory_space<hbm>> -> memref<10000x128xf32, #tpu.memory_space<hbm>>
      tpu.enqueue_indirect_dma source(%dma_start3A_214 : memref<10000x128xf32, #tpu.memory_space<hbm>>) target(%arg13 : memref<64x128xf32, #tpu.memory_space<vmem>>) offsets(%dma_start3A_211 : memref<64xi32, #tpu.memory_space<vmem>>) semaphore(%arg17 : memref<!tpu.dma_semaphore, #tpu.memory_space<semaphore_mem>>)
      %add3A_215 = arith.constant 1 : i32
      %add3A_216 = arith.addi %scan3A_134, %add3A_215 : i32
      %mul3A_217 = arith.constant 4 : i32
      %mul3A_218 = arith.muli %add3A_216, %mul3A_217 : i32
      %add3A_219 = arith.constant 0 : i32
      %add3A_220 = arith.addi %mul3A_218, %add3A_219 : i32
      %dma_start3A_221 = arith.constant 0 : i32
      %dma_start3A_222 = tpu.memref_slice %arg4[%add3A, %add3A_220, %dma_start3A_221] : memref<32x160x64xi32, #tpu.memory_space<hbm>> -> memref<1x1x64xi32, #tpu.memory_space<hbm>>
      %dma_start3A_223 = tpu.memref_squeeze %dma_start3A_222 : memref<1x1x64xi32, #tpu.memory_space<hbm>> -> memref<64xi32, #tpu.memory_space<hbm>>
      %dma_start3A_224 = arith.constant 0 : i32
      %dma_start3A_225 = tpu.memref_slice %arg4[%add3A, %add3A_220, %dma_start3A_224] : memref<32x160x64xi32, #tpu.memory_space<hbm>> -> memref<1x1x64xi32, #tpu.memory_space<hbm>>
      %dma_start3A_226 = tpu.memref_squeeze %dma_start3A_225 : memref<1x1x64xi32, #tpu.memory_space<hbm>> -> memref<64xi32, #tpu.memory_space<hbm>>
      tpu.enqueue_dma source(%dma_start3A_226 : memref<64xi32, #tpu.memory_space<hbm>>) target(%arg9 : memref<64xi32, #tpu.memory_space<vmem>>) target_semaphore(%arg25 : memref<!tpu.dma_semaphore, #tpu.memory_space<semaphore_mem>>)
      %dma_wait3A_227 = arith.constant 0 : i32
      %dma_wait3A_228 = arith.constant 0 : i32
      %dma_wait3A_229 = tpu.memref_slice %arg7[%dma_wait3A_227, %dma_wait3A_228] : memref<10240x128xf32, #tpu.memory_space<vmem_shared>> -> memref<10240x128xf32, #tpu.memory_space<vmem_shared>>
      tpu.wait_indirect_dma semaphore(%arg22 : memref<!tpu.dma_semaphore, #tpu.memory_space<semaphore_mem>>) src(%arg14 : memref<64x128xf32, #tpu.memory_space<vmem>>) dst(%dma_wait3A_229 : memref<10240x128xf32, #tpu.memory_space<vmem_shared>>)
      %add3A_230 = arith.constant 1 : i32
      %add3A_231 = arith.addi %scan3A_134, %add3A_230 : i32
      %mul3A_232 = arith.constant 4 : i32
      %mul3A_233 = arith.muli %add3A_231, %mul3A_232 : i32
      %add3A_234 = arith.constant 1 : i32
      %add3A_235 = arith.addi %mul3A_233, %add3A_234 : i32
      %mul3A_236 = arith.constant 64 : i32
      %mul3A_237 = arith.muli %add3A_235, %mul3A_236 : i32
      %multiple_of3A_238 = tpu.assume_multiple %mul3A_237, 64 : i32
      %dma_start3A_239 = tpu.memref_slice %arg8[%multiple_of3A_238] : memref<10240xi32, #tpu.memory_space<vmem>> -> memref<64xi32, #tpu.memory_space<vmem>>
      %dma_start3A_240 = arith.constant 0 : i32
      %dma_start3A_241 = arith.constant 0 : i32
      %dma_start3A_242 = tpu.memref_slice %arg2[%dma_start3A_240, %dma_start3A_241] : memref<10000x128xf32, #tpu.memory_space<hbm>> -> memref<10000x128xf32, #tpu.memory_space<hbm>>
      tpu.enqueue_indirect_dma source(%dma_start3A_242 : memref<10000x128xf32, #tpu.memory_space<hbm>>) target(%arg14 : memref<64x128xf32, #tpu.memory_space<vmem>>) offsets(%dma_start3A_239 : memref<64xi32, #tpu.memory_space<vmem>>) semaphore(%arg18 : memref<!tpu.dma_semaphore, #tpu.memory_space<semaphore_mem>>)
      %add3A_243 = arith.constant 1 : i32
      %add3A_244 = arith.addi %scan3A_134, %add3A_243 : i32
      %mul3A_245 = arith.constant 4 : i32
      %mul3A_246 = arith.muli %add3A_244, %mul3A_245 : i32
      %add3A_247 = arith.constant 1 : i32
      %add3A_248 = arith.addi %mul3A_246, %add3A_247 : i32
      %dma_start3A_249 = arith.constant 0 : i32
      %dma_start3A_250 = tpu.memref_slice %arg4[%add3A, %add3A_248, %dma_start3A_249] : memref<32x160x64xi32, #tpu.memory_space<hbm>> -> memref<1x1x64xi32, #tpu.memory_space<hbm>>
      %dma_start3A_251 = tpu.memref_squeeze %dma_start3A_250 : memref<1x1x64xi32, #tpu.memory_space<hbm>> -> memref<64xi32, #tpu.memory_space<hbm>>
      %dma_start3A_252 = arith.constant 0 : i32
      %dma_start3A_253 = tpu.memref_slice %arg4[%add3A, %add3A_248, %dma_start3A_252] : memref<32x160x64xi32, #tpu.memory_space<hbm>> -> memref<1x1x64xi32, #tpu.memory_space<hbm>>
      %dma_start3A_254 = tpu.memref_squeeze %dma_start3A_253 : memref<1x1x64xi32, #tpu.memory_space<hbm>> -> memref<64xi32, #tpu.memory_space<hbm>>
      tpu.enqueue_dma source(%dma_start3A_254 : memref<64xi32, #tpu.memory_space<hbm>>) target(%arg10 : memref<64xi32, #tpu.memory_space<vmem>>) target_semaphore(%arg26 : memref<!tpu.dma_semaphore, #tpu.memory_space<semaphore_mem>>)
      %dma_wait3A_255 = arith.constant 0 : i32
      %dma_wait3A_256 = arith.constant 0 : i32
      %dma_wait3A_257 = tpu.memref_slice %arg7[%dma_wait3A_255, %dma_wait3A_256] : memref<10240x128xf32, #tpu.memory_space<vmem_shared>> -> memref<10240x128xf32, #tpu.memory_space<vmem_shared>>
      tpu.wait_indirect_dma semaphore(%arg23 : memref<!tpu.dma_semaphore, #tpu.memory_space<semaphore_mem>>) src(%arg15 : memref<64x128xf32, #tpu.memory_space<vmem>>) dst(%dma_wait3A_257 : memref<10240x128xf32, #tpu.memory_space<vmem_shared>>)
      %add3A_258 = arith.constant 1 : i32
      %add3A_259 = arith.addi %scan3A_134, %add3A_258 : i32
      %mul3A_260 = arith.constant 4 : i32
      %mul3A_261 = arith.muli %add3A_259, %mul3A_260 : i32
      %add3A_262 = arith.constant 2 : i32
      %add3A_263 = arith.addi %mul3A_261, %add3A_262 : i32
      %mul3A_264 = arith.constant 64 : i32
      %mul3A_265 = arith.muli %add3A_263, %mul3A_264 : i32
      %multiple_of3A_266 = tpu.assume_multiple %mul3A_265, 64 : i32
      %dma_start3A_267 = tpu.memref_slice %arg8[%multiple_of3A_266] : memref<10240xi32, #tpu.memory_space<vmem>> -> memref<64xi32, #tpu.memory_space<vmem>>
      %dma_start3A_268 = arith.constant 0 : i32
      %dma_start3A_269 = arith.constant 0 : i32
      %dma_start3A_270 = tpu.memref_slice %arg2[%dma_start3A_268, %dma_start3A_269] : memref<10000x128xf32, #tpu.memory_space<hbm>> -> memref<10000x128xf32, #tpu.memory_space<hbm>>
      tpu.enqueue_indirect_dma source(%dma_start3A_270 : memref<10000x128xf32, #tpu.memory_space<hbm>>) target(%arg15 : memref<64x128xf32, #tpu.memory_space<vmem>>) offsets(%dma_start3A_267 : memref<64xi32, #tpu.memory_space<vmem>>) semaphore(%arg19 : memref<!tpu.dma_semaphore, #tpu.memory_space<semaphore_mem>>)
      %add3A_271 = arith.constant 1 : i32
      %add3A_272 = arith.addi %scan3A_134, %add3A_271 : i32
      %mul3A_273 = arith.constant 4 : i32
      %mul3A_274 = arith.muli %add3A_272, %mul3A_273 : i32
      %add3A_275 = arith.constant 2 : i32
      %add3A_276 = arith.addi %mul3A_274, %add3A_275 : i32
      %dma_start3A_277 = arith.constant 0 : i32
      %dma_start3A_278 = tpu.memref_slice %arg4[%add3A, %add3A_276, %dma_start3A_277] : memref<32x160x64xi32, #tpu.memory_space<hbm>> -> memref<1x1x64xi32, #tpu.memory_space<hbm>>
      %dma_start3A_279 = tpu.memref_squeeze %dma_start3A_278 : memref<1x1x64xi32, #tpu.memory_space<hbm>> -> memref<64xi32, #tpu.memory_space<hbm>>
      %dma_start3A_280 = arith.constant 0 : i32
      %dma_start3A_281 = tpu.memref_slice %arg4[%add3A, %add3A_276, %dma_start3A_280] : memref<32x160x64xi32, #tpu.memory_space<hbm>> -> memref<1x1x64xi32, #tpu.memory_space<hbm>>
      %dma_start3A_282 = tpu.memref_squeeze %dma_start3A_281 : memref<1x1x64xi32, #tpu.memory_space<hbm>> -> memref<64xi32, #tpu.memory_space<hbm>>
      tpu.enqueue_dma source(%dma_start3A_282 : memref<64xi32, #tpu.memory_space<hbm>>) target(%arg11 : memref<64xi32, #tpu.memory_space<vmem>>) target_semaphore(%arg27 : memref<!tpu.dma_semaphore, #tpu.memory_space<semaphore_mem>>)
      %dma_wait3A_283 = arith.constant 0 : i32
      %dma_wait3A_284 = arith.constant 0 : i32
      %dma_wait3A_285 = tpu.memref_slice %arg7[%dma_wait3A_283, %dma_wait3A_284] : memref<10240x128xf32, #tpu.memory_space<vmem_shared>> -> memref<10240x128xf32, #tpu.memory_space<vmem_shared>>
      tpu.wait_indirect_dma semaphore(%arg24 : memref<!tpu.dma_semaphore, #tpu.memory_space<semaphore_mem>>) src(%arg16 : memref<64x128xf32, #tpu.memory_space<vmem>>) dst(%dma_wait3A_285 : memref<10240x128xf32, #tpu.memory_space<vmem_shared>>)
      %add3A_286 = arith.constant 1 : i32
      %add3A_287 = arith.addi %scan3A_134, %add3A_286 : i32
      %mul3A_288 = arith.constant 4 : i32
      %mul3A_289 = arith.muli %add3A_287, %mul3A_288 : i32
      %add3A_290 = arith.constant 3 : i32
      %add3A_291 = arith.addi %mul3A_289, %add3A_290 : i32
      %mul3A_292 = arith.constant 64 : i32
      %mul3A_293 = arith.muli %add3A_291, %mul3A_292 : i32
      %multiple_of3A_294 = tpu.assume_multiple %mul3A_293, 64 : i32
      %dma_start3A_295 = tpu.memref_slice %arg8[%multiple_of3A_294] : memref<10240xi32, #tpu.memory_space<vmem>> -> memref<64xi32, #tpu.memory_space<vmem>>
      %dma_start3A_296 = arith.constant 0 : i32
      %dma_start3A_297 = arith.constant 0 : i32
      %dma_start3A_298 = tpu.memref_slice %arg2[%dma_start3A_296, %dma_start3A_297] : memref<10000x128xf32, #tpu.memory_space<hbm>> -> memref<10000x128xf32, #tpu.memory_space<hbm>>
      tpu.enqueue_indirect_dma source(%dma_start3A_298 : memref<10000x128xf32, #tpu.memory_space<hbm>>) target(%arg16 : memref<64x128xf32, #tpu.memory_space<vmem>>) offsets(%dma_start3A_295 : memref<64xi32, #tpu.memory_space<vmem>>) semaphore(%arg20 : memref<!tpu.dma_semaphore, #tpu.memory_space<semaphore_mem>>)
      %add3A_299 = arith.constant 1 : i32
      %add3A_300 = arith.addi %scan3A_134, %add3A_299 : i32
      %mul3A_301 = arith.constant 4 : i32
      %mul3A_302 = arith.muli %add3A_300, %mul3A_301 : i32
      %add3A_303 = arith.constant 3 : i32
      %add3A_304 = arith.addi %mul3A_302, %add3A_303 : i32
      %dma_start3A_305 = arith.constant 0 : i32
      %dma_start3A_306 = tpu.memref_slice %arg4[%add3A, %add3A_304, %dma_start3A_305] : memref<32x160x64xi32, #tpu.memory_space<hbm>> -> memref<1x1x64xi32, #tpu.memory_space<hbm>>
      %dma_start3A_307 = tpu.memref_squeeze %dma_start3A_306 : memref<1x1x64xi32, #tpu.memory_space<hbm>> -> memref<64xi32, #tpu.memory_space<hbm>>
      %dma_start3A_308 = arith.constant 0 : i32
      %dma_start3A_309 = tpu.memref_slice %arg4[%add3A, %add3A_304, %dma_start3A_308] : memref<32x160x64xi32, #tpu.memory_space<hbm>> -> memref<1x1x64xi32, #tpu.memory_space<hbm>>
      %dma_start3A_310 = tpu.memref_squeeze %dma_start3A_309 : memref<1x1x64xi32, #tpu.memory_space<hbm>> -> memref<64xi32, #tpu.memory_space<hbm>>
      tpu.enqueue_dma source(%dma_start3A_310 : memref<64xi32, #tpu.memory_space<hbm>>) target(%arg12 : memref<64xi32, #tpu.memory_space<vmem>>) target_semaphore(%arg28 : memref<!tpu.dma_semaphore, #tpu.memory_space<semaphore_mem>>)
    }
    %scan3A_57 = arith.constant 39 : i32
    %dma_wait3A = arith.constant 0 : i32
    %dma_wait3A_58 = tpu.memref_slice %arg8[%dma_wait3A] : memref<10240xi32, #tpu.memory_space<vmem>> -> memref<64xi32, #tpu.memory_space<vmem>>
    %dma_wait3A_59 = arith.constant 0 : i32
    %dma_wait3A_60 = arith.constant 0 : i32
    %dma_wait3A_61 = tpu.memref_slice %arg2[%dma_wait3A_59, %dma_wait3A_60] : memref<10000x128xf32, #tpu.memory_space<hbm>> -> memref<10000x128xf32, #tpu.memory_space<hbm>>
    tpu.wait_indirect_dma semaphore(%arg17 : memref<!tpu.dma_semaphore, #tpu.memory_space<semaphore_mem>>) src(%dma_wait3A_61 : memref<10000x128xf32, #tpu.memory_space<hbm>>) dst(%arg13 : memref<64x128xf32, #tpu.memory_space<vmem>>)
    %dma_wait3A_62 = arith.constant 0 : i32
    %dma_wait3A_63 = arith.constant 0 : i32
    %dma_wait3A_64 = arith.constant 0 : i32
    %dma_wait3A_65 = tpu.memref_slice %arg4[%dma_wait3A_62, %dma_wait3A_63, %dma_wait3A_64] : memref<32x160x64xi32, #tpu.memory_space<hbm>> -> memref<1x1x64xi32, #tpu.memory_space<hbm>>
    %dma_wait3A_66 = tpu.memref_squeeze %dma_wait3A_65 : memref<1x1x64xi32, #tpu.memory_space<hbm>> -> memref<64xi32, #tpu.memory_space<hbm>>
    %dma_wait3A_67 = arith.constant 0 : i32
    %dma_wait3A_68 = tpu.memref_slice %arg4[%dma_wait3A_62, %dma_wait3A_63, %dma_wait3A_67] : memref<32x160x64xi32, #tpu.memory_space<hbm>> -> memref<1x1x64xi32, #tpu.memory_space<hbm>>
    %dma_wait3A_69 = tpu.memref_squeeze %dma_wait3A_68 : memref<1x1x64xi32, #tpu.memory_space<hbm>> -> memref<64xi32, #tpu.memory_space<hbm>>
    tpu.wait_dma2 semaphore(%arg25 : memref<!tpu.dma_semaphore, #tpu.memory_space<semaphore_mem>>) src(%dma_wait3A_69 : memref<64xi32, #tpu.memory_space<hbm>>) dst(%arg9 : memref<64xi32, #tpu.memory_space<vmem>>)
    %dma_start3A_70 = arith.constant 0 : i32
    %dma_start3A_71 = arith.constant 0 : i32
    %dma_start3A_72 = tpu.memref_slice %arg7[%dma_start3A_70, %dma_start3A_71] : memref<10240x128xf32, #tpu.memory_space<vmem_shared>> -> memref<10240x128xf32, #tpu.memory_space<vmem_shared>>
    tpu.enqueue_indirect_dma source(%arg13 : memref<64x128xf32, #tpu.memory_space<vmem>>) target(%dma_start3A_72 : memref<10240x128xf32, #tpu.memory_space<vmem_shared>>) offsets(%arg9 : memref<64xi32, #tpu.memory_space<vmem>>) semaphore(%arg21 : memref<!tpu.dma_semaphore, #tpu.memory_space<semaphore_mem>>) {add = true}
    %dma_wait3A_73 = arith.constant 0 : i32
    %dma_wait3A_74 = tpu.memref_slice %arg8[%dma_wait3A_73] : memref<10240xi32, #tpu.memory_space<vmem>> -> memref<64xi32, #tpu.memory_space<vmem>>
    %dma_wait3A_75 = arith.constant 0 : i32
    %dma_wait3A_76 = arith.constant 0 : i32
    %dma_wait3A_77 = tpu.memref_slice %arg2[%dma_wait3A_75, %dma_wait3A_76] : memref<10000x128xf32, #tpu.memory_space<hbm>> -> memref<10000x128xf32, #tpu.memory_space<hbm>>
    tpu.wait_indirect_dma semaphore(%arg18 : memref<!tpu.dma_semaphore, #tpu.memory_space<semaphore_mem>>) src(%dma_wait3A_77 : memref<10000x128xf32, #tpu.memory_space<hbm>>) dst(%arg14 : memref<64x128xf32, #tpu.memory_space<vmem>>)
    %dma_wait3A_78 = arith.constant 0 : i32
    %dma_wait3A_79 = arith.constant 0 : i32
    %dma_wait3A_80 = arith.constant 0 : i32
    %dma_wait3A_81 = tpu.memref_slice %arg4[%dma_wait3A_78, %dma_wait3A_79, %dma_wait3A_80] : memref<32x160x64xi32, #tpu.memory_space<hbm>> -> memref<1x1x64xi32, #tpu.memory_space<hbm>>
    %dma_wait3A_82 = tpu.memref_squeeze %dma_wait3A_81 : memref<1x1x64xi32, #tpu.memory_space<hbm>> -> memref<64xi32, #tpu.memory_space<hbm>>
    %dma_wait3A_83 = arith.constant 0 : i32
    %dma_wait3A_84 = tpu.memref_slice %arg4[%dma_wait3A_78, %dma_wait3A_79, %dma_wait3A_83] : memref<32x160x64xi32, #tpu.memory_space<hbm>> -> memref<1x1x64xi32, #tpu.memory_space<hbm>>
    %dma_wait3A_85 = tpu.memref_squeeze %dma_wait3A_84 : memref<1x1x64xi32, #tpu.memory_space<hbm>> -> memref<64xi32, #tpu.memory_space<hbm>>
    tpu.wait_dma2 semaphore(%arg26 : memref<!tpu.dma_semaphore, #tpu.memory_space<semaphore_mem>>) src(%dma_wait3A_85 : memref<64xi32, #tpu.memory_space<hbm>>) dst(%arg10 : memref<64xi32, #tpu.memory_space<vmem>>)
    %dma_start3A_86 = arith.constant 0 : i32
    %dma_start3A_87 = arith.constant 0 : i32
    %dma_start3A_88 = tpu.memref_slice %arg7[%dma_start3A_86, %dma_start3A_87] : memref<10240x128xf32, #tpu.memory_space<vmem_shared>> -> memref<10240x128xf32, #tpu.memory_space<vmem_shared>>
    tpu.enqueue_indirect_dma source(%arg14 : memref<64x128xf32, #tpu.memory_space<vmem>>) target(%dma_start3A_88 : memref<10240x128xf32, #tpu.memory_space<vmem_shared>>) offsets(%arg10 : memref<64xi32, #tpu.memory_space<vmem>>) semaphore(%arg22 : memref<!tpu.dma_semaphore, #tpu.memory_space<semaphore_mem>>) {add = true}
    %dma_wait3A_89 = arith.constant 0 : i32
    %dma_wait3A_90 = tpu.memref_slice %arg8[%dma_wait3A_89] : memref<10240xi32, #tpu.memory_space<vmem>> -> memref<64xi32, #tpu.memory_space<vmem>>
    %dma_wait3A_91 = arith.constant 0 : i32
    %dma_wait3A_92 = arith.constant 0 : i32
    %dma_wait3A_93 = tpu.memref_slice %arg2[%dma_wait3A_91, %dma_wait3A_92] : memref<10000x128xf32, #tpu.memory_space<hbm>> -> memref<10000x128xf32, #tpu.memory_space<hbm>>
    tpu.wait_indirect_dma semaphore(%arg19 : memref<!tpu.dma_semaphore, #tpu.memory_space<semaphore_mem>>) src(%dma_wait3A_93 : memref<10000x128xf32, #tpu.memory_space<hbm>>) dst(%arg15 : memref<64x128xf32, #tpu.memory_space<vmem>>)
    %dma_wait3A_94 = arith.constant 0 : i32
    %dma_wait3A_95 = arith.constant 0 : i32
    %dma_wait3A_96 = arith.constant 0 : i32
    %dma_wait3A_97 = tpu.memref_slice %arg4[%dma_wait3A_94, %dma_wait3A_95, %dma_wait3A_96] : memref<32x160x64xi32, #tpu.memory_space<hbm>> -> memref<1x1x64xi32, #tpu.memory_space<hbm>>
    %dma_wait3A_98 = tpu.memref_squeeze %dma_wait3A_97 : memref<1x1x64xi32, #tpu.memory_space<hbm>> -> memref<64xi32, #tpu.memory_space<hbm>>
    %dma_wait3A_99 = arith.constant 0 : i32
    %dma_wait3A_100 = tpu.memref_slice %arg4[%dma_wait3A_94, %dma_wait3A_95, %dma_wait3A_99] : memref<32x160x64xi32, #tpu.memory_space<hbm>> -> memref<1x1x64xi32, #tpu.memory_space<hbm>>
    %dma_wait3A_101 = tpu.memref_squeeze %dma_wait3A_100 : memref<1x1x64xi32, #tpu.memory_space<hbm>> -> memref<64xi32, #tpu.memory_space<hbm>>
    tpu.wait_dma2 semaphore(%arg27 : memref<!tpu.dma_semaphore, #tpu.memory_space<semaphore_mem>>) src(%dma_wait3A_101 : memref<64xi32, #tpu.memory_space<hbm>>) dst(%arg11 : memref<64xi32, #tpu.memory_space<vmem>>)
    %dma_start3A_102 = arith.constant 0 : i32
    %dma_start3A_103 = arith.constant 0 : i32
    %dma_start3A_104 = tpu.memref_slice %arg7[%dma_start3A_102, %dma_start3A_103] : memref<10240x128xf32, #tpu.memory_space<vmem_shared>> -> memref<10240x128xf32, #tpu.memory_space<vmem_shared>>
    tpu.enqueue_indirect_dma source(%arg15 : memref<64x128xf32, #tpu.memory_space<vmem>>) target(%dma_start3A_104 : memref<10240x128xf32, #tpu.memory_space<vmem_shared>>) offsets(%arg11 : memref<64xi32, #tpu.memory_space<vmem>>) semaphore(%arg23 : memref<!tpu.dma_semaphore, #tpu.memory_space<semaphore_mem>>) {add = true}
    %dma_wait3A_105 = arith.constant 0 : i32
    %dma_wait3A_106 = tpu.memref_slice %arg8[%dma_wait3A_105] : memref<10240xi32, #tpu.memory_space<vmem>> -> memref<64xi32, #tpu.memory_space<vmem>>
    %dma_wait3A_107 = arith.constant 0 : i32
    %dma_wait3A_108 = arith.constant 0 : i32
    %dma_wait3A_109 = tpu.memref_slice %arg2[%dma_wait3A_107, %dma_wait3A_108] : memref<10000x128xf32, #tpu.memory_space<hbm>> -> memref<10000x128xf32, #tpu.memory_space<hbm>>
    tpu.wait_indirect_dma semaphore(%arg20 : memref<!tpu.dma_semaphore, #tpu.memory_space<semaphore_mem>>) src(%dma_wait3A_109 : memref<10000x128xf32, #tpu.memory_space<hbm>>) dst(%arg16 : memref<64x128xf32, #tpu.memory_space<vmem>>)
    %dma_wait3A_110 = arith.constant 0 : i32
    %dma_wait3A_111 = arith.constant 0 : i32
    %dma_wait3A_112 = arith.constant 0 : i32
    %dma_wait3A_113 = tpu.memref_slice %arg4[%dma_wait3A_110, %dma_wait3A_111, %dma_wait3A_112] : memref<32x160x64xi32, #tpu.memory_space<hbm>> -> memref<1x1x64xi32, #tpu.memory_space<hbm>>
    %dma_wait3A_114 = tpu.memref_squeeze %dma_wait3A_113 : memref<1x1x64xi32, #tpu.memory_space<hbm>> -> memref<64xi32, #tpu.memory_space<hbm>>
    %dma_wait3A_115 = arith.constant 0 : i32
    %dma_wait3A_116 = tpu.memref_slice %arg4[%dma_wait3A_110, %dma_wait3A_111, %dma_wait3A_115] : memref<32x160x64xi32, #tpu.memory_space<hbm>> -> memref<1x1x64xi32, #tpu.memory_space<hbm>>
    %dma_wait3A_117 = tpu.memref_squeeze %dma_wait3A_116 : memref<1x1x64xi32, #tpu.memory_space<hbm>> -> memref<64xi32, #tpu.memory_space<hbm>>
    tpu.wait_dma2 semaphore(%arg28 : memref<!tpu.dma_semaphore, #tpu.memory_space<semaphore_mem>>) src(%dma_wait3A_117 : memref<64xi32, #tpu.memory_space<hbm>>) dst(%arg12 : memref<64xi32, #tpu.memory_space<vmem>>)
    %dma_start3A_118 = arith.constant 0 : i32
    %dma_start3A_119 = arith.constant 0 : i32
    %dma_start3A_120 = tpu.memref_slice %arg7[%dma_start3A_118, %dma_start3A_119] : memref<10240x128xf32, #tpu.memory_space<vmem_shared>> -> memref<10240x128xf32, #tpu.memory_space<vmem_shared>>
    tpu.enqueue_indirect_dma source(%arg16 : memref<64x128xf32, #tpu.memory_space<vmem>>) target(%dma_start3A_120 : memref<10240x128xf32, #tpu.memory_space<vmem_shared>>) offsets(%arg12 : memref<64xi32, #tpu.memory_space<vmem>>) semaphore(%arg24 : memref<!tpu.dma_semaphore, #tpu.memory_space<semaphore_mem>>) {add = true}
    %dma_wait3A_121 = arith.constant 0 : i32
    %dma_wait3A_122 = arith.constant 0 : i32
    %dma_wait3A_123 = tpu.memref_slice %arg7[%dma_wait3A_121, %dma_wait3A_122] : memref<10240x128xf32, #tpu.memory_space<vmem_shared>> -> memref<10240x128xf32, #tpu.memory_space<vmem_shared>>
    tpu.wait_indirect_dma semaphore(%arg21 : memref<!tpu.dma_semaphore, #tpu.memory_space<semaphore_mem>>) src(%arg13 : memref<64x128xf32, #tpu.memory_space<vmem>>) dst(%dma_wait3A_123 : memref<10240x128xf32, #tpu.memory_space<vmem_shared>>)
    %dma_wait3A_124 = arith.constant 0 : i32
    %dma_wait3A_125 = arith.constant 0 : i32
    %dma_wait3A_126 = tpu.memref_slice %arg7[%dma_wait3A_124, %dma_wait3A_125] : memref<10240x128xf32, #tpu.memory_space<vmem_shared>> -> memref<10240x128xf32, #tpu.memory_space<vmem_shared>>
    tpu.wait_indirect_dma semaphore(%arg22 : memref<!tpu.dma_semaphore, #tpu.memory_space<semaphore_mem>>) src(%arg14 : memref<64x128xf32, #tpu.memory_space<vmem>>) dst(%dma_wait3A_126 : memref<10240x128xf32, #tpu.memory_space<vmem_shared>>)
    %dma_wait3A_127 = arith.constant 0 : i32
    %dma_wait3A_128 = arith.constant 0 : i32
    %dma_wait3A_129 = tpu.memref_slice %arg7[%dma_wait3A_127, %dma_wait3A_128] : memref<10240x128xf32, #tpu.memory_space<vmem_shared>> -> memref<10240x128xf32, #tpu.memory_space<vmem_shared>>
    tpu.wait_indirect_dma semaphore(%arg23 : memref<!tpu.dma_semaphore, #tpu.memory_space<semaphore_mem>>) src(%arg15 : memref<64x128xf32, #tpu.memory_space<vmem>>) dst(%dma_wait3A_129 : memref<10240x128xf32, #tpu.memory_space<vmem_shared>>)
    %dma_wait3A_130 = arith.constant 0 : i32
    %dma_wait3A_131 = arith.constant 0 : i32
    %dma_wait3A_132 = tpu.memref_slice %arg7[%dma_wait3A_130, %dma_wait3A_131] : memref<10240x128xf32, #tpu.memory_space<vmem_shared>> -> memref<10240x128xf32, #tpu.memory_space<vmem_shared>>
    tpu.wait_indirect_dma semaphore(%arg24 : memref<!tpu.dma_semaphore, #tpu.memory_space<semaphore_mem>>) src(%arg16 : memref<64x128xf32, #tpu.memory_space<vmem>>) dst(%dma_wait3A_132 : memref<10240x128xf32, #tpu.memory_space<vmem_shared>>)
    %barrier3A_133 = arith.constant 0 : index
    tpu.barrier barrier_id(%barrier3A_133)
    "tpu.region"() ({
      %run_scoped3A = tpu.sem_alloc : memref<!tpu.dma_semaphore, #tpu.memory_space<semaphore_mem>>
      %dma_start3A_134 = arith.constant 0 : i32
      %dma_start3A_135 = tpu.memref_slice %arg6[%arg0, %mul3A_2, %dma_start3A_134] : memref<2x10240x128xf32, #tpu.memory_space<hbm>> -> memref<1x640x128xf32, #tpu.memory_space<hbm>>
      %dma_start3A_136 = tpu.memref_squeeze %dma_start3A_135 : memref<1x640x128xf32, #tpu.memory_space<hbm>> -> memref<640x128xf32, #tpu.memory_space<hbm>>
      %dma_start3A_137 = arith.constant 0 : i32
      %dma_start3A_138 = tpu.memref_slice %arg7[%mul3A_2, %dma_start3A_137] : memref<10240x128xf32, #tpu.memory_space<vmem_shared>> -> memref<640x128xf32, #tpu.memory_space<vmem_shared>>
      tpu.enqueue_dma source(%dma_start3A_138 : memref<640x128xf32, #tpu.memory_space<vmem_shared>>) target(%dma_start3A_136 : memref<640x128xf32, #tpu.memory_space<hbm>>) target_semaphore(%run_scoped3A : memref<!tpu.dma_semaphore, #tpu.memory_space<semaphore_mem>>)
      %dma_wait3A_139 = arith.constant 0 : i32
      %dma_wait3A_140 = tpu.memref_slice %arg6[%arg0, %mul3A_2, %dma_wait3A_139] : memref<2x10240x128xf32, #tpu.memory_space<hbm>> -> memref<1x640x128xf32, #tpu.memory_space<hbm>>
      %dma_wait3A_141 = tpu.memref_squeeze %dma_wait3A_140 : memref<1x640x128xf32, #tpu.memory_space<hbm>> -> memref<640x128xf32, #tpu.memory_space<hbm>>
      %dma_wait3A_142 = arith.constant 0 : i32
      %dma_wait3A_143 = tpu.memref_slice %arg7[%mul3A_2, %dma_wait3A_142] : memref<10240x128xf32, #tpu.memory_space<vmem_shared>> -> memref<640x128xf32, #tpu.memory_space<vmem_shared>>
      tpu.wait_dma2 semaphore(%run_scoped3A : memref<!tpu.dma_semaphore, #tpu.memory_space<semaphore_mem>>) src(%dma_wait3A_143 : memref<640x128xf32, #tpu.memory_space<vmem_shared>>) dst(%dma_wait3A_141 : memref<640x128xf32, #tpu.memory_space<hbm>>)
      tpu.yield
    }) : () -> ()
    return
  }
}

#map = affine_map<(d0, d1) -> (0, 0)>
#map1 = affine_map<(d0, d1) -> (0, 0, 0)>
module attributes {stable_mosaic.version = 14 : i64} {
  func.func @_seg_sum_body(%arg0: i32, %arg1: i32, %arg2: memref<10000x128xf32, #tpu.memory_space<hbm>>, %arg3: memref<32x10240xi32, #tpu.memory_space<hbm>>, %arg4: memref<32x160x64xi32, #tpu.memory_space<hbm>>, %arg5: memref<10240x128xf32, #tpu.memory_space<hbm>>, %arg6: memref<2x10240x128xf32, #tpu.memory_space<hbm>>, %arg7: memref<10240x128xf32, #tpu.memory_space<vmem_shared>>, %arg8: memref<10240xi32, #tpu.memory_space<vmem>>, %arg9: memref<64xi32, #tpu.memory_space<vmem>>, %arg10: memref<64xi32, #tpu.memory_space<vmem>>, %arg11: memref<64xi32, #tpu.memory_space<vmem>>, %arg12: memref<64xi32, #tpu.memory_space<vmem>>, %arg13: memref<64x128xf32, #tpu.memory_space<vmem>>, %arg14: memref<64x128xf32, #tpu.memory_space<vmem>>, %arg15: memref<64x128xf32, #tpu.memory_space<vmem>>, %arg16: memref<64x128xf32, #tpu.memory_space<vmem>>, %arg17: memref<!tpu.dma_semaphore, #tpu.memory_space<semaphore_mem>>, %arg18: memref<!tpu.dma_semaphore, #tpu.memory_space<semaphore_mem>>, %arg19: memref<!tpu.dma_semaphore, #tpu.memory_space<semaphore_mem>>, %arg20: memref<!tpu.dma_semaphore, #tpu.memory_space<semaphore_mem>>, %arg21: memref<!tpu.dma_semaphore, #tpu.memory_space<semaphore_mem>>, %arg22: memref<!tpu.dma_semaphore, #tpu.memory_space<semaphore_mem>>, %arg23: memref<!tpu.dma_semaphore, #tpu.memory_space<semaphore_mem>>, %arg24: memref<!tpu.dma_semaphore, #tpu.memory_space<semaphore_mem>>, %arg25: memref<!tpu.dma_semaphore, #tpu.memory_space<semaphore_mem>>, %arg26: memref<!tpu.dma_semaphore, #tpu.memory_space<semaphore_mem>>, %arg27: memref<!tpu.dma_semaphore, #tpu.memory_space<semaphore_mem>>, %arg28: memref<!tpu.dma_semaphore, #tpu.memory_space<semaphore_mem>>) attributes {dimension_semantics = [#tpu.dimension_semantics<core_parallel>, #tpu.dimension_semantics<subcore_parallel>], iteration_bounds = array<i64: 2, 16>, scalar_prefetch = 0 : i64, scratch_operands = 22 : i64, tpu.core_type = #tpu.core_type<sc_vector_subcore>, window_params = [{transform_indices = #map}, {transform_indices = #map}, {transform_indices = #map1}, {transform_indices = #map}, {transform_indices = #map1}]} {
    %mul3A = arith.constant 2 : i32
    %mul3A_0 = arith.muli %arg1, %mul3A : i32
    %add3A = arith.addi %mul3A_0, %arg0 : i32
    %mul3A_1 = arith.constant 640 : i32
    %mul3A_2 = arith.muli %arg1, %mul3A_1 : i32
    "tpu.region"() ({
      %run_scoped3A = tpu.sem_alloc : memref<!tpu.dma_semaphore, #tpu.memory_space<semaphore_mem>>
      %dma_start3A_134 = arith.constant 0 : i32
      %dma_start3A_135 = tpu.memref_slice %arg7[%mul3A_2, %dma_start3A_134] : memref<10240x128xf32, #tpu.memory_space<vmem_shared>> -> memref<640x128xf32, #tpu.memory_space<vmem_shared>>
      %dma_start3A_136 = arith.constant 0 : i32
      %dma_start3A_137 = tpu.memref_slice %arg5[%mul3A_2, %dma_start3A_136] : memref<10240x128xf32, #tpu.memory_space<hbm>> -> memref<640x128xf32, #tpu.memory_space<hbm>>
      tpu.enqueue_dma source(%dma_start3A_137 : memref<640x128xf32, #tpu.memory_space<hbm>>) target(%dma_start3A_135 : memref<640x128xf32, #tpu.memory_space<vmem_shared>>) target_semaphore(%run_scoped3A : memref<!tpu.dma_semaphore, #tpu.memory_space<semaphore_mem>>)
      %dma_wait3A_138 = arith.constant 0 : i32
      %dma_wait3A_139 = tpu.memref_slice %arg7[%mul3A_2, %dma_wait3A_138] : memref<10240x128xf32, #tpu.memory_space<vmem_shared>> -> memref<640x128xf32, #tpu.memory_space<vmem_shared>>
      %dma_wait3A_140 = arith.constant 0 : i32
      %dma_wait3A_141 = tpu.memref_slice %arg5[%mul3A_2, %dma_wait3A_140] : memref<10240x128xf32, #tpu.memory_space<hbm>> -> memref<640x128xf32, #tpu.memory_space<hbm>>
      tpu.wait_dma2 semaphore(%run_scoped3A : memref<!tpu.dma_semaphore, #tpu.memory_space<semaphore_mem>>) src(%dma_wait3A_141 : memref<640x128xf32, #tpu.memory_space<hbm>>) dst(%dma_wait3A_139 : memref<640x128xf32, #tpu.memory_space<vmem_shared>>)
      tpu.yield
    }) : () -> ()
    "tpu.region"() ({
      %run_scoped3A = tpu.sem_alloc : memref<!tpu.dma_semaphore, #tpu.memory_space<semaphore_mem>>
      %dma_start3A_134 = arith.constant 0 : i32
      %dma_start3A_135 = tpu.memref_slice %arg3[%add3A, %dma_start3A_134] : memref<32x10240xi32, #tpu.memory_space<hbm>> -> memref<1x10240xi32, #tpu.memory_space<hbm>>
      %dma_start3A_136 = tpu.memref_squeeze %dma_start3A_135 : memref<1x10240xi32, #tpu.memory_space<hbm>> -> memref<10240xi32, #tpu.memory_space<hbm>>
      %dma_start3A_137 = arith.constant 0 : i32
      %dma_start3A_138 = tpu.memref_slice %arg3[%add3A, %dma_start3A_137] : memref<32x10240xi32, #tpu.memory_space<hbm>> -> memref<1x10240xi32, #tpu.memory_space<hbm>>
      %dma_start3A_139 = tpu.memref_squeeze %dma_start3A_138 : memref<1x10240xi32, #tpu.memory_space<hbm>> -> memref<10240xi32, #tpu.memory_space<hbm>>
      tpu.enqueue_dma source(%dma_start3A_139 : memref<10240xi32, #tpu.memory_space<hbm>>) target(%arg8 : memref<10240xi32, #tpu.memory_space<vmem>>) target_semaphore(%run_scoped3A : memref<!tpu.dma_semaphore, #tpu.memory_space<semaphore_mem>>)
      %dma_wait3A_140 = arith.constant 0 : i32
      %dma_wait3A_141 = tpu.memref_slice %arg3[%add3A, %dma_wait3A_140] : memref<32x10240xi32, #tpu.memory_space<hbm>> -> memref<1x10240xi32, #tpu.memory_space<hbm>>
      %dma_wait3A_142 = tpu.memref_squeeze %dma_wait3A_141 : memref<1x10240xi32, #tpu.memory_space<hbm>> -> memref<10240xi32, #tpu.memory_space<hbm>>
      %dma_wait3A_143 = arith.constant 0 : i32
      %dma_wait3A_144 = tpu.memref_slice %arg3[%add3A, %dma_wait3A_143] : memref<32x10240xi32, #tpu.memory_space<hbm>> -> memref<1x10240xi32, #tpu.memory_space<hbm>>
      %dma_wait3A_145 = tpu.memref_squeeze %dma_wait3A_144 : memref<1x10240xi32, #tpu.memory_space<hbm>> -> memref<10240xi32, #tpu.memory_space<hbm>>
      tpu.wait_dma2 semaphore(%run_scoped3A : memref<!tpu.dma_semaphore, #tpu.memory_space<semaphore_mem>>) src(%dma_wait3A_145 : memref<10240xi32, #tpu.memory_space<hbm>>) dst(%arg8 : memref<10240xi32, #tpu.memory_space<vmem>>)
      tpu.yield
    }) : () -> ()
    %barrier3A = arith.constant 0 : index
    tpu.barrier barrier_id(%barrier3A)
    %multiple_of3A = arith.constant 0 : i32
    %multiple_of3A_3 = tpu.assume_multiple %multiple_of3A, 64 : i32
    %dma_start3A = tpu.memref_slice %arg8[%multiple_of3A_3] : memref<10240xi32, #tpu.memory_space<vmem>> -> memref<64xi32, #tpu.memory_space<vmem>>
    %dma_start3A_4 = arith.constant 0 : i32
    %dma_start3A_5 = arith.constant 0 : i32
    %dma_start3A_6 = tpu.memref_slice %arg2[%dma_start3A_4, %dma_start3A_5] : memref<10000x128xf32, #tpu.memory_space<hbm>> -> memref<10000x128xf32, #tpu.memory_space<hbm>>
    tpu.enqueue_indirect_dma source(%dma_start3A_6 : memref<10000x128xf32, #tpu.memory_space<hbm>>) target(%arg13 : memref<64x128xf32, #tpu.memory_space<vmem>>) offsets(%dma_start3A : memref<64xi32, #tpu.memory_space<vmem>>) semaphore(%arg17 : memref<!tpu.dma_semaphore, #tpu.memory_space<semaphore_mem>>)
    %dma_start3A_7 = arith.constant 0 : i32
    %dma_start3A_8 = arith.constant 0 : i32
    %dma_start3A_9 = tpu.memref_slice %arg4[%add3A, %dma_start3A_7, %dma_start3A_8] : memref<32x160x64xi32, #tpu.memory_space<hbm>> -> memref<1x1x64xi32, #tpu.memory_space<hbm>>
    %dma_start3A_10 = tpu.memref_squeeze %dma_start3A_9 : memref<1x1x64xi32, #tpu.memory_space<hbm>> -> memref<64xi32, #tpu.memory_space<hbm>>
    %dma_start3A_11 = arith.constant 0 : i32
    %dma_start3A_12 = tpu.memref_slice %arg4[%add3A, %dma_start3A_7, %dma_start3A_11] : memref<32x160x64xi32, #tpu.memory_space<hbm>> -> memref<1x1x64xi32, #tpu.memory_space<hbm>>
    %dma_start3A_13 = tpu.memref_squeeze %dma_start3A_12 : memref<1x1x64xi32, #tpu.memory_space<hbm>> -> memref<64xi32, #tpu.memory_space<hbm>>
    tpu.enqueue_dma source(%dma_start3A_13 : memref<64xi32, #tpu.memory_space<hbm>>) target(%arg9 : memref<64xi32, #tpu.memory_space<vmem>>) target_semaphore(%arg25 : memref<!tpu.dma_semaphore, #tpu.memory_space<semaphore_mem>>)
    %multiple_of3A_14 = arith.constant 64 : i32
    %multiple_of3A_15 = tpu.assume_multiple %multiple_of3A_14, 64 : i32
    %dma_start3A_16 = tpu.memref_slice %arg8[%multiple_of3A_15] : memref<10240xi32, #tpu.memory_space<vmem>> -> memref<64xi32, #tpu.memory_space<vmem>>
    %dma_start3A_17 = arith.constant 0 : i32
    %dma_start3A_18 = arith.constant 0 : i32
    %dma_start3A_19 = tpu.memref_slice %arg2[%dma_start3A_17, %dma_start3A_18] : memref<10000x128xf32, #tpu.memory_space<hbm>> -> memref<10000x128xf32, #tpu.memory_space<hbm>>
    tpu.enqueue_indirect_dma source(%dma_start3A_19 : memref<10000x128xf32, #tpu.memory_space<hbm>>) target(%arg14 : memref<64x128xf32, #tpu.memory_space<vmem>>) offsets(%dma_start3A_16 : memref<64xi32, #tpu.memory_space<vmem>>) semaphore(%arg18 : memref<!tpu.dma_semaphore, #tpu.memory_space<semaphore_mem>>)
    %dma_start3A_20 = arith.constant 1 : i32
    %dma_start3A_21 = arith.constant 0 : i32
    %dma_start3A_22 = tpu.memref_slice %arg4[%add3A, %dma_start3A_20, %dma_start3A_21] : memref<32x160x64xi32, #tpu.memory_space<hbm>> -> memref<1x1x64xi32, #tpu.memory_space<hbm>>
    %dma_start3A_23 = tpu.memref_squeeze %dma_start3A_22 : memref<1x1x64xi32, #tpu.memory_space<hbm>> -> memref<64xi32, #tpu.memory_space<hbm>>
    %dma_start3A_24 = arith.constant 0 : i32
    %dma_start3A_25 = tpu.memref_slice %arg4[%add3A, %dma_start3A_20, %dma_start3A_24] : memref<32x160x64xi32, #tpu.memory_space<hbm>> -> memref<1x1x64xi32, #tpu.memory_space<hbm>>
    %dma_start3A_26 = tpu.memref_squeeze %dma_start3A_25 : memref<1x1x64xi32, #tpu.memory_space<hbm>> -> memref<64xi32, #tpu.memory_space<hbm>>
    tpu.enqueue_dma source(%dma_start3A_26 : memref<64xi32, #tpu.memory_space<hbm>>) target(%arg10 : memref<64xi32, #tpu.memory_space<vmem>>) target_semaphore(%arg26 : memref<!tpu.dma_semaphore, #tpu.memory_space<semaphore_mem>>)
    %multiple_of3A_27 = arith.constant 128 : i32
    %multiple_of3A_28 = tpu.assume_multiple %multiple_of3A_27, 64 : i32
    %dma_start3A_29 = tpu.memref_slice %arg8[%multiple_of3A_28] : memref<10240xi32, #tpu.memory_space<vmem>> -> memref<64xi32, #tpu.memory_space<vmem>>
    %dma_start3A_30 = arith.constant 0 : i32
    %dma_start3A_31 = arith.constant 0 : i32
    %dma_start3A_32 = tpu.memref_slice %arg2[%dma_start3A_30, %dma_start3A_31] : memref<10000x128xf32, #tpu.memory_space<hbm>> -> memref<10000x128xf32, #tpu.memory_space<hbm>>
    tpu.enqueue_indirect_dma source(%dma_start3A_32 : memref<10000x128xf32, #tpu.memory_space<hbm>>) target(%arg15 : memref<64x128xf32, #tpu.memory_space<vmem>>) offsets(%dma_start3A_29 : memref<64xi32, #tpu.memory_space<vmem>>) semaphore(%arg19 : memref<!tpu.dma_semaphore, #tpu.memory_space<semaphore_mem>>)
    %dma_start3A_33 = arith.constant 2 : i32
    %dma_start3A_34 = arith.constant 0 : i32
    %dma_start3A_35 = tpu.memref_slice %arg4[%add3A, %dma_start3A_33, %dma_start3A_34] : memref<32x160x64xi32, #tpu.memory_space<hbm>> -> memref<1x1x64xi32, #tpu.memory_space<hbm>>
    %dma_start3A_36 = tpu.memref_squeeze %dma_start3A_35 : memref<1x1x64xi32, #tpu.memory_space<hbm>> -> memref<64xi32, #tpu.memory_space<hbm>>
    %dma_start3A_37 = arith.constant 0 : i32
    %dma_start3A_38 = tpu.memref_slice %arg4[%add3A, %dma_start3A_33, %dma_start3A_37] : memref<32x160x64xi32, #tpu.memory_space<hbm>> -> memref<1x1x64xi32, #tpu.memory_space<hbm>>
    %dma_start3A_39 = tpu.memref_squeeze %dma_start3A_38 : memref<1x1x64xi32, #tpu.memory_space<hbm>> -> memref<64xi32, #tpu.memory_space<hbm>>
    tpu.enqueue_dma source(%dma_start3A_39 : memref<64xi32, #tpu.memory_space<hbm>>) target(%arg11 : memref<64xi32, #tpu.memory_space<vmem>>) target_semaphore(%arg27 : memref<!tpu.dma_semaphore, #tpu.memory_space<semaphore_mem>>)
    %multiple_of3A_40 = arith.constant 192 : i32
    %multiple_of3A_41 = tpu.assume_multiple %multiple_of3A_40, 64 : i32
    %dma_start3A_42 = tpu.memref_slice %arg8[%multiple_of3A_41] : memref<10240xi32, #tpu.memory_space<vmem>> -> memref<64xi32, #tpu.memory_space<vmem>>
    %dma_start3A_43 = arith.constant 0 : i32
    %dma_start3A_44 = arith.constant 0 : i32
    %dma_start3A_45 = tpu.memref_slice %arg2[%dma_start3A_43, %dma_start3A_44] : memref<10000x128xf32, #tpu.memory_space<hbm>> -> memref<10000x128xf32, #tpu.memory_space<hbm>>
    tpu.enqueue_indirect_dma source(%dma_start3A_45 : memref<10000x128xf32, #tpu.memory_space<hbm>>) target(%arg16 : memref<64x128xf32, #tpu.memory_space<vmem>>) offsets(%dma_start3A_42 : memref<64xi32, #tpu.memory_space<vmem>>) semaphore(%arg20 : memref<!tpu.dma_semaphore, #tpu.memory_space<semaphore_mem>>)
    %dma_start3A_46 = arith.constant 3 : i32
    %dma_start3A_47 = arith.constant 0 : i32
    %dma_start3A_48 = tpu.memref_slice %arg4[%add3A, %dma_start3A_46, %dma_start3A_47] : memref<32x160x64xi32, #tpu.memory_space<hbm>> -> memref<1x1x64xi32, #tpu.memory_space<hbm>>
    %dma_start3A_49 = tpu.memref_squeeze %dma_start3A_48 : memref<1x1x64xi32, #tpu.memory_space<hbm>> -> memref<64xi32, #tpu.memory_space<hbm>>
    %dma_start3A_50 = arith.constant 0 : i32
    %dma_start3A_51 = tpu.memref_slice %arg4[%add3A, %dma_start3A_46, %dma_start3A_50] : memref<32x160x64xi32, #tpu.memory_space<hbm>> -> memref<1x1x64xi32, #tpu.memory_space<hbm>>
    %dma_start3A_52 = tpu.memref_squeeze %dma_start3A_51 : memref<1x1x64xi32, #tpu.memory_space<hbm>> -> memref<64xi32, #tpu.memory_space<hbm>>
    tpu.enqueue_dma source(%dma_start3A_52 : memref<64xi32, #tpu.memory_space<hbm>>) target(%arg12 : memref<64xi32, #tpu.memory_space<vmem>>) target_semaphore(%arg28 : memref<!tpu.dma_semaphore, #tpu.memory_space<semaphore_mem>>)
    %scan3A = arith.constant 0 : i32
    %scan3A_53 = arith.constant 0 : i32
    %scan3A_54 = arith.constant 39 : i32
    %scan3A_55 = arith.addi %scan3A_53, %scan3A_54 : i32
    %scan3A_56 = arith.constant 1 : i32
    scf.for %scan3A_134 = %scan3A_53 to %scan3A_55 step %scan3A_56  : i32 {
      %dma_wait3A_135 = arith.constant 0 : i32
      %dma_wait3A_136 = tpu.memref_slice %arg8[%dma_wait3A_135] : memref<10240xi32, #tpu.memory_space<vmem>> -> memref<64xi32, #tpu.memory_space<vmem>>
      %dma_wait3A_137 = arith.constant 0 : i32
      %dma_wait3A_138 = arith.constant 0 : i32
      %dma_wait3A_139 = tpu.memref_slice %arg2[%dma_wait3A_137, %dma_wait3A_138] : memref<10000x128xf32, #tpu.memory_space<hbm>> -> memref<10000x128xf32, #tpu.memory_space<hbm>>
      tpu.wait_indirect_dma semaphore(%arg17 : memref<!tpu.dma_semaphore, #tpu.memory_space<semaphore_mem>>) src(%dma_wait3A_139 : memref<10000x128xf32, #tpu.memory_space<hbm>>) dst(%arg13 : memref<64x128xf32, #tpu.memory_space<vmem>>)
      %dma_wait3A_140 = arith.constant 0 : i32
      %dma_wait3A_141 = arith.constant 0 : i32
      %dma_wait3A_142 = arith.constant 0 : i32
      %dma_wait3A_143 = tpu.memref_slice %arg4[%dma_wait3A_140, %dma_wait3A_141, %dma_wait3A_142] : memref<32x160x64xi32, #tpu.memory_space<hbm>> -> memref<1x1x64xi32, #tpu.memory_space<hbm>>
      %dma_wait3A_144 = tpu.memref_squeeze %dma_wait3A_143 : memref<1x1x64xi32, #tpu.memory_space<hbm>> -> memref<64xi32, #tpu.memory_space<hbm>>
      %dma_wait3A_145 = arith.constant 0 : i32
      %dma_wait3A_146 = tpu.memref_slice %arg4[%dma_wait3A_140, %dma_wait3A_141, %dma_wait3A_145] : memref<32x160x64xi32, #tpu.memory_space<hbm>> -> memref<1x1x64xi32, #tpu.memory_space<hbm>>
      %dma_wait3A_147 = tpu.memref_squeeze %dma_wait3A_146 : memref<1x1x64xi32, #tpu.memory_space<hbm>> -> memref<64xi32, #tpu.memory_space<hbm>>
      tpu.wait_dma2 semaphore(%arg25 : memref<!tpu.dma_semaphore, #tpu.memory_space<semaphore_mem>>) src(%dma_wait3A_147 : memref<64xi32, #tpu.memory_space<hbm>>) dst(%arg9 : memref<64xi32, #tpu.memory_space<vmem>>)
      %dma_start3A_148 = arith.constant 0 : i32
      %dma_start3A_149 = arith.constant 0 : i32
      %dma_start3A_150 = tpu.memref_slice %arg7[%dma_start3A_148, %dma_start3A_149] : memref<10240x128xf32, #tpu.memory_space<vmem_shared>> -> memref<10240x128xf32, #tpu.memory_space<vmem_shared>>
      tpu.enqueue_indirect_dma source(%arg13 : memref<64x128xf32, #tpu.memory_space<vmem>>) target(%dma_start3A_150 : memref<10240x128xf32, #tpu.memory_space<vmem_shared>>) offsets(%arg9 : memref<64xi32, #tpu.memory_space<vmem>>) semaphore(%arg21 : memref<!tpu.dma_semaphore, #tpu.memory_space<semaphore_mem>>) {add = true}
      %dma_wait3A_151 = arith.constant 0 : i32
      %dma_wait3A_152 = tpu.memref_slice %arg8[%dma_wait3A_151] : memref<10240xi32, #tpu.memory_space<vmem>> -> memref<64xi32, #tpu.memory_space<vmem>>
      %dma_wait3A_153 = arith.constant 0 : i32
      %dma_wait3A_154 = arith.constant 0 : i32
      %dma_wait3A_155 = tpu.memref_slice %arg2[%dma_wait3A_153, %dma_wait3A_154] : memref<10000x128xf32, #tpu.memory_space<hbm>> -> memref<10000x128xf32, #tpu.memory_space<hbm>>
      tpu.wait_indirect_dma semaphore(%arg18 : memref<!tpu.dma_semaphore, #tpu.memory_space<semaphore_mem>>) src(%dma_wait3A_155 : memref<10000x128xf32, #tpu.memory_space<hbm>>) dst(%arg14 : memref<64x128xf32, #tpu.memory_space<vmem>>)
      %dma_wait3A_156 = arith.constant 0 : i32
      %dma_wait3A_157 = arith.constant 0 : i32
      %dma_wait3A_158 = arith.constant 0 : i32
      %dma_wait3A_159 = tpu.memref_slice %arg4[%dma_wait3A_156, %dma_wait3A_157, %dma_wait3A_158] : memref<32x160x64xi32, #tpu.memory_space<hbm>> -> memref<1x1x64xi32, #tpu.memory_space<hbm>>
      %dma_wait3A_160 = tpu.memref_squeeze %dma_wait3A_159 : memref<1x1x64xi32, #tpu.memory_space<hbm>> -> memref<64xi32, #tpu.memory_space<hbm>>
      %dma_wait3A_161 = arith.constant 0 : i32
      %dma_wait3A_162 = tpu.memref_slice %arg4[%dma_wait3A_156, %dma_wait3A_157, %dma_wait3A_161] : memref<32x160x64xi32, #tpu.memory_space<hbm>> -> memref<1x1x64xi32, #tpu.memory_space<hbm>>
      %dma_wait3A_163 = tpu.memref_squeeze %dma_wait3A_162 : memref<1x1x64xi32, #tpu.memory_space<hbm>> -> memref<64xi32, #tpu.memory_space<hbm>>
      tpu.wait_dma2 semaphore(%arg26 : memref<!tpu.dma_semaphore, #tpu.memory_space<semaphore_mem>>) src(%dma_wait3A_163 : memref<64xi32, #tpu.memory_space<hbm>>) dst(%arg10 : memref<64xi32, #tpu.memory_space<vmem>>)
      %dma_start3A_164 = arith.constant 0 : i32
      %dma_start3A_165 = arith.constant 0 : i32
      %dma_start3A_166 = tpu.memref_slice %arg7[%dma_start3A_164, %dma_start3A_165] : memref<10240x128xf32, #tpu.memory_space<vmem_shared>> -> memref<10240x128xf32, #tpu.memory_space<vmem_shared>>
      tpu.enqueue_indirect_dma source(%arg14 : memref<64x128xf32, #tpu.memory_space<vmem>>) target(%dma_start3A_166 : memref<10240x128xf32, #tpu.memory_space<vmem_shared>>) offsets(%arg10 : memref<64xi32, #tpu.memory_space<vmem>>) semaphore(%arg22 : memref<!tpu.dma_semaphore, #tpu.memory_space<semaphore_mem>>) {add = true}
      %dma_wait3A_167 = arith.constant 0 : i32
      %dma_wait3A_168 = tpu.memref_slice %arg8[%dma_wait3A_167] : memref<10240xi32, #tpu.memory_space<vmem>> -> memref<64xi32, #tpu.memory_space<vmem>>
      %dma_wait3A_169 = arith.constant 0 : i32
      %dma_wait3A_170 = arith.constant 0 : i32
      %dma_wait3A_171 = tpu.memref_slice %arg2[%dma_wait3A_169, %dma_wait3A_170] : memref<10000x128xf32, #tpu.memory_space<hbm>> -> memref<10000x128xf32, #tpu.memory_space<hbm>>
      tpu.wait_indirect_dma semaphore(%arg19 : memref<!tpu.dma_semaphore, #tpu.memory_space<semaphore_mem>>) src(%dma_wait3A_171 : memref<10000x128xf32, #tpu.memory_space<hbm>>) dst(%arg15 : memref<64x128xf32, #tpu.memory_space<vmem>>)
      %dma_wait3A_172 = arith.constant 0 : i32
      %dma_wait3A_173 = arith.constant 0 : i32
      %dma_wait3A_174 = arith.constant 0 : i32
      %dma_wait3A_175 = tpu.memref_slice %arg4[%dma_wait3A_172, %dma_wait3A_173, %dma_wait3A_174] : memref<32x160x64xi32, #tpu.memory_space<hbm>> -> memref<1x1x64xi32, #tpu.memory_space<hbm>>
      %dma_wait3A_176 = tpu.memref_squeeze %dma_wait3A_175 : memref<1x1x64xi32, #tpu.memory_space<hbm>> -> memref<64xi32, #tpu.memory_space<hbm>>
      %dma_wait3A_177 = arith.constant 0 : i32
      %dma_wait3A_178 = tpu.memref_slice %arg4[%dma_wait3A_172, %dma_wait3A_173, %dma_wait3A_177] : memref<32x160x64xi32, #tpu.memory_space<hbm>> -> memref<1x1x64xi32, #tpu.memory_space<hbm>>
      %dma_wait3A_179 = tpu.memref_squeeze %dma_wait3A_178 : memref<1x1x64xi32, #tpu.memory_space<hbm>> -> memref<64xi32, #tpu.memory_space<hbm>>
      tpu.wait_dma2 semaphore(%arg27 : memref<!tpu.dma_semaphore, #tpu.memory_space<semaphore_mem>>) src(%dma_wait3A_179 : memref<64xi32, #tpu.memory_space<hbm>>) dst(%arg11 : memref<64xi32, #tpu.memory_space<vmem>>)
      %dma_start3A_180 = arith.constant 0 : i32
      %dma_start3A_181 = arith.constant 0 : i32
      %dma_start3A_182 = tpu.memref_slice %arg7[%dma_start3A_180, %dma_start3A_181] : memref<10240x128xf32, #tpu.memory_space<vmem_shared>> -> memref<10240x128xf32, #tpu.memory_space<vmem_shared>>
      tpu.enqueue_indirect_dma source(%arg15 : memref<64x128xf32, #tpu.memory_space<vmem>>) target(%dma_start3A_182 : memref<10240x128xf32, #tpu.memory_space<vmem_shared>>) offsets(%arg11 : memref<64xi32, #tpu.memory_space<vmem>>) semaphore(%arg23 : memref<!tpu.dma_semaphore, #tpu.memory_space<semaphore_mem>>) {add = true}
      %dma_wait3A_183 = arith.constant 0 : i32
      %dma_wait3A_184 = tpu.memref_slice %arg8[%dma_wait3A_183] : memref<10240xi32, #tpu.memory_space<vmem>> -> memref<64xi32, #tpu.memory_space<vmem>>
      %dma_wait3A_185 = arith.constant 0 : i32
      %dma_wait3A_186 = arith.constant 0 : i32
      %dma_wait3A_187 = tpu.memref_slice %arg2[%dma_wait3A_185, %dma_wait3A_186] : memref<10000x128xf32, #tpu.memory_space<hbm>> -> memref<10000x128xf32, #tpu.memory_space<hbm>>
      tpu.wait_indirect_dma semaphore(%arg20 : memref<!tpu.dma_semaphore, #tpu.memory_space<semaphore_mem>>) src(%dma_wait3A_187 : memref<10000x128xf32, #tpu.memory_space<hbm>>) dst(%arg16 : memref<64x128xf32, #tpu.memory_space<vmem>>)
      %dma_wait3A_188 = arith.constant 0 : i32
      %dma_wait3A_189 = arith.constant 0 : i32
      %dma_wait3A_190 = arith.constant 0 : i32
      %dma_wait3A_191 = tpu.memref_slice %arg4[%dma_wait3A_188, %dma_wait3A_189, %dma_wait3A_190] : memref<32x160x64xi32, #tpu.memory_space<hbm>> -> memref<1x1x64xi32, #tpu.memory_space<hbm>>
      %dma_wait3A_192 = tpu.memref_squeeze %dma_wait3A_191 : memref<1x1x64xi32, #tpu.memory_space<hbm>> -> memref<64xi32, #tpu.memory_space<hbm>>
      %dma_wait3A_193 = arith.constant 0 : i32
      %dma_wait3A_194 = tpu.memref_slice %arg4[%dma_wait3A_188, %dma_wait3A_189, %dma_wait3A_193] : memref<32x160x64xi32, #tpu.memory_space<hbm>> -> memref<1x1x64xi32, #tpu.memory_space<hbm>>
      %dma_wait3A_195 = tpu.memref_squeeze %dma_wait3A_194 : memref<1x1x64xi32, #tpu.memory_space<hbm>> -> memref<64xi32, #tpu.memory_space<hbm>>
      tpu.wait_dma2 semaphore(%arg28 : memref<!tpu.dma_semaphore, #tpu.memory_space<semaphore_mem>>) src(%dma_wait3A_195 : memref<64xi32, #tpu.memory_space<hbm>>) dst(%arg12 : memref<64xi32, #tpu.memory_space<vmem>>)
      %dma_start3A_196 = arith.constant 0 : i32
      %dma_start3A_197 = arith.constant 0 : i32
      %dma_start3A_198 = tpu.memref_slice %arg7[%dma_start3A_196, %dma_start3A_197] : memref<10240x128xf32, #tpu.memory_space<vmem_shared>> -> memref<10240x128xf32, #tpu.memory_space<vmem_shared>>
      tpu.enqueue_indirect_dma source(%arg16 : memref<64x128xf32, #tpu.memory_space<vmem>>) target(%dma_start3A_198 : memref<10240x128xf32, #tpu.memory_space<vmem_shared>>) offsets(%arg12 : memref<64xi32, #tpu.memory_space<vmem>>) semaphore(%arg24 : memref<!tpu.dma_semaphore, #tpu.memory_space<semaphore_mem>>) {add = true}
      %dma_wait3A_199 = arith.constant 0 : i32
      %dma_wait3A_200 = arith.constant 0 : i32
      %dma_wait3A_201 = tpu.memref_slice %arg7[%dma_wait3A_199, %dma_wait3A_200] : memref<10240x128xf32, #tpu.memory_space<vmem_shared>> -> memref<10240x128xf32, #tpu.memory_space<vmem_shared>>
      tpu.wait_indirect_dma semaphore(%arg21 : memref<!tpu.dma_semaphore, #tpu.memory_space<semaphore_mem>>) src(%arg13 : memref<64x128xf32, #tpu.memory_space<vmem>>) dst(%dma_wait3A_201 : memref<10240x128xf32, #tpu.memory_space<vmem_shared>>)
      %add3A_202 = arith.constant 1 : i32
      %add3A_203 = arith.addi %scan3A_134, %add3A_202 : i32
      %mul3A_204 = arith.constant 4 : i32
      %mul3A_205 = arith.muli %add3A_203, %mul3A_204 : i32
      %add3A_206 = arith.constant 0 : i32
      %add3A_207 = arith.addi %mul3A_205, %add3A_206 : i32
      %mul3A_208 = arith.constant 64 : i32
      %mul3A_209 = arith.muli %add3A_207, %mul3A_208 : i32
      %multiple_of3A_210 = tpu.assume_multiple %mul3A_209, 64 : i32
      %dma_start3A_211 = tpu.memref_slice %arg8[%multiple_of3A_210] : memref<10240xi32, #tpu.memory_space<vmem>> -> memref<64xi32, #tpu.memory_space<vmem>>
      %dma_start3A_212 = arith.constant 0 : i32
      %dma_start3A_213 = arith.constant 0 : i32
      %dma_start3A_214 = tpu.memref_slice %arg2[%dma_start3A_212, %dma_start3A_213] : memref<10000x128xf32, #tpu.memory_space<hbm>> -> memref<10000x128xf32, #tpu.memory_space<hbm>>
      tpu.enqueue_indirect_dma source(%dma_start3A_214 : memref<10000x128xf32, #tpu.memory_space<hbm>>) target(%arg13 : memref<64x128xf32, #tpu.memory_space<vmem>>) offsets(%dma_start3A_211 : memref<64xi32, #tpu.memory_space<vmem>>) semaphore(%arg17 : memref<!tpu.dma_semaphore, #tpu.memory_space<semaphore_mem>>)
      %add3A_215 = arith.constant 1 : i32
      %add3A_216 = arith.addi %scan3A_134, %add3A_215 : i32
      %mul3A_217 = arith.constant 4 : i32
      %mul3A_218 = arith.muli %add3A_216, %mul3A_217 : i32
      %add3A_219 = arith.constant 0 : i32
      %add3A_220 = arith.addi %mul3A_218, %add3A_219 : i32
      %dma_start3A_221 = arith.constant 0 : i32
      %dma_start3A_222 = tpu.memref_slice %arg4[%add3A, %add3A_220, %dma_start3A_221] : memref<32x160x64xi32, #tpu.memory_space<hbm>> -> memref<1x1x64xi32, #tpu.memory_space<hbm>>
      %dma_start3A_223 = tpu.memref_squeeze %dma_start3A_222 : memref<1x1x64xi32, #tpu.memory_space<hbm>> -> memref<64xi32, #tpu.memory_space<hbm>>
      %dma_start3A_224 = arith.constant 0 : i32
      %dma_start3A_225 = tpu.memref_slice %arg4[%add3A, %add3A_220, %dma_start3A_224] : memref<32x160x64xi32, #tpu.memory_space<hbm>> -> memref<1x1x64xi32, #tpu.memory_space<hbm>>
      %dma_start3A_226 = tpu.memref_squeeze %dma_start3A_225 : memref<1x1x64xi32, #tpu.memory_space<hbm>> -> memref<64xi32, #tpu.memory_space<hbm>>
      tpu.enqueue_dma source(%dma_start3A_226 : memref<64xi32, #tpu.memory_space<hbm>>) target(%arg9 : memref<64xi32, #tpu.memory_space<vmem>>) target_semaphore(%arg25 : memref<!tpu.dma_semaphore, #tpu.memory_space<semaphore_mem>>)
      %dma_wait3A_227 = arith.constant 0 : i32
      %dma_wait3A_228 = arith.constant 0 : i32
      %dma_wait3A_229 = tpu.memref_slice %arg7[%dma_wait3A_227, %dma_wait3A_228] : memref<10240x128xf32, #tpu.memory_space<vmem_shared>> -> memref<10240x128xf32, #tpu.memory_space<vmem_shared>>
      tpu.wait_indirect_dma semaphore(%arg22 : memref<!tpu.dma_semaphore, #tpu.memory_space<semaphore_mem>>) src(%arg14 : memref<64x128xf32, #tpu.memory_space<vmem>>) dst(%dma_wait3A_229 : memref<10240x128xf32, #tpu.memory_space<vmem_shared>>)
      %add3A_230 = arith.constant 1 : i32
      %add3A_231 = arith.addi %scan3A_134, %add3A_230 : i32
      %mul3A_232 = arith.constant 4 : i32
      %mul3A_233 = arith.muli %add3A_231, %mul3A_232 : i32
      %add3A_234 = arith.constant 1 : i32
      %add3A_235 = arith.addi %mul3A_233, %add3A_234 : i32
      %mul3A_236 = arith.constant 64 : i32
      %mul3A_237 = arith.muli %add3A_235, %mul3A_236 : i32
      %multiple_of3A_238 = tpu.assume_multiple %mul3A_237, 64 : i32
      %dma_start3A_239 = tpu.memref_slice %arg8[%multiple_of3A_238] : memref<10240xi32, #tpu.memory_space<vmem>> -> memref<64xi32, #tpu.memory_space<vmem>>
      %dma_start3A_240 = arith.constant 0 : i32
      %dma_start3A_241 = arith.constant 0 : i32
      %dma_start3A_242 = tpu.memref_slice %arg2[%dma_start3A_240, %dma_start3A_241] : memref<10000x128xf32, #tpu.memory_space<hbm>> -> memref<10000x128xf32, #tpu.memory_space<hbm>>
      tpu.enqueue_indirect_dma source(%dma_start3A_242 : memref<10000x128xf32, #tpu.memory_space<hbm>>) target(%arg14 : memref<64x128xf32, #tpu.memory_space<vmem>>) offsets(%dma_start3A_239 : memref<64xi32, #tpu.memory_space<vmem>>) semaphore(%arg18 : memref<!tpu.dma_semaphore, #tpu.memory_space<semaphore_mem>>)
      %add3A_243 = arith.constant 1 : i32
      %add3A_244 = arith.addi %scan3A_134, %add3A_243 : i32
      %mul3A_245 = arith.constant 4 : i32
      %mul3A_246 = arith.muli %add3A_244, %mul3A_245 : i32
      %add3A_247 = arith.constant 1 : i32
      %add3A_248 = arith.addi %mul3A_246, %add3A_247 : i32
      %dma_start3A_249 = arith.constant 0 : i32
      %dma_start3A_250 = tpu.memref_slice %arg4[%add3A, %add3A_248, %dma_start3A_249] : memref<32x160x64xi32, #tpu.memory_space<hbm>> -> memref<1x1x64xi32, #tpu.memory_space<hbm>>
      %dma_start3A_251 = tpu.memref_squeeze %dma_start3A_250 : memref<1x1x64xi32, #tpu.memory_space<hbm>> -> memref<64xi32, #tpu.memory_space<hbm>>
      %dma_start3A_252 = arith.constant 0 : i32
      %dma_start3A_253 = tpu.memref_slice %arg4[%add3A, %add3A_248, %dma_start3A_252] : memref<32x160x64xi32, #tpu.memory_space<hbm>> -> memref<1x1x64xi32, #tpu.memory_space<hbm>>
      %dma_start3A_254 = tpu.memref_squeeze %dma_start3A_253 : memref<1x1x64xi32, #tpu.memory_space<hbm>> -> memref<64xi32, #tpu.memory_space<hbm>>
      tpu.enqueue_dma source(%dma_start3A_254 : memref<64xi32, #tpu.memory_space<hbm>>) target(%arg10 : memref<64xi32, #tpu.memory_space<vmem>>) target_semaphore(%arg26 : memref<!tpu.dma_semaphore, #tpu.memory_space<semaphore_mem>>)
      %dma_wait3A_255 = arith.constant 0 : i32
      %dma_wait3A_256 = arith.constant 0 : i32
      %dma_wait3A_257 = tpu.memref_slice %arg7[%dma_wait3A_255, %dma_wait3A_256] : memref<10240x128xf32, #tpu.memory_space<vmem_shared>> -> memref<10240x128xf32, #tpu.memory_space<vmem_shared>>
      tpu.wait_indirect_dma semaphore(%arg23 : memref<!tpu.dma_semaphore, #tpu.memory_space<semaphore_mem>>) src(%arg15 : memref<64x128xf32, #tpu.memory_space<vmem>>) dst(%dma_wait3A_257 : memref<10240x128xf32, #tpu.memory_space<vmem_shared>>)
      %add3A_258 = arith.constant 1 : i32
      %add3A_259 = arith.addi %scan3A_134, %add3A_258 : i32
      %mul3A_260 = arith.constant 4 : i32
      %mul3A_261 = arith.muli %add3A_259, %mul3A_260 : i32
      %add3A_262 = arith.constant 2 : i32
      %add3A_263 = arith.addi %mul3A_261, %add3A_262 : i32
      %mul3A_264 = arith.constant 64 : i32
      %mul3A_265 = arith.muli %add3A_263, %mul3A_264 : i32
      %multiple_of3A_266 = tpu.assume_multiple %mul3A_265, 64 : i32
      %dma_start3A_267 = tpu.memref_slice %arg8[%multiple_of3A_266] : memref<10240xi32, #tpu.memory_space<vmem>> -> memref<64xi32, #tpu.memory_space<vmem>>
      %dma_start3A_268 = arith.constant 0 : i32
      %dma_start3A_269 = arith.constant 0 : i32
      %dma_start3A_270 = tpu.memref_slice %arg2[%dma_start3A_268, %dma_start3A_269] : memref<10000x128xf32, #tpu.memory_space<hbm>> -> memref<10000x128xf32, #tpu.memory_space<hbm>>
      tpu.enqueue_indirect_dma source(%dma_start3A_270 : memref<10000x128xf32, #tpu.memory_space<hbm>>) target(%arg15 : memref<64x128xf32, #tpu.memory_space<vmem>>) offsets(%dma_start3A_267 : memref<64xi32, #tpu.memory_space<vmem>>) semaphore(%arg19 : memref<!tpu.dma_semaphore, #tpu.memory_space<semaphore_mem>>)
      %add3A_271 = arith.constant 1 : i32
      %add3A_272 = arith.addi %scan3A_134, %add3A_271 : i32
      %mul3A_273 = arith.constant 4 : i32
      %mul3A_274 = arith.muli %add3A_272, %mul3A_273 : i32
      %add3A_275 = arith.constant 2 : i32
      %add3A_276 = arith.addi %mul3A_274, %add3A_275 : i32
      %dma_start3A_277 = arith.constant 0 : i32
      %dma_start3A_278 = tpu.memref_slice %arg4[%add3A, %add3A_276, %dma_start3A_277] : memref<32x160x64xi32, #tpu.memory_space<hbm>> -> memref<1x1x64xi32, #tpu.memory_space<hbm>>
      %dma_start3A_279 = tpu.memref_squeeze %dma_start3A_278 : memref<1x1x64xi32, #tpu.memory_space<hbm>> -> memref<64xi32, #tpu.memory_space<hbm>>
      %dma_start3A_280 = arith.constant 0 : i32
      %dma_start3A_281 = tpu.memref_slice %arg4[%add3A, %add3A_276, %dma_start3A_280] : memref<32x160x64xi32, #tpu.memory_space<hbm>> -> memref<1x1x64xi32, #tpu.memory_space<hbm>>
      %dma_start3A_282 = tpu.memref_squeeze %dma_start3A_281 : memref<1x1x64xi32, #tpu.memory_space<hbm>> -> memref<64xi32, #tpu.memory_space<hbm>>
      tpu.enqueue_dma source(%dma_start3A_282 : memref<64xi32, #tpu.memory_space<hbm>>) target(%arg11 : memref<64xi32, #tpu.memory_space<vmem>>) target_semaphore(%arg27 : memref<!tpu.dma_semaphore, #tpu.memory_space<semaphore_mem>>)
      %dma_wait3A_283 = arith.constant 0 : i32
      %dma_wait3A_284 = arith.constant 0 : i32
      %dma_wait3A_285 = tpu.memref_slice %arg7[%dma_wait3A_283, %dma_wait3A_284] : memref<10240x128xf32, #tpu.memory_space<vmem_shared>> -> memref<10240x128xf32, #tpu.memory_space<vmem_shared>>
      tpu.wait_indirect_dma semaphore(%arg24 : memref<!tpu.dma_semaphore, #tpu.memory_space<semaphore_mem>>) src(%arg16 : memref<64x128xf32, #tpu.memory_space<vmem>>) dst(%dma_wait3A_285 : memref<10240x128xf32, #tpu.memory_space<vmem_shared>>)
      %add3A_286 = arith.constant 1 : i32
      %add3A_287 = arith.addi %scan3A_134, %add3A_286 : i32
      %mul3A_288 = arith.constant 4 : i32
      %mul3A_289 = arith.muli %add3A_287, %mul3A_288 : i32
      %add3A_290 = arith.constant 3 : i32
      %add3A_291 = arith.addi %mul3A_289, %add3A_290 : i32
      %mul3A_292 = arith.constant 64 : i32
      %mul3A_293 = arith.muli %add3A_291, %mul3A_292 : i32
      %multiple_of3A_294 = tpu.assume_multiple %mul3A_293, 64 : i32
      %dma_start3A_295 = tpu.memref_slice %arg8[%multiple_of3A_294] : memref<10240xi32, #tpu.memory_space<vmem>> -> memref<64xi32, #tpu.memory_space<vmem>>
      %dma_start3A_296 = arith.constant 0 : i32
      %dma_start3A_297 = arith.constant 0 : i32
      %dma_start3A_298 = tpu.memref_slice %arg2[%dma_start3A_296, %dma_start3A_297] : memref<10000x128xf32, #tpu.memory_space<hbm>> -> memref<10000x128xf32, #tpu.memory_space<hbm>>
      tpu.enqueue_indirect_dma source(%dma_start3A_298 : memref<10000x128xf32, #tpu.memory_space<hbm>>) target(%arg16 : memref<64x128xf32, #tpu.memory_space<vmem>>) offsets(%dma_start3A_295 : memref<64xi32, #tpu.memory_space<vmem>>) semaphore(%arg20 : memref<!tpu.dma_semaphore, #tpu.memory_space<semaphore_mem>>)
      %add3A_299 = arith.constant 1 : i32
      %add3A_300 = arith.addi %scan3A_134, %add3A_299 : i32
      %mul3A_301 = arith.constant 4 : i32
      %mul3A_302 = arith.muli %add3A_300, %mul3A_301 : i32
      %add3A_303 = arith.constant 3 : i32
      %add3A_304 = arith.addi %mul3A_302, %add3A_303 : i32
      %dma_start3A_305 = arith.constant 0 : i32
      %dma_start3A_306 = tpu.memref_slice %arg4[%add3A, %add3A_304, %dma_start3A_305] : memref<32x160x64xi32, #tpu.memory_space<hbm>> -> memref<1x1x64xi32, #tpu.memory_space<hbm>>
      %dma_start3A_307 = tpu.memref_squeeze %dma_start3A_306 : memref<1x1x64xi32, #tpu.memory_space<hbm>> -> memref<64xi32, #tpu.memory_space<hbm>>
      %dma_start3A_308 = arith.constant 0 : i32
      %dma_start3A_309 = tpu.memref_slice %arg4[%add3A, %add3A_304, %dma_start3A_308] : memref<32x160x64xi32, #tpu.memory_space<hbm>> -> memref<1x1x64xi32, #tpu.memory_space<hbm>>
      %dma_start3A_310 = tpu.memref_squeeze %dma_start3A_309 : memref<1x1x64xi32, #tpu.memory_space<hbm>> -> memref<64xi32, #tpu.memory_space<hbm>>
      tpu.enqueue_dma source(%dma_start3A_310 : memref<64xi32, #tpu.memory_space<hbm>>) target(%arg12 : memref<64xi32, #tpu.memory_space<vmem>>) target_semaphore(%arg28 : memref<!tpu.dma_semaphore, #tpu.memory_space<semaphore_mem>>)
    }
    %scan3A_57 = arith.constant 39 : i32
    %dma_wait3A = arith.constant 0 : i32
    %dma_wait3A_58 = tpu.memref_slice %arg8[%dma_wait3A] : memref<10240xi32, #tpu.memory_space<vmem>> -> memref<64xi32, #tpu.memory_space<vmem>>
    %dma_wait3A_59 = arith.constant 0 : i32
    %dma_wait3A_60 = arith.constant 0 : i32
    %dma_wait3A_61 = tpu.memref_slice %arg2[%dma_wait3A_59, %dma_wait3A_60] : memref<10000x128xf32, #tpu.memory_space<hbm>> -> memref<10000x128xf32, #tpu.memory_space<hbm>>
    tpu.wait_indirect_dma semaphore(%arg17 : memref<!tpu.dma_semaphore, #tpu.memory_space<semaphore_mem>>) src(%dma_wait3A_61 : memref<10000x128xf32, #tpu.memory_space<hbm>>) dst(%arg13 : memref<64x128xf32, #tpu.memory_space<vmem>>)
    %dma_wait3A_62 = arith.constant 0 : i32
    %dma_wait3A_63 = arith.constant 0 : i32
    %dma_wait3A_64 = arith.constant 0 : i32
    %dma_wait3A_65 = tpu.memref_slice %arg4[%dma_wait3A_62, %dma_wait3A_63, %dma_wait3A_64] : memref<32x160x64xi32, #tpu.memory_space<hbm>> -> memref<1x1x64xi32, #tpu.memory_space<hbm>>
    %dma_wait3A_66 = tpu.memref_squeeze %dma_wait3A_65 : memref<1x1x64xi32, #tpu.memory_space<hbm>> -> memref<64xi32, #tpu.memory_space<hbm>>
    %dma_wait3A_67 = arith.constant 0 : i32
    %dma_wait3A_68 = tpu.memref_slice %arg4[%dma_wait3A_62, %dma_wait3A_63, %dma_wait3A_67] : memref<32x160x64xi32, #tpu.memory_space<hbm>> -> memref<1x1x64xi32, #tpu.memory_space<hbm>>
    %dma_wait3A_69 = tpu.memref_squeeze %dma_wait3A_68 : memref<1x1x64xi32, #tpu.memory_space<hbm>> -> memref<64xi32, #tpu.memory_space<hbm>>
    tpu.wait_dma2 semaphore(%arg25 : memref<!tpu.dma_semaphore, #tpu.memory_space<semaphore_mem>>) src(%dma_wait3A_69 : memref<64xi32, #tpu.memory_space<hbm>>) dst(%arg9 : memref<64xi32, #tpu.memory_space<vmem>>)
    %dma_start3A_70 = arith.constant 0 : i32
    %dma_start3A_71 = arith.constant 0 : i32
    %dma_start3A_72 = tpu.memref_slice %arg7[%dma_start3A_70, %dma_start3A_71] : memref<10240x128xf32, #tpu.memory_space<vmem_shared>> -> memref<10240x128xf32, #tpu.memory_space<vmem_shared>>
    tpu.enqueue_indirect_dma source(%arg13 : memref<64x128xf32, #tpu.memory_space<vmem>>) target(%dma_start3A_72 : memref<10240x128xf32, #tpu.memory_space<vmem_shared>>) offsets(%arg9 : memref<64xi32, #tpu.memory_space<vmem>>) semaphore(%arg21 : memref<!tpu.dma_semaphore, #tpu.memory_space<semaphore_mem>>) {add = true}
    %dma_wait3A_73 = arith.constant 0 : i32
    %dma_wait3A_74 = tpu.memref_slice %arg8[%dma_wait3A_73] : memref<10240xi32, #tpu.memory_space<vmem>> -> memref<64xi32, #tpu.memory_space<vmem>>
    %dma_wait3A_75 = arith.constant 0 : i32
    %dma_wait3A_76 = arith.constant 0 : i32
    %dma_wait3A_77 = tpu.memref_slice %arg2[%dma_wait3A_75, %dma_wait3A_76] : memref<10000x128xf32, #tpu.memory_space<hbm>> -> memref<10000x128xf32, #tpu.memory_space<hbm>>
    tpu.wait_indirect_dma semaphore(%arg18 : memref<!tpu.dma_semaphore, #tpu.memory_space<semaphore_mem>>) src(%dma_wait3A_77 : memref<10000x128xf32, #tpu.memory_space<hbm>>) dst(%arg14 : memref<64x128xf32, #tpu.memory_space<vmem>>)
    %dma_wait3A_78 = arith.constant 0 : i32
    %dma_wait3A_79 = arith.constant 0 : i32
    %dma_wait3A_80 = arith.constant 0 : i32
    %dma_wait3A_81 = tpu.memref_slice %arg4[%dma_wait3A_78, %dma_wait3A_79, %dma_wait3A_80] : memref<32x160x64xi32, #tpu.memory_space<hbm>> -> memref<1x1x64xi32, #tpu.memory_space<hbm>>
    %dma_wait3A_82 = tpu.memref_squeeze %dma_wait3A_81 : memref<1x1x64xi32, #tpu.memory_space<hbm>> -> memref<64xi32, #tpu.memory_space<hbm>>
    %dma_wait3A_83 = arith.constant 0 : i32
    %dma_wait3A_84 = tpu.memref_slice %arg4[%dma_wait3A_78, %dma_wait3A_79, %dma_wait3A_83] : memref<32x160x64xi32, #tpu.memory_space<hbm>> -> memref<1x1x64xi32, #tpu.memory_space<hbm>>
    %dma_wait3A_85 = tpu.memref_squeeze %dma_wait3A_84 : memref<1x1x64xi32, #tpu.memory_space<hbm>> -> memref<64xi32, #tpu.memory_space<hbm>>
    tpu.wait_dma2 semaphore(%arg26 : memref<!tpu.dma_semaphore, #tpu.memory_space<semaphore_mem>>) src(%dma_wait3A_85 : memref<64xi32, #tpu.memory_space<hbm>>) dst(%arg10 : memref<64xi32, #tpu.memory_space<vmem>>)
    %dma_start3A_86 = arith.constant 0 : i32
    %dma_start3A_87 = arith.constant 0 : i32
    %dma_start3A_88 = tpu.memref_slice %arg7[%dma_start3A_86, %dma_start3A_87] : memref<10240x128xf32, #tpu.memory_space<vmem_shared>> -> memref<10240x128xf32, #tpu.memory_space<vmem_shared>>
    tpu.enqueue_indirect_dma source(%arg14 : memref<64x128xf32, #tpu.memory_space<vmem>>) target(%dma_start3A_88 : memref<10240x128xf32, #tpu.memory_space<vmem_shared>>) offsets(%arg10 : memref<64xi32, #tpu.memory_space<vmem>>) semaphore(%arg22 : memref<!tpu.dma_semaphore, #tpu.memory_space<semaphore_mem>>) {add = true}
    %dma_wait3A_89 = arith.constant 0 : i32
    %dma_wait3A_90 = tpu.memref_slice %arg8[%dma_wait3A_89] : memref<10240xi32, #tpu.memory_space<vmem>> -> memref<64xi32, #tpu.memory_space<vmem>>
    %dma_wait3A_91 = arith.constant 0 : i32
    %dma_wait3A_92 = arith.constant 0 : i32
    %dma_wait3A_93 = tpu.memref_slice %arg2[%dma_wait3A_91, %dma_wait3A_92] : memref<10000x128xf32, #tpu.memory_space<hbm>> -> memref<10000x128xf32, #tpu.memory_space<hbm>>
    tpu.wait_indirect_dma semaphore(%arg19 : memref<!tpu.dma_semaphore, #tpu.memory_space<semaphore_mem>>) src(%dma_wait3A_93 : memref<10000x128xf32, #tpu.memory_space<hbm>>) dst(%arg15 : memref<64x128xf32, #tpu.memory_space<vmem>>)
    %dma_wait3A_94 = arith.constant 0 : i32
    %dma_wait3A_95 = arith.constant 0 : i32
    %dma_wait3A_96 = arith.constant 0 : i32
    %dma_wait3A_97 = tpu.memref_slice %arg4[%dma_wait3A_94, %dma_wait3A_95, %dma_wait3A_96] : memref<32x160x64xi32, #tpu.memory_space<hbm>> -> memref<1x1x64xi32, #tpu.memory_space<hbm>>
    %dma_wait3A_98 = tpu.memref_squeeze %dma_wait3A_97 : memref<1x1x64xi32, #tpu.memory_space<hbm>> -> memref<64xi32, #tpu.memory_space<hbm>>
    %dma_wait3A_99 = arith.constant 0 : i32
    %dma_wait3A_100 = tpu.memref_slice %arg4[%dma_wait3A_94, %dma_wait3A_95, %dma_wait3A_99] : memref<32x160x64xi32, #tpu.memory_space<hbm>> -> memref<1x1x64xi32, #tpu.memory_space<hbm>>
    %dma_wait3A_101 = tpu.memref_squeeze %dma_wait3A_100 : memref<1x1x64xi32, #tpu.memory_space<hbm>> -> memref<64xi32, #tpu.memory_space<hbm>>
    tpu.wait_dma2 semaphore(%arg27 : memref<!tpu.dma_semaphore, #tpu.memory_space<semaphore_mem>>) src(%dma_wait3A_101 : memref<64xi32, #tpu.memory_space<hbm>>) dst(%arg11 : memref<64xi32, #tpu.memory_space<vmem>>)
    %dma_start3A_102 = arith.constant 0 : i32
    %dma_start3A_103 = arith.constant 0 : i32
    %dma_start3A_104 = tpu.memref_slice %arg7[%dma_start3A_102, %dma_start3A_103] : memref<10240x128xf32, #tpu.memory_space<vmem_shared>> -> memref<10240x128xf32, #tpu.memory_space<vmem_shared>>
    tpu.enqueue_indirect_dma source(%arg15 : memref<64x128xf32, #tpu.memory_space<vmem>>) target(%dma_start3A_104 : memref<10240x128xf32, #tpu.memory_space<vmem_shared>>) offsets(%arg11 : memref<64xi32, #tpu.memory_space<vmem>>) semaphore(%arg23 : memref<!tpu.dma_semaphore, #tpu.memory_space<semaphore_mem>>) {add = true}
    %dma_wait3A_105 = arith.constant 0 : i32
    %dma_wait3A_106 = tpu.memref_slice %arg8[%dma_wait3A_105] : memref<10240xi32, #tpu.memory_space<vmem>> -> memref<64xi32, #tpu.memory_space<vmem>>
    %dma_wait3A_107 = arith.constant 0 : i32
    %dma_wait3A_108 = arith.constant 0 : i32
    %dma_wait3A_109 = tpu.memref_slice %arg2[%dma_wait3A_107, %dma_wait3A_108] : memref<10000x128xf32, #tpu.memory_space<hbm>> -> memref<10000x128xf32, #tpu.memory_space<hbm>>
    tpu.wait_indirect_dma semaphore(%arg20 : memref<!tpu.dma_semaphore, #tpu.memory_space<semaphore_mem>>) src(%dma_wait3A_109 : memref<10000x128xf32, #tpu.memory_space<hbm>>) dst(%arg16 : memref<64x128xf32, #tpu.memory_space<vmem>>)
    %dma_wait3A_110 = arith.constant 0 : i32
    %dma_wait3A_111 = arith.constant 0 : i32
    %dma_wait3A_112 = arith.constant 0 : i32
    %dma_wait3A_113 = tpu.memref_slice %arg4[%dma_wait3A_110, %dma_wait3A_111, %dma_wait3A_112] : memref<32x160x64xi32, #tpu.memory_space<hbm>> -> memref<1x1x64xi32, #tpu.memory_space<hbm>>
    %dma_wait3A_114 = tpu.memref_squeeze %dma_wait3A_113 : memref<1x1x64xi32, #tpu.memory_space<hbm>> -> memref<64xi32, #tpu.memory_space<hbm>>
    %dma_wait3A_115 = arith.constant 0 : i32
    %dma_wait3A_116 = tpu.memref_slice %arg4[%dma_wait3A_110, %dma_wait3A_111, %dma_wait3A_115] : memref<32x160x64xi32, #tpu.memory_space<hbm>> -> memref<1x1x64xi32, #tpu.memory_space<hbm>>
    %dma_wait3A_117 = tpu.memref_squeeze %dma_wait3A_116 : memref<1x1x64xi32, #tpu.memory_space<hbm>> -> memref<64xi32, #tpu.memory_space<hbm>>
    tpu.wait_dma2 semaphore(%arg28 : memref<!tpu.dma_semaphore, #tpu.memory_space<semaphore_mem>>) src(%dma_wait3A_117 : memref<64xi32, #tpu.memory_space<hbm>>) dst(%arg12 : memref<64xi32, #tpu.memory_space<vmem>>)
    %dma_start3A_118 = arith.constant 0 : i32
    %dma_start3A_119 = arith.constant 0 : i32
    %dma_start3A_120 = tpu.memref_slice %arg7[%dma_start3A_118, %dma_start3A_119] : memref<10240x128xf32, #tpu.memory_space<vmem_shared>> -> memref<10240x128xf32, #tpu.memory_space<vmem_shared>>
    tpu.enqueue_indirect_dma source(%arg16 : memref<64x128xf32, #tpu.memory_space<vmem>>) target(%dma_start3A_120 : memref<10240x128xf32, #tpu.memory_space<vmem_shared>>) offsets(%arg12 : memref<64xi32, #tpu.memory_space<vmem>>) semaphore(%arg24 : memref<!tpu.dma_semaphore, #tpu.memory_space<semaphore_mem>>) {add = true}
    %dma_wait3A_121 = arith.constant 0 : i32
    %dma_wait3A_122 = arith.constant 0 : i32
    %dma_wait3A_123 = tpu.memref_slice %arg7[%dma_wait3A_121, %dma_wait3A_122] : memref<10240x128xf32, #tpu.memory_space<vmem_shared>> -> memref<10240x128xf32, #tpu.memory_space<vmem_shared>>
    tpu.wait_indirect_dma semaphore(%arg21 : memref<!tpu.dma_semaphore, #tpu.memory_space<semaphore_mem>>) src(%arg13 : memref<64x128xf32, #tpu.memory_space<vmem>>) dst(%dma_wait3A_123 : memref<10240x128xf32, #tpu.memory_space<vmem_shared>>)
    %dma_wait3A_124 = arith.constant 0 : i32
    %dma_wait3A_125 = arith.constant 0 : i32
    %dma_wait3A_126 = tpu.memref_slice %arg7[%dma_wait3A_124, %dma_wait3A_125] : memref<10240x128xf32, #tpu.memory_space<vmem_shared>> -> memref<10240x128xf32, #tpu.memory_space<vmem_shared>>
    tpu.wait_indirect_dma semaphore(%arg22 : memref<!tpu.dma_semaphore, #tpu.memory_space<semaphore_mem>>) src(%arg14 : memref<64x128xf32, #tpu.memory_space<vmem>>) dst(%dma_wait3A_126 : memref<10240x128xf32, #tpu.memory_space<vmem_shared>>)
    %dma_wait3A_127 = arith.constant 0 : i32
    %dma_wait3A_128 = arith.constant 0 : i32
    %dma_wait3A_129 = tpu.memref_slice %arg7[%dma_wait3A_127, %dma_wait3A_128] : memref<10240x128xf32, #tpu.memory_space<vmem_shared>> -> memref<10240x128xf32, #tpu.memory_space<vmem_shared>>
    tpu.wait_indirect_dma semaphore(%arg23 : memref<!tpu.dma_semaphore, #tpu.memory_space<semaphore_mem>>) src(%arg15 : memref<64x128xf32, #tpu.memory_space<vmem>>) dst(%dma_wait3A_129 : memref<10240x128xf32, #tpu.memory_space<vmem_shared>>)
    %dma_wait3A_130 = arith.constant 0 : i32
    %dma_wait3A_131 = arith.constant 0 : i32
    %dma_wait3A_132 = tpu.memref_slice %arg7[%dma_wait3A_130, %dma_wait3A_131] : memref<10240x128xf32, #tpu.memory_space<vmem_shared>> -> memref<10240x128xf32, #tpu.memory_space<vmem_shared>>
    tpu.wait_indirect_dma semaphore(%arg24 : memref<!tpu.dma_semaphore, #tpu.memory_space<semaphore_mem>>) src(%arg16 : memref<64x128xf32, #tpu.memory_space<vmem>>) dst(%dma_wait3A_132 : memref<10240x128xf32, #tpu.memory_space<vmem_shared>>)
    %barrier3A_133 = arith.constant 0 : index
    tpu.barrier barrier_id(%barrier3A_133)
    "tpu.region"() ({
      %run_scoped3A = tpu.sem_alloc : memref<!tpu.dma_semaphore, #tpu.memory_space<semaphore_mem>>
      %dma_start3A_134 = arith.constant 0 : i32
      %dma_start3A_135 = tpu.memref_slice %arg6[%arg0, %mul3A_2, %dma_start3A_134] : memref<2x10240x128xf32, #tpu.memory_space<hbm>> -> memref<1x640x128xf32, #tpu.memory_space<hbm>>
      %dma_start3A_136 = tpu.memref_squeeze %dma_start3A_135 : memref<1x640x128xf32, #tpu.memory_space<hbm>> -> memref<640x128xf32, #tpu.memory_space<hbm>>
      %dma_start3A_137 = arith.constant 0 : i32
      %dma_start3A_138 = tpu.memref_slice %arg7[%mul3A_2, %dma_start3A_137] : memref<10240x128xf32, #tpu.memory_space<vmem_shared>> -> memref<640x128xf32, #tpu.memory_space<vmem_shared>>
      tpu.enqueue_dma source(%dma_start3A_138 : memref<640x128xf32, #tpu.memory_space<vmem_shared>>) target(%dma_start3A_136 : memref<640x128xf32, #tpu.memory_space<hbm>>) target_semaphore(%run_scoped3A : memref<!tpu.dma_semaphore, #tpu.memory_space<semaphore_mem>>)
      %dma_wait3A_139 = arith.constant 0 : i32
      %dma_wait3A_140 = tpu.memref_slice %arg6[%arg0, %mul3A_2, %dma_wait3A_139] : memref<2x10240x128xf32, #tpu.memory_space<hbm>> -> memref<1x640x128xf32, #tpu.memory_space<hbm>>
      %dma_wait3A_141 = tpu.memref_squeeze %dma_wait3A_140 : memref<1x640x128xf32, #tpu.memory_space<hbm>> -> memref<640x128xf32, #tpu.memory_space<hbm>>
      %dma_wait3A_142 = arith.constant 0 : i32
      %dma_wait3A_143 = tpu.memref_slice %arg7[%mul3A_2, %dma_wait3A_142] : memref<10240x128xf32, #tpu.memory_space<vmem_shared>> -> memref<640x128xf32, #tpu.memory_space<vmem_shared>>
      tpu.wait_dma2 semaphore(%run_scoped3A : memref<!tpu.dma_semaphore, #tpu.memory_space<semaphore_mem>>) src(%dma_wait3A_143 : memref<640x128xf32, #tpu.memory_space<vmem_shared>>) dst(%dma_wait3A_141 : memref<640x128xf32, #tpu.memory_space<hbm>>)
      tpu.yield
    }) : () -> ()
    return
  }
}

module attributes {stable_mosaic.version = 14 : i64} {
  func.func @_dense_block(%arg0: i32, %arg1: memref<2x400x128xf32, #tpu.memory_space<vmem>>, %arg2: memref<400x128xf32, #tpu.memory_space<vmem>>, %arg3: memref<128x128xf32, #tpu.memory_space<vmem>>, %arg4: memref<1x128xf32, #tpu.memory_space<vmem>>, %arg5: memref<128x128xf32, #tpu.memory_space<vmem>>, %arg6: memref<400x128xf32, #tpu.memory_space<vmem>>) attributes {dimension_semantics = [#tpu.dimension_semantics<arbitrary>], iteration_bounds = array<i64: 25>, scalar_prefetch = 0 : i64, scratch_operands = 0 : i64, tpu.core_type = #tpu.core_type<tc>, window_params = [{transform_indices = @transform_0, window_bounds = array<i64: 2, 400, 128>}, {transform_indices = @transform_1, window_bounds = array<i64: 400, 128>}, {pipeline_mode = #tpu.pipeline_mode<synchronous>, transform_indices = @transform_2, window_bounds = array<i64: 128, 128>}, {pipeline_mode = #tpu.pipeline_mode<synchronous>, transform_indices = @transform_3, window_bounds = array<i64: 1, 128>}, {pipeline_mode = #tpu.pipeline_mode<synchronous>, transform_indices = @transform_4, window_bounds = array<i64: 128, 128>}, {transform_indices = @transform_5, window_bounds = array<i64: 400, 128>}]} {
    %get3A = arith.constant 0 : index
    %get3A_0 = arith.constant 0 : index
    %get3A_1 = arith.constant 0 : index
    %get3A_2 = vector.load %arg1[%get3A, %get3A_0, %get3A_1] : memref<2x400x128xf32, #tpu.memory_space<vmem>>, vector<1x400x128xf32>
    %get3A_3 = vector.shape_cast %get3A_2 : vector<1x400x128xf32> to vector<400x128xf32>
    %get3A_4 = arith.constant 1 : index
    %get3A_5 = arith.constant 0 : index
    %get3A_6 = arith.constant 0 : index
    %get3A_7 = vector.load %arg1[%get3A_4, %get3A_5, %get3A_6] : memref<2x400x128xf32, #tpu.memory_space<vmem>>, vector<1x400x128xf32>
    %get3A_8 = vector.shape_cast %get3A_7 : vector<1x400x128xf32> to vector<400x128xf32>
    %add3A = arith.addf %get3A_3, %get3A_8 : vector<400x128xf32>
    %get3A_9 = arith.constant 0 : index
    %get3A_10 = arith.constant 0 : index
    %get3A_11 = vector.load %arg3[%get3A_9, %get3A_10] : memref<128x128xf32, #tpu.memory_space<vmem>>, vector<128x128xf32>
    %dot_general3A = arith.constant dense<0.000000e+00> : vector<400x128xf32>
    %dot_general3A_12 = tpu.matmul %add3A, %get3A_11, %dot_general3A {dimension_numbers = #tpu.dot_dimension_numbers<[1], [0], [0], [1], [0, 0, 1, 1], [], []>, transpose_lhs_hint = false} : vector<400x128xf32>, vector<128x128xf32>, vector<400x128xf32> -> vector<400x128xf32>
    %get3A_13 = arith.constant 0 : index
    %get3A_14 = arith.constant 0 : index
    %get3A_15 = vector.load %arg2[%get3A_13, %get3A_14] : memref<400x128xf32, #tpu.memory_space<vmem>>, vector<400x128xf32>
    %get3A_16 = arith.constant 0 : index
    %get3A_17 = arith.constant 0 : index
    %get3A_18 = vector.load %arg5[%get3A_16, %get3A_17] : memref<128x128xf32, #tpu.memory_space<vmem>>, vector<128x128xf32>
    %dot_general3A_19 = arith.constant dense<0.000000e+00> : vector<400x128xf32>
    %dot_general3A_20 = tpu.matmul %get3A_15, %get3A_18, %dot_general3A_19 {dimension_numbers = #tpu.dot_dimension_numbers<[1], [0], [0], [1], [0, 0, 1, 1], [], []>, transpose_lhs_hint = false} : vector<400x128xf32>, vector<128x128xf32>, vector<400x128xf32> -> vector<400x128xf32>
    %add3A_21 = arith.addf %dot_general3A_12, %dot_general3A_20 : vector<400x128xf32>
    %get3A_22 = arith.constant 0 : index
    %get3A_23 = arith.constant 0 : index
    %get3A_24 = vector.load %arg4[%get3A_22, %get3A_23] : memref<1x128xf32, #tpu.memory_space<vmem>>, vector<1x128xf32>
    %add3A_25 = vector.broadcast %get3A_24 : vector<1x128xf32> to vector<400x128xf32>
    %add3A_26 = arith.addf %add3A_21, %add3A_25 : vector<400x128xf32>
    %max3A = arith.constant 0.000000e+00 : f32
    %max3A_27 = vector.broadcast %max3A : f32 to vector<400x128xf32>
    %max3A_28 = arith.maximumf %add3A_26, %max3A_27 : vector<400x128xf32>
    %swap3A = arith.constant 0 : index
    %swap3A_29 = arith.constant 0 : index
    %swap3A_30 = vector.load %arg6[%swap3A, %swap3A_29] : memref<400x128xf32, #tpu.memory_space<vmem>>, vector<400x128xf32>
    tpu.vector_store %arg6[%swap3A, %swap3A_29], %max3A_28 {strides = array<i32>} : memref<400x128xf32, #tpu.memory_space<vmem>>, vector<400x128xf32>,
    return
  }
  func.func @transform_0(%arg0: i32) -> (i32, i32, i32) {
    %c0_i32 = arith.constant 0 : i32
    %c0_i32_0 = arith.constant 0 : i32
    %c0_i32_1 = arith.constant 0 : i32
    return %c0_i32, %arg0, %c0_i32_0 : i32, i32, i32
  }
  func.func @transform_1(%arg0: i32) -> (i32, i32) {
    %c0_i32 = arith.constant 0 : i32
    %c0_i32_0 = arith.constant 0 : i32
    return %arg0, %c0_i32 : i32, i32
  }
  func.func @transform_2(%arg0: i32) -> (i32, i32) {
    %c0_i32 = arith.constant 0 : i32
    %c0_i32_0 = arith.constant 0 : i32
    %c0_i32_1 = arith.constant 0 : i32
    return %c0_i32, %c0_i32_0 : i32, i32
  }
  func.func @transform_3(%arg0: i32) -> (i32, i32) {
    %c0_i32 = arith.constant 0 : i32
    %c0_i32_0 = arith.constant 0 : i32
    %c0_i32_1 = arith.constant 0 : i32
    return %c0_i32, %c0_i32_0 : i32, i32
  }
  func.func @transform_4(%arg0: i32) -> (i32, i32) {
    %c0_i32 = arith.constant 0 : i32
    %c0_i32_0 = arith.constant 0 : i32
    %c0_i32_1 = arith.constant 0 : i32
    return %c0_i32, %c0_i32_0 : i32, i32
  }
  func.func @transform_5(%arg0: i32) -> (i32, i32) {
    %c0_i32 = arith.constant 0 : i32
    %c0_i32_0 = arith.constant 0 : i32
    return %arg0, %c0_i32 : i32, i32
  }
}

module attributes {stable_mosaic.version = 14 : i64} {
  func.func @_pool_block(%arg0: i32, %arg1: memref<400x128xf32, #tpu.memory_space<vmem>>, %arg2: memref<1x1x400xi32, #tpu.memory_space<vmem>>, %arg3: memref<128x10xf32, #tpu.memory_space<vmem>>, %arg4: memref<1x10xf32, #tpu.memory_space<vmem>>, %arg5: memref<64x10xf32, #tpu.memory_space<vmem>>, %arg6: memref<64x128xf32, #tpu.memory_space<vmem>>, %arg7: memref<64x1xf32, #tpu.memory_space<vmem>>) attributes {dimension_semantics = [#tpu.dimension_semantics<arbitrary>], iteration_bounds = array<i64: 25>, scalar_prefetch = 0 : i64, scratch_operands = 2 : i64, tpu.core_type = #tpu.core_type<tc>, window_params = [{transform_indices = @transform_0, window_bounds = array<i64: 400, 128>}, {transform_indices = @transform_1, window_bounds = array<i64: 1, 1, 400>}, {pipeline_mode = #tpu.pipeline_mode<synchronous>, transform_indices = @transform_2, window_bounds = array<i64: 128, 10>}, {pipeline_mode = #tpu.pipeline_mode<synchronous>, transform_indices = @transform_3, window_bounds = array<i64: 1, 10>}, {pipeline_mode = #tpu.pipeline_mode<synchronous>, transform_indices = @transform_4, window_bounds = array<i64: 64, 10>}]} {
    %eq3A = arith.constant 0 : i32
    %eq3A_0 = arith.cmpi eq, %arg0, %eq3A : i32
    %convert_element_type3A = arith.extui %eq3A_0 : i1 to i32
    %cond3A = arith.constant 0 : i32
    %cond3A_1 = arith.cmpi ne, %convert_element_type3A, %cond3A : i32
    scf.if %cond3A_1 {
      %broadcast_in_dim3A_33 = arith.constant 0.000000e+00 : f32
      %broadcast_in_dim3A_34 = vector.broadcast %broadcast_in_dim3A_33 : f32 to vector<64x128xf32>
      %swap3A_35 = arith.constant 0 : index
      %swap3A_36 = arith.constant 0 : index
      %swap3A_37 = vector.load %arg6[%swap3A_35, %swap3A_36] : memref<64x128xf32, #tpu.memory_space<vmem>>, vector<64x128xf32>
      tpu.vector_store %arg6[%swap3A_35, %swap3A_36], %broadcast_in_dim3A_34 {strides = array<i32>} : memref<64x128xf32, #tpu.memory_space<vmem>>, vector<64x128xf32>,
      %broadcast_in_dim3A_38 = arith.constant 0.000000e+00 : f32
      %broadcast_in_dim3A_39 = vector.broadcast %broadcast_in_dim3A_38 : f32 to vector<64x1xf32>
      %swap3A_40 = arith.constant 0 : index
      %swap3A_41 = arith.constant 0 : index
      %swap3A_42 = vector.load %arg7[%swap3A_40, %swap3A_41] : memref<64x1xf32, #tpu.memory_space<vmem>>, vector<64x1xf32>
      tpu.vector_store %arg7[%swap3A_40, %swap3A_41], %broadcast_in_dim3A_39 {strides = array<i32>} : memref<64x1xf32, #tpu.memory_space<vmem>>, vector<64x1xf32>,
    } else {
    }
    %get3A = arith.constant 0 : index
    %get3A_2 = arith.constant 0 : index
    %get3A_3 = arith.constant 0 : index
    %get3A_4 = vector.load %arg2[%get3A, %get3A_2, %get3A_3] : memref<1x1x400xi32, #tpu.memory_space<vmem>>, vector<1x1x400xi32>
    %get3A_5 = vector.shape_cast %get3A_4 : vector<1x1x400xi32> to vector<400xi32>
    %iota3A = tpu.iota {dimensions = array<i32: 0>} : vector<64x400xi32>
    %broadcast_in_dim3A = vector.shape_cast %get3A_5 : vector<400xi32> to vector<1x400xi32>
    %eq3A_6 = vector.broadcast %broadcast_in_dim3A : vector<1x400xi32> to vector<64x400xi32>
    %eq3A_7 = arith.cmpi eq, %eq3A_6, %iota3A : vector<64x400xi32>
    %convert_element_type3A_8 = arith.extui %eq3A_7 : vector<64x400xi1> to vector<64x400xi32>
    %convert_element_type3A_9 = arith.sitofp %convert_element_type3A_8 : vector<64x400xi32> to vector<64x400xf32>
    %get3A_10 = arith.constant 0 : index
    %get3A_11 = arith.constant 0 : index
    %get3A_12 = vector.load %arg6[%get3A_10, %get3A_11] : memref<64x128xf32, #tpu.memory_space<vmem>>, vector<64x128xf32>
    %get3A_13 = arith.constant 0 : index
    %get3A_14 = arith.constant 0 : index
    %get3A_15 = vector.load %arg1[%get3A_13, %get3A_14] : memref<400x128xf32, #tpu.memory_space<vmem>>, vector<400x128xf32>
    %dot_general3A = arith.constant dense<0.000000e+00> : vector<64x128xf32>
    %dot_general3A_16 = tpu.matmul %convert_element_type3A_9, %get3A_15, %dot_general3A {dimension_numbers = #tpu.dot_dimension_numbers<[1], [0], [0], [1], [0, 0, 1, 1], [], []>, transpose_lhs_hint = false} : vector<64x400xf32>, vector<400x128xf32>, vector<64x128xf32> -> vector<64x128xf32>
    %add3A = arith.addf %get3A_12, %dot_general3A_16 : vector<64x128xf32>
    %swap3A = arith.constant 0 : index
    %swap3A_17 = arith.constant 0 : index
    %swap3A_18 = vector.load %arg6[%swap3A, %swap3A_17] : memref<64x128xf32, #tpu.memory_space<vmem>>, vector<64x128xf32>
    tpu.vector_store %arg6[%swap3A, %swap3A_17], %add3A {strides = array<i32>} : memref<64x128xf32, #tpu.memory_space<vmem>>, vector<64x128xf32>,
    %get3A_19 = arith.constant 0 : index
    %get3A_20 = arith.constant 0 : index
    %get3A_21 = vector.load %arg7[%get3A_19, %get3A_20] : memref<64x1xf32, #tpu.memory_space<vmem>>, vector<64x1xf32>
    %reduce_sum3A = arith.constant dense<0.000000e+00> : vector<64xf32>
    %reduce_sum3A_22 = vector.multi_reduction <add>, %convert_element_type3A_9, %reduce_sum3A [1] : vector<64x400xf32> to vector<64xf32>
    %broadcast_in_dim3A_23 = vector.shape_cast %reduce_sum3A_22 : vector<64xf32> to vector<64x1xf32>
    %add3A_24 = arith.addf %get3A_21, %broadcast_in_dim3A_23 : vector<64x1xf32>
    %swap3A_25 = arith.constant 0 : index
    %swap3A_26 = arith.constant 0 : index
    %swap3A_27 = vector.load %arg7[%swap3A_25, %swap3A_26] : memref<64x1xf32, #tpu.memory_space<vmem>>, vector<64x1xf32>
    tpu.vector_store %arg7[%swap3A_25, %swap3A_26], %add3A_24 {strides = array<i32>} : memref<64x1xf32, #tpu.memory_space<vmem>>, vector<64x1xf32>,
    %eq3A_28 = arith.constant 24 : i32
    %eq3A_29 = arith.cmpi eq, %arg0, %eq3A_28 : i32
    %convert_element_type3A_30 = arith.extui %eq3A_29 : i1 to i32
    %cond3A_31 = arith.constant 0 : i32
    %cond3A_32 = arith.cmpi ne, %convert_element_type3A_30, %cond3A_31 : i32
    scf.if %cond3A_32 {
      %get3A_33 = arith.constant 0 : index
      %get3A_34 = arith.constant 0 : index
      %get3A_35 = vector.load %arg6[%get3A_33, %get3A_34] : memref<64x128xf32, #tpu.memory_space<vmem>>, vector<64x128xf32>
      %get3A_36 = arith.constant 0 : index
      %get3A_37 = arith.constant 0 : index
      %get3A_38 = vector.load %arg7[%get3A_36, %get3A_37] : memref<64x1xf32, #tpu.memory_space<vmem>>, vector<64x1xf32>
      %max3A = arith.constant 1.000000e+00 : f32
      %max3A_39 = vector.broadcast %max3A : f32 to vector<64x1xf32>
      %max3A_40 = arith.maximumf %get3A_38, %max3A_39 : vector<64x1xf32>
      %div3A = vector.broadcast %max3A_40 : vector<64x1xf32> to vector<64x128xf32>
      %div3A_41 = arith.divf %get3A_35, %div3A : vector<64x128xf32>
      %get3A_42 = arith.constant 0 : index
      %get3A_43 = arith.constant 0 : index
      %get3A_44 = vector.load %arg3[%get3A_42, %get3A_43] : memref<128x10xf32, #tpu.memory_space<vmem>>, vector<128x10xf32>
      %dot_general3A_45 = arith.constant dense<0.000000e+00> : vector<64x10xf32>
      %dot_general3A_46 = tpu.matmul %div3A_41, %get3A_44, %dot_general3A_45 {dimension_numbers = #tpu.dot_dimension_numbers<[1], [0], [0], [1], [0, 0, 1, 1], [], []>, transpose_lhs_hint = false} : vector<64x128xf32>, vector<128x10xf32>, vector<64x10xf32> -> vector<64x10xf32>
      %get3A_47 = arith.constant 0 : index
      %get3A_48 = arith.constant 0 : index
      %get3A_49 = vector.load %arg4[%get3A_47, %get3A_48] : memref<1x10xf32, #tpu.memory_space<vmem>>, vector<1x10xf32>
      %add3A_50 = vector.broadcast %get3A_49 : vector<1x10xf32> to vector<64x10xf32>
      %add3A_51 = arith.addf %dot_general3A_46, %add3A_50 : vector<64x10xf32>
      %swap3A_52 = arith.constant 0 : index
      %swap3A_53 = arith.constant 0 : index
      %swap3A_54 = vector.load %arg5[%swap3A_52, %swap3A_53] : memref<64x10xf32, #tpu.memory_space<vmem>>, vector<64x10xf32>
      tpu.vector_store %arg5[%swap3A_52, %swap3A_53], %add3A_51 {strides = array<i32>} : memref<64x10xf32, #tpu.memory_space<vmem>>, vector<64x10xf32>,
    } else {
    }
    return
  }
  func.func @transform_0(%arg0: i32) -> (i32, i32) {
    %c0_i32 = arith.constant 0 : i32
    %c0_i32_0 = arith.constant 0 : i32
    return %arg0, %c0_i32 : i32, i32
  }
  func.func @transform_1(%arg0: i32) -> (i32, i32, i32) {
    %c0_i32 = arith.constant 0 : i32
    %c0_i32_0 = arith.constant 0 : i32
    %c0_i32_1 = arith.constant 0 : i32
    return %arg0, %c0_i32, %c0_i32_0 : i32, i32, i32
  }
  func.func @transform_2(%arg0: i32) -> (i32, i32) {
    %c0_i32 = arith.constant 0 : i32
    %c0_i32_0 = arith.constant 0 : i32
    %c0_i32_1 = arith.constant 0 : i32
    return %c0_i32, %c0_i32_0 : i32, i32
  }
  func.func @transform_3(%arg0: i32) -> (i32, i32) {
    %c0_i32 = arith.constant 0 : i32
    %c0_i32_0 = arith.constant 0 : i32
    %c0_i32_1 = arith.constant 0 : i32
    return %c0_i32, %c0_i32_0 : i32, i32
  }
  func.func @transform_4(%arg0: i32) -> (i32, i32) {
    %c0_i32 = arith.constant 0 : i32
    %c0_i32_0 = arith.constant 0 : i32
    %c0_i32_1 = arith.constant 0 : i32
    return %c0_i32, %c0_i32_0 : i32, i32
  }
}

</mosaic_0001>

<sc_bundles>
// kernel: kernel.12.cloned.1.call-start
scs
__scs_entry_jumppad:
0x0: {  	(pc) =	sbr.rel $0x88, $3  }
0x1: {  	(tag) =	ssettag $0x0;
	lr =	simm.s32 $0x1  }
0x2: {  	[smem:$0x3F93] =	sst lr;
	_ =	strace $0xD0000000  }
0x3: {  	_ = 	snop  }
0x4: {  	_ = 	snop  }
0x5: {  	_ = 	snop  }
0x6: {  	_ = 	snop  }
0x7: {  	_ = 	snop  }
__scs_overlays_trampoline_lowered:
0x8: {  	[smem:$0x3FA2] =	sst s0  }
0x9: {  	[smem:$0x3FA3] =	sst s1  }
0xa: {  	[smem:$0x3FA4] =	sst s2  }
0xb: {  	[smem:$0x3FA5] =	sst s3  }
0xc: {  	[smem:$0x3FA6] =	sst s4  }
0xd: {  	[smem:$0x3FA7] =	sst s5  }
0xe: {  	[smem:$0x3FA8] =	sst s6  }
0xf: {  	[smem:$0x3FA9] =	sst s7  }
0x10: {  	[smem:$0x3FAA] =	sst s8  }
0x11: {  	[smem:$0x3FAB] =	sst s9;
	s0 =	simm.s32 @!p0 $0x0  }
0x12: {  	s1 =	sld [smem:$0x3F91];
	s0 =	simm.s32 @p0 $0x1  }
0x13: {  	[smem:$0x3FAC] =	sst s0;
	s0 =	simm.s32 @!p1 $0x0  }
0x14: {  	s2 =	sld [smem:$0x3F90];
	s0 =	simm.s32 @p1 $0x1  }
0x15: {  	[smem:$0x3FAD] =	sst s0;
	s0 =	simm.s32 @!p2 $0x0  }
0x16: {  	s3 =	sld [smem:$0x3FDB];
	s0 =	simm.s32 @p2 $0x1  }
0x17: {  	s4 =	simm.s32 $0x1BF5;
	[smem:$0x3FAF] =	sst s0  }
0x18: {  	s0 =	sld [smem:$0x3F92];
	_ =	swait.ge [sflag:s4], $0x0  }
0x19: {  	s7 =	sld [smem:$0x3F93]  }
0x1a: {  	s8 =	sadd.s32 $0xFFFFE003, lr  }
0x1b: {  	s9 =	sadd.s32 $0xFFFFFEF7, lr;
	s5 =	simm.s32 $0xFFFFFFFF;
	p2 =	slt.u32 s8, $0xFFFFF086  }
0x1c: {  	p1 =	slt.u32 s9, $0xF7A;
	s5 =	simm.s32 @!p2 $0x0  }
0x1d: {  	s5 =	simm.s32 @p1 $0x1;
	p0 =	seq.s32 s7, s2  }
0x1e: {  	s7 =	smul.u32 @!p0 $0xF7A, s2;
	p2 =	seq.s32 @!p0 s5, $0x0  }
0x1f: {  	s9 =	smul.u32 $0xF7A, s1;
	s8 =	simm.s32 @!p0 $0x1BF5;
	p2 =	por !p2, p0  }
0x20: {  	[sflag:s8] =	ssyncset.s32 @!p0 $0xFFFFF086;
	s6 =	sadd.s32 @!p0 s3, s7;
	s7 =	simm.s32 @!p0 $0x108  }
0x21: {  	s3 =	sadd.s32 s3, s9;
	s6 =	sadd.s32 @!p0 $0x88, s6;
	s7 =	simm.s32 @p2 $0x1082  }
0x22: {  	[simem:s7], [sflag:s8] =	dma.local @!p0 [hbm:s6], $0xF7A  }
0x23: {  	s9 =	sor.u32 $0xD0000000, s2;
	s6 =	simm.s32 $0x108;
	_ =	swait.ge @!p0 [sflag:s8], $0x0  }
0x24: {  	s3 =	sadd.s32 $0x88, s3;
	s6 =	simm.s32 @!p1 $0x1082;
	[sflag:s4] =	ssyncset.s32 $0xFFFFF086  }
0x25: {  	[simem:s6], [sflag:s4] =	dma.local [hbm:s3], $0xF7A  }
0x26: {  	[smem:$0x3F93] =	sst s1;
	(tag) =	ssettag s2;
	_ =	strace s9  }
0x27: {  	s1 =	sld [smem:$0x3FA3]  }
0x28: {  	s2 =	sld [smem:$0x3FA4]  }
0x29: {  	s4 =	sld [smem:$0x3FA6]  }
0x2a: {  	p0 =	seq.s32 s5, $0x0;
	s5 =	sld [smem:$0x3FA7]  }
0x2b: {  	s6 =	sld [smem:$0x3FA8]  }
0x2c: {  	s7 =	sld [smem:$0x3FA9]  }
0x2d: {  	s3 =	simm.s32 $0x108;
	s8 =	sld [smem:$0x3FAA]  }
0x2e: {  	s3 =	simm.s32 @!p0 $0x1082;
	s9 =	sld [smem:$0x3FAB]  }
0x2f: {  	lr =	sadd.s32 s0, s3;
	s0 =	sld [smem:$0x3FA2]  }
0x30: {  	s3 =	sld [smem:$0x3FA5]  }
0x31: {  	[smem:$0x3FAE] =	sst s10  }
0x32: {  	s10 =	sld [smem:$0x3FAC];
	_ =	sdelay $0x3  }
0x33: {  	p0 =	seq.s32 s10, $0x1;
	s10 =	sld [smem:$0x3FAE];
	_ =	sdelay $0x3  }
0x34: {  	[smem:$0x3FAE] =	sst s10  }
0x35: {  	s10 =	sld [smem:$0x3FAD];
	_ =	sdelay $0x3  }
0x36: {  	p1 =	seq.s32 s10, $0x1;
	s10 =	sld [smem:$0x3FAE];
	_ =	sdelay $0x3  }
0x37: {  	[smem:$0x3FAE] =	sst s10  }
0x38: {  	s10 =	sld [smem:$0x3FAF]  }
0x39: {  	_ = 	snop;
	(pc) =	sbr.ind lr, $3  }
0x3a: {  	_ = 	snop  }
0x3b: {  	_ = 	snop  }
0x3c: {  	p2 =	seq.s32 s10, $0x1;
	s10 =	sld [smem:$0x3FAE]  }
0x3d: {  	_ =	shalt  }
0x3e: {  	_ =	shalt  }
0x3f: {  	_ =	shalt  }
0x40: {  	_ =	shalt  }
0x41: {  	_ =	shalt  }
0x42: {  	_ =	shalt  }
0x43: {  	_ =	shalt  }
0x44: {  	_ =	shalt  }
0x45: {  	_ =	shalt  }
0x46: {  	_ =	shalt  }
0x47: {  	_ =	shalt  }
0x48: {  	_ =	shalt  }
0x49: {  	_ =	shalt  }
0x4a: {  	_ =	shalt  }
0x4b: {  	_ =	shalt  }
0x4c: {  	_ =	shalt  }
0x4d: {  	_ =	shalt  }
0x4e: {  	_ =	shalt  }
0x4f: {  	_ =	shalt  }
0x50: {  	_ =	shalt  }
0x51: {  	_ =	shalt  }
0x52: {  	_ =	shalt  }
0x53: {  	_ =	shalt  }
0x54: {  	_ =	shalt  }
0x55: {  	_ =	shalt  }
0x56: {  	_ =	shalt  }
0x57: {  	_ =	shalt  }
0x58: {  	_ =	shalt  }
0x59: {  	_ =	shalt  }
0x5a: {  	_ =	shalt  }
0x5b: {  	_ =	shalt  }
0x5c: {  	_ =	shalt  }
0x5d: {  	_ =	shalt  }
0x5e: {  	_ =	shalt  }
0x5f: {  	_ =	shalt  }
0x60: {  	_ =	shalt  }
0x61: {  	_ =	shalt  }
0x62: {  	_ =	shalt  }
0x63: {  	_ =	shalt  }
0x64: {  	_ =	shalt  }
0x65: {  	_ =	shalt  }
0x66: {  	_ =	shalt  }
0x67: {  	_ =	shalt  }
0x68: {  	_ =	shalt  }
0x69: {  	_ =	shalt  }
0x6a: {  	_ =	shalt  }
0x6b: {  	_ =	shalt  }
0x6c: {  	_ =	shalt  }
0x6d: {  	_ =	shalt  }
0x6e: {  	_ =	shalt  }
0x6f: {  	_ =	shalt  }
0x70: {  	_ =	shalt  }
0x71: {  	_ =	shalt  }
0x72: {  	_ =	shalt  }
0x73: {  	_ =	shalt  }
0x74: {  	_ =	shalt  }
0x75: {  	_ =	shalt  }
0x76: {  	_ =	shalt  }
0x77: {  	_ =	shalt  }
0x78: {  	_ =	shalt  }
0x79: {  	_ =	shalt  }
0x7a: {  	_ =	shalt  }
0x7b: {  	_ =	shalt  }
0x7c: {  	_ =	shalt  }
0x7d: {  	_ =	shalt  }
0x7e: {  	_ =	shalt  }
0x7f: {  	_ =	shalt  }
0x80: {  	_ =	shalt  }
0x81: {  	_ =	shalt  }
0x82: {  	_ =	shalt  }
0x83: {  	_ =	shalt  }
0x84: {  	_ =	shalt  }
0x85: {  	_ =	shalt  }
0x86: {  	_ =	shalt  }
0x87: {  	_ =	shalt  }
.Lfunc_end0:
.L_simem_size_0:
called_computation.1_lowered:
.L_overlay_start_0:
0x88: {  	s2 =	sld [smem:$0x3FD9]  }
0x89: {  	s3 =	sld [smem:$0x3FFE];
	_ =	sdelay $0x1  }
0x8a: {  	s1 =	srdreg.scid  }
0x8b: {  	s0 =	sand.u32 $0x1, s1  }
0x8c: {  	s16 =	sshll.u32 s0, $0xA;
	s2 =	sadd.s32 s3, s2  }
0x8d: {  	s2 =	sadd.s32 s2, s16  }
0x8e: {  	[smem:$0x3FBA] =	sst s2  }
0x8f: {  	_ = 	snop  }
0x90: {  	(tm) =	ssettm $0x1  }
0x91: {  	s17 =	sld [smem:$0x3FFB];
	_ =	sdelay $0x3  }
0x92: {  	_ =	strace s17  }
0x93: {  	s2 =	sld [smem:$0x3FFC];
	_ =	sdelay $0x3  }
0x94: {  	_ =	strace s2  }
0x95: {  	s2 =	sld [smem:$0x3FFD];
	_ =	sdelay $0x3  }
0x96: {  	_ =	strace s2  }
0x97: {  	_ =	strace $0x8FFFFFFF  }
0x98: {  	s18 =	sld [smem:$0x3FDB];
	_ =	sdelay $0x1  }
0x99: {  	s19 =	simm.s32 $_scs_section_size  }
0x9a: {  	s4 =	simm.s32 $_size__tile_overlayer_lowered;
	s5 =	simm.s32 $_tile_overlayer_lowered  }
0x9b: {  	s22 =	simm.s32 $0x1BFF;
	s21 =	sshll.u32 s5, $0x1;
	s2 =	sadd.s32 s19, s18  }
0x9c: {  	s6 =	simm.s32 $0x0;
	s20 =	sshll.u32 s4, $0x1;
	s4 =	sadd.s32 s21, s2  }
0x9d: {  	[timem:s6], [sflag:s22] =	dma.local [hbm:s4], s20  }
0x9e: {  	_ =	swait.ge [sflag:s22], s20  }
0x9f: {  	s3 =	ssub.s32 $0x0, s20;
	[sflag:s22] =	ssyncset.done $0x0  }
0xa0: {  	[sflag:s22] =	ssyncadd.s32 s3;
	_ =	sdelay $0x1  }
0xa1: {  	s23 =	simm.s32 $0x1B8B  }
0xa2: {  	_ =	swait.ge [sflag:s23], $0x1  }
0xa3: {  	[sflag:s23] =	ssyncset.done $0x0  }
0xa4: {  	s25 =	simm.s32 $0x1B8E;
	s24 =	sld [smem:$0x3FFE];
	[sflag:s23] =	ssyncadd.s32 $0xFFFFFFFF  }
0xa5: {  	s26 =	simm.s32 $execute0_lowered;
	[smem:$0x3FD2] =	sst s25  }
0xa6: {  	s4 =	sshll.u32 s26, $0x1;
	_ =	strace $0x80000049;
	[dreg:$0x1] =	wrdreg $0xFFFFFFFF  }
0xa7: {  	s28 =	simm.s32 $_size_execute0_lowered;
	s2 =	sadd.s32 s2, s4;
	[dreg:$0x0] =	wrdreg $0x0  }
0xa8: {  	s4 =	sshll.u32 s28, $0x1;
	[dreg:$0x2] =	wrdreg s2  }
0xa9: {  	[dreg:$0x3] =	wrdreg s4  }
0xaa: {  	[dreg:$0x4] =	wrdreg $0xC0  }
0xab: {  	_ =	task [dreg:s6], $0x5FFFF  }
0xac: {  	[dreg:$0x1] =	wrdreg $0xFFFFFFFF  }
0xad: {  	[dreg:$0x0] =	wrdreg $0x60  }
0xae: {  	[dreg:$0x2] =	wrdreg s24  }
0xaf: {  	[dreg:$0x3] =	wrdreg $0x0  }
0xb0: {  	[dreg:$0x4] =	wrdreg $0x9  }
0xb1: {  	_ =	task.clear_ibuf [dreg:s6], $0x5FFFF;
	_ =	strace $0x90000049  }
0xb2: {  	s29 =	simm.s32 $0x9;
	_ =	strace $0x8000004B  }
0xb3: {  	_ =	swait.ge [sflag:s29], $0x1  }
0xb4: {  	[sflag:s29] =	ssyncadd.s32 $0xFFFFFFFF  }
0xb5: {  	_ =	strace $0x9000004B  }
0xb6: {  	_ =	sfence  }
0xb7: {  	s30 =	sld [smem:$0x0];
	_ =	sdelay $0x2  }
0xb8: {  	s31 =	sshll.u32 s1, $0xD;
	s1 =	sshrl.u32 s1, $0x2  }
0xb9: {  	s3 =	sand.u32 $0x4000, s31;
	s1 =	sadd.s32 s1, s30  }
0xba: {  	s0 =	sor.u32 s3, s0;
	s1 =	sshll.u32 s1, $0x11  }
0xbb: {  	s0 =	sor.u32 s1, s0  }
0xbc: {  	s0 =	sadd.s32 $0x8F2B, s0  }
0xbd: {  	[sflag:s0] =	ssyncadd.remote.s32 $0x1  }
0xbe: {  	_ =	sfence.sel $0xFFFF  }
0xbf: {  	[dreg:$0x0] =	wrdreg $0xFFFFFFFF;
	(pc) =	sbr.abs _section_cstart, $3  }
0xc0: {  	[dreg:$0x1] =	wrdreg $0xFFFFFFFF  }
0xc1: {  	_ =	task.clear_ibuf [dreg:s6], $0x2FFFF;
	_ =	strace $0x9FFFFFFF  }
0xc2: {  	(tm) =	ssettm $0x7FFFFFFF  }
0xc3: {  	_ =	shalt  }
tec
execute0_lowered:
.L_overlay_start_1:
0x0: {  	(tag) =	ssettag $0x1  }
0x1: {  	s0 =	rddreg [dreg:$0x0];
	s1 =	srdreg.scid  }
0x2: {  	s12 =	stileid.u32;
	s2 =	rddreg [dreg:$0x1];
	s28 =	simm.s32 $0xA  }
0x3: {  	s31 =	simm.s32 $0x3;
	s13 =	simm.s32 $0x6;
	s29 =	simm.s32 $0x16A00  }
0x4: {  	s30 =	simm.s32 $0x16800;
	s1 =	sand.u32 $0x1, s1;
	s8 =	smul.u32 $0x14000, s12  }
0x5: {  	s3 =	sshll.u32 s12, $0x1;
	s4 =	sshrl.u32 s12, $0x2;
	s16 =	smul.u32 $0x50000, s12  }
0x6: {  	s18 =	sshll.u32 s12, $0x6;
	s12 =	simm.s32 $0x5;
	s6 =	sor.u32 s1, s3  }
0x7: {  	s3 =	simm.s32 $0x0;
	s5 =	smul.u32 $0x14000, s4;
	s4 =	sadd.s32 $0x49200, s0  }
0x8: {  	s9 =	smul.u32 $0x140000, s1;
	s1 =	ssub.s32 $0x2, s1;
	s14 =	sshll.u32 s6, $0x7  }
0x9: {  	[smem:$0x7FF] =	sst s3;
	s15 =	sshrl.u32 s8, $0x3;
	s11 =	sshrl.u32 s1, $0x1  }
0xa: {  	s25 =	smul.u32 $0x5000, s6;
	s17 =	sshrl.u32 s16, $0x2;
	s7 =	sand.u32 $0x380, s14  }
0xb: {  	_ =	strace $0x8000004A;
	s8 =	sadd.s32 s8, s9;
	s1 =	ssub.s32 s1, s11  }
0xc: {  	s9 =	sor.u32 $0x1C0D, s18;
	s11 =	simm.s32 $0xC;
	s14 =	simm.s32 $0x7  }
0xd: {  	s5 =	sor.u32 s5, s7;
	s7 =	sadd.s32 s15, s0;
	s8 =	sshrl.u32 s8, $0x3  }
0xe: {  	s19 =	sshrl.u32 s25, $0x3;
	s26 =	smax.u32 s1, $0x1;
	s15 =	simm.s32 $0xD  }
0xf: {  	[dreg:$0x4] =	wrdreg s9;
	s5 =	sshrl.u32 s5, $0x3;
	s20 =	sadd.s32 $0x21200, s7  }
0x10: {  	[dreg:$0xb] =	wrdreg s26;
	s7 =	simm.s32 $0xB;
	s10 =	sadd.s32 s5, s0  }
0x11: {  	s5 =	sadd.s32 $0x3200, s0;
	[dreg:$0x3] =	wrdreg s20;
	s22 =	sadd.s32 $0x17200, s10  }
0x12: {  	s0 =	sadd.s32 s8, s0;
	s21 =	sadd.s32 s5, s19;
	[dreg:$0x6] =	wrdreg s22  }
0x13: {  	s8 =	sadd.s32 s17, s2;
	s0 =	sadd.s32 $0x70400, s0;
	[dreg:$0x5] =	wrdreg s21  }
0x14: {  	s26 =	simm.s32 $0x16A00;
	s8 =	sshrl.u32 s8, $0x3;
	[dreg:$0xa] =	wrdreg s0  }
0x15: {  	s20 =	simm.s32 $0x8;
	s23 =	sadd.s32 $0x10, s21;
	[dreg:$0xc] =	wrdreg s8  }
0x16: {  	s10 =	simm.s32 $0x4;
	s24 =	sadd.s32 $0x20, s21;
	[dreg:$0x7] =	wrdreg s23  }
0x17: {  	s6 =	sadd.s32 $0x30, s21;
	s21 =	simm.s32 $0x40;
	[dreg:$0x8] =	wrdreg s24  }
0x18: {  	s0 =	simm.s32 $0x0;
	[dreg:$0x9] =	wrdreg s6;
	s24 =	simm.s32 $0x1CA00  }
.LBB2_1:
0x19: {  	[dreg:$0xd] =	wrdreg s0  }
0x1a: {  	s6 =	rddreg [dreg:$0x3]  }
0x1b: {  	[spmem:s8], [sflag:s9] =	dma.local [hbm:s6], $0x2800  }
0x1c: {  	_ =	swait.ge [sflag:s15], $0x2800  }
0x1d: {  	s0 =	simm.s32 $0x80;
	s1 =	simm.s32 $0x400;
	[sflag:s15] =	ssyncset.done $0x0  }
0x1e: {  	s16 =	simm.s32 $0x14000;
	s23 =	rddreg [dreg:$0x6];
	[sflag:s15] =	ssyncadd.s32 $0xFFFFD800  }
0x1f: {  	[tilespmem:s16], [sflag:$0xD] =	stream.strided.gather [hbm4b:s23+s0], $0x2800, s1, s0, $0x38;
	[tilespmem:$0x1EA00] =	vst v63  }
0x20: {  	_ =	swait.ge [sflag:s15], $0x2800  }
0x21: {  	[sflag:s15] =	ssyncset.done $0x0  }
0x22: {  	[sflag:s15] =	ssyncadd.s32 $0xFFFFD800  }
0x23: {  	s15 =	simm.s32 $0x16A00;
	[bflag:$0x0] =	sbarrier.arrive $0xFFFF  }
0x24: {  	[tilespmem:s15], [sflag:$0x1] =	stream.indirect.gather [hbm4b:s4+s21], $0x80, s16, s21, $0xb8;
	[tilespmem:$0x1EA00] =	vst v63  }
0x25: {  	s17 =	simm.s32 $0x16800;
	s9 =	rddreg [dreg:$0x5]  }
0x26: {  	[tilespmem:s17], [sflag:$0x9] =	stream.linear.gather [hbm4b:s9+s3], $0x80, $0x38;
	[tilespmem:$0x1EA00] =	vst v63  }
0x27: {  	s1 =	simm.s32 $0x18A00;
	s16 =	simm.s32 $0x14040  }
0x28: {  	[tilespmem:s1], [sflag:$0x2] =	stream.indirect.gather [hbm4b:s4+s21], $0x80, s16, s21, $0xb8;
	[tilespmem:$0x1EA00] =	vst v63  }
0x29: {  	s0 =	simm.s32 $0x16880;
	s18 =	rddreg [dreg:$0x7]  }
0x2a: {  	[tilespmem:s0], [sflag:$0xA] =	stream.linear.gather [hbm4b:s18+s3], $0x80, $0x38;
	[tilespmem:$0x1EA00] =	vst v63  }
0x2b: {  	s19 =	simm.s32 $0x14080;
	s18 =	simm.s32 $0x1AA00  }
0x2c: {  	[tilespmem:s18], [sflag:$0x3] =	stream.indirect.gather [hbm4b:s4+s21], $0x80, s19, s21, $0xb8;
	[tilespmem:$0x1EA00] =	vst v63  }
0x2d: {  	s22 =	rddreg [dreg:$0x8];
	s19 =	simm.s32 $0x16900  }
0x2e: {  	[tilespmem:s19], [sflag:$0xB] =	stream.linear.gather [hbm4b:s22+s3], $0x80, $0x38;
	[tilespmem:$0x1EA00] =	vst v63  }
0x2f: {  	s23 =	simm.s32 $0x140C0;
	s22 =	simm.s32 $0x1CA00  }
0x30: {  	[tilespmem:s22], [sflag:$0x4] =	stream.indirect.gather [hbm4b:s4+s21], $0x80, s23, s21, $0xb8;
	[tilespmem:$0x1EA00] =	vst v63  }
0x31: {  	s8 =	rddreg [dreg:$0x9];
	s9 =	simm.s32 $0x16980;
	s16 =	simm.s32 $0x1  }
0x32: {  	[tilespmem:s9], [sflag:$0xC] =	stream.linear.gather [hbm4b:s8+s3], $0x80, $0x38;
	[tilespmem:$0x1EA00] =	vst v63  }
0x33: {  	_ =	swait.ge [sflag:s16], $0x2000  }
0x34: {  	[sflag:s16] =	ssyncset.done $0x0  }
0x35: {  	s23 =	simm.s32 $0x9;
	[sflag:s16] =	ssyncadd.s32 $0xFFFFE000  }
0x36: {  	_ =	swait.ge [sflag:s23], $0x80  }
0x37: {  	[sflag:s23] =	ssyncset.done $0x0  }
0x38: {  	s8 =	simm.s32 $0x2;
	[sflag:s23] =	ssyncadd.s32 $0xFFFFFF80  }
0x39: {  	[spmem:s2] =	stream.indirect.scatter.add.f32 [tilespmem:s15], [sflag:$0x5], $0x80, s17, s21, $0xb8;
	[tilespmem:$0x1EA00] =	vst v63  }
0x3a: {  	_ =	swait.ge [sflag:s8], $0x2000  }
0x3b: {  	[sflag:s8] =	ssyncset.done $0x0  }
0x3c: {  	[sflag:s8] =	ssyncadd.s32 $0xFFFFE000  }
0x3d: {  	_ =	swait.ge [sflag:s28], $0x80  }
0x3e: {  	[sflag:s28] =	ssyncset.done $0x0  }
0x3f: {  	[sflag:s28] =	ssyncadd.s32 $0xFFFFFF80  }
0x40: {  	[spmem:s2] =	stream.indirect.scatter.add.f32 [tilespmem:s1], [sflag:$0x6], $0x80, s0, s21, $0xb8;
	[tilespmem:$0x1EA00] =	vst v63  }
0x41: {  	_ =	swait.ge [sflag:s31], $0x2000  }
0x42: {  	[sflag:s31] =	ssyncset.done $0x0  }
0x43: {  	[sflag:s31] =	ssyncadd.s32 $0xFFFFE000  }
0x44: {  	_ =	swait.ge [sflag:s7], $0x80  }
0x45: {  	[sflag:s7] =	ssyncset.done $0x0  }
0x46: {  	[sflag:s7] =	ssyncadd.s32 $0xFFFFFF80  }
0x47: {  	[spmem:s2] =	stream.indirect.scatter.add.f32 [tilespmem:s18], [sflag:$0x7], $0x80, s19, s21, $0xb8;
	[tilespmem:$0x1EA00] =	vst v63  }
0x48: {  	_ =	swait.ge [sflag:s10], $0x2000  }
0x49: {  	[sflag:s10] =	ssyncset.done $0x0  }
0x4a: {  	[sflag:s10] =	ssyncadd.s32 $0xFFFFE000  }
0x4b: {  	_ =	swait.ge [sflag:s11], $0x80  }
0x4c: {  	s16 =	simm.s32 $0x200;
	[sflag:s11] =	ssyncset.done $0x0  }
0x4d: {  	s23 =	sand.u32 $0xFC00, s16;
	[sflag:s11] =	ssyncadd.s32 $0xFFFFFF80  }
0x4e: {  	[spmem:s2] =	stream.indirect.scatter.add.f32 [tilespmem:s22], [sflag:$0x8], $0x80, s9, s21, $0xb8;
	[tilespmem:$0x1EA00] =	vst v63  }
0x4f: {  	s8 =	sand.u32 $0x200, s16;
	s16 =	sadd.s32 s25, s23;
	_ =	swait.ge [sflag:s12], $0x2000  }
0x50: {  	s8 =	sor.u32 s8, s16;
	[sflag:s12] =	ssyncset.done $0x0  }
0x51: {  	s6 =	simm.s32 $0x14100;
	s8 =	sshrl.u32 s8, $0x3;
	[sflag:s12] =	ssyncadd.s32 $0xFFFFE000  }
0x52: {  	[tilespmem:s15], [sflag:$0x1] =	stream.indirect.gather [hbm4b:s4+s21], $0x80, s6, s21, $0xb8;
	[tilespmem:$0x1EA00] =	vst v63  }
0x53: {  	s8 =	sadd.s32 s5, s8;
	s15 =	simm.s32 $0x280  }
0x54: {  	[tilespmem:s17], [sflag:$0x9] =	stream.linear.gather [hbm4b:s8+s3], $0x80, $0x38;
	[tilespmem:$0x1EA00] =	vst v63  }
0x55: {  	s17 =	sand.u32 $0x280, s15;
	_ =	swait.ge [sflag:s13], $0x2000  }
0x56: {  	s8 =	sor.u32 s16, s17;
	[sflag:s13] =	ssyncset.done $0x0  }
0x57: {  	s23 =	simm.s32 $0x14140;
	s8 =	sshrl.u32 s8, $0x3;
	[sflag:s13] =	ssyncadd.s32 $0xFFFFE000  }
0x58: {  	[tilespmem:s1], [sflag:$0x2] =	stream.indirect.gather [hbm4b:s4+s21], $0x80, s23, s21, $0xb8;
	[tilespmem:$0x1EA00] =	vst v63  }
0x59: {  	s6 =	simm.s32 $0x300;
	s8 =	sadd.s32 s5, s8  }
0x5a: {  	[tilespmem:s0], [sflag:$0xA] =	stream.linear.gather [hbm4b:s8+s3], $0x80, $0x38;
	[tilespmem:$0x1EA00] =	vst v63  }
0x5b: {  	s15 =	sand.u32 $0x300, s6;
	_ =	swait.ge [sflag:s14], $0x2000  }
0x5c: {  	s8 =	sor.u32 s16, s15;
	[sflag:s14] =	ssyncset.done $0x0  }
0x5d: {  	s17 =	simm.s32 $0x14180;
	s8 =	sshrl.u32 s8, $0x3;
	[sflag:s14] =	ssyncadd.s32 $0xFFFFE000  }
0x5e: {  	[tilespmem:s18], [sflag:$0x3] =	stream.indirect.gather [hbm4b:s4+s21], $0x80, s17, s21, $0xb8;
	[tilespmem:$0x1EA00] =	vst v63  }
0x5f: {  	s23 =	simm.s32 $0x380;
	s8 =	sadd.s32 s5, s8  }
0x60: {  	[tilespmem:s19], [sflag:$0xB] =	stream.linear.gather [hbm4b:s8+s3], $0x80, $0x38;
	[tilespmem:$0x1EA00] =	vst v63  }
0x61: {  	s8 =	sand.u32 $0x380, s23  }
0x62: {  	_ =	swait.ge [sflag:s20], $0x2000;
	s8 =	sor.u32 s16, s8  }
0x63: {  	s9 =	simm.s32 $0x141C0;
	[sflag:s20] =	ssyncset.done $0x0;
	s16 =	sshrl.u32 s8, $0x3  }
0x64: {  	s8 =	simm.s32 $0x580;
	[sflag:s20] =	ssyncadd.s32 $0xFFFFE000;
	s16 =	sadd.s32 s5, s16  }
0x65: {  	[tilespmem:s22], [sflag:$0x4] =	stream.indirect.gather [hbm4b:s4+s21], $0x80, s9, s21, $0xb8;
	[tilespmem:$0x1EA00] =	vst v63  }
.LBB2_2:
0x66: {  	p0 =	sne.s32 s8, $0x4F80;
	s9 =	sadd.s32 $0x100, s9;
	s17 =	smov.u32 s8  }
0x67: {  	s8 =	sadd.s32 $0x200, s8;
	s23 =	simm.s32 $0x16980;
	s0 =	simm.s32 $0x1  }
0x68: {  	[tilespmem:s23], [sflag:$0xC] =	stream.linear.gather [hbm4b:s16+s3], $0x80, $0x38;
	[tilespmem:$0x1EA00] =	vst v63  }
0x69: {  	_ =	swait.ge [sflag:s0], $0x2000  }
0x6a: {  	[sflag:s0] =	ssyncset.done $0x0  }
0x6b: {  	[sflag:s0] =	ssyncadd.s32 $0xFFFFE000;
	s0 =	simm.s32 $0x9  }
0x6c: {  	_ =	swait.ge [sflag:s0], $0x80  }
0x6d: {  	[sflag:s0] =	ssyncset.done $0x0  }
0x6e: {  	[sflag:s0] =	ssyncadd.s32 $0xFFFFFF80;
	s0 =	simm.s32 $0x2  }
0x6f: {  	[spmem:s2] =	stream.indirect.scatter.add.f32 [tilespmem:s29], [sflag:$0x5], $0x80, s30, s21, $0xb8;
	[tilespmem:$0x1EA00] =	vst v63  }
0x70: {  	_ =	swait.ge [sflag:s0], $0x2000  }
0x71: {  	[sflag:s0] =	ssyncset.done $0x0  }
0x72: {  	[sflag:s0] =	ssyncadd.s32 $0xFFFFE000  }
0x73: {  	_ =	swait.ge [sflag:s28], $0x80  }
0x74: {  	[sflag:s28] =	ssyncset.done $0x0  }
0x75: {  	s1 =	simm.s32 $0x18A00;
	s0 =	simm.s32 $0x16880;
	[sflag:s28] =	ssyncadd.s32 $0xFFFFFF80  }
0x76: {  	[spmem:s2] =	stream.indirect.scatter.add.f32 [tilespmem:s1], [sflag:$0x6], $0x80, s0, s21, $0xb8;
	[tilespmem:$0x1EA00] =	vst v63  }
0x77: {  	_ =	swait.ge [sflag:s31], $0x2000  }
0x78: {  	[sflag:s31] =	ssyncset.done $0x0  }
0x79: {  	[sflag:s31] =	ssyncadd.s32 $0xFFFFE000  }
0x7a: {  	_ =	swait.ge [sflag:s7], $0x80  }
0x7b: {  	[sflag:s7] =	ssyncset.done $0x0  }
0x7c: {  	s18 =	simm.s32 $0x1AA00;
	s19 =	simm.s32 $0x16900;
	[sflag:s7] =	ssyncadd.s32 $0xFFFFFF80  }
0x7d: {  	[spmem:s2] =	stream.indirect.scatter.add.f32 [tilespmem:s18], [sflag:$0x7], $0x80, s19, s21, $0xb8;
	[tilespmem:$0x1EA00] =	vst v63  }
0x7e: {  	_ =	swait.ge [sflag:s10], $0x2000  }
0x7f: {  	[sflag:s10] =	ssyncset.done $0x0  }
0x80: {  	[sflag:s10] =	ssyncadd.s32 $0xFFFFE000  }
0x81: {  	s16 =	sadd.s32 $0xFFFFFF00, s17;
	s15 =	sand.u32 $0x380, s17;
	_ =	swait.ge [sflag:s11], $0x80  }
0x82: {  	s6 =	sadd.s32 $0xFFFFFF40, s9;
	s22 =	sadd.s32 $0xFFFFFF80, s17;
	[sflag:s11] =	ssyncset.done $0x0  }
0x83: {  	s17 =	sadd.s32 $0xFFFFFE80, s17;
	s22 =	sand.u32 $0x300, s22;
	[sflag:s11] =	ssyncadd.s32 $0xFFFFFF80  }
0x84: {  	[spmem:s2] =	stream.indirect.scatter.add.f32 [tilespmem:s24], [sflag:$0x8], $0x80, s23, s21, $0xb8;
	[tilespmem:$0x1EA00] =	vst v63  }
0x85: {  	s23 =	sand.u32 $0xFC00, s17  }
0x86: {  	s17 =	sand.u32 $0x200, s17;
	_ =	swait.ge [sflag:s12], $0x2000;
	s23 =	sadd.s32 s25, s23  }
0x87: {  	s16 =	sand.u32 $0x280, s16;
	[sflag:s12] =	ssyncset.done $0x0;
	s17 =	sor.u32 s17, s23  }
0x88: {  	s16 =	sor.u32 s23, s16;
	s15 =	sor.u32 s23, s15;
	[sflag:s12] =	ssyncadd.s32 $0xFFFFE000  }
0x89: {  	[tilespmem:s29], [sflag:$0x1] =	stream.indirect.gather [hbm4b:s4+s21], $0x80, s6, s21, $0xb8;
	[tilespmem:$0x1EA00] =	vst v63  }
0x8a: {  	s16 =	sshrl.u32 s16, $0x3;
	s6 =	sshrl.u32 s17, $0x3;
	s17 =	sor.u32 s23, s22  }
0x8b: {  	s22 =	simm.s32 $0x16800;
	s6 =	sadd.s32 s5, s6;
	s17 =	sshrl.u32 s17, $0x3  }
0x8c: {  	[tilespmem:s30], [sflag:$0x9] =	stream.linear.gather [hbm4b:s6+s3], $0x80, $0x38;
	[tilespmem:$0x1EA00] =	vst v63  }
0x8d: {  	s6 =	sshrl.u32 s15, $0x3;
	_ =	swait.ge [sflag:s13], $0x2000  }
0x8e: {  	s15 =	sadd.s32 $0xFFFFFF80, s9;
	[sflag:s13] =	ssyncset.done $0x0  }
0x8f: {  	s16 =	sadd.s32 s5, s16;
	s23 =	simm.s32 $0x18A00;
	[sflag:s13] =	ssyncadd.s32 $0xFFFFE000  }
0x90: {  	[tilespmem:s1], [sflag:$0x2] =	stream.indirect.gather [hbm4b:s4+s21], $0x80, s15, s21, $0xb8;
	[tilespmem:$0x1EA00] =	vst v63  }
0x91: {  	s1 =	simm.s32 $0x16880  }
0x92: {  	[tilespmem:s0], [sflag:$0xA] =	stream.linear.gather [hbm4b:s16+s3], $0x80, $0x38;
	[tilespmem:$0x1EA00] =	vst v63  }
0x93: {  	_ =	swait.ge [sflag:s14], $0x2000  }
0x94: {  	s15 =	sadd.s32 $0xFFFFFFC0, s9;
	[sflag:s14] =	ssyncset.done $0x0  }
0x95: {  	s16 =	sadd.s32 s5, s17;
	s0 =	simm.s32 $0x1AA00;
	[sflag:s14] =	ssyncadd.s32 $0xFFFFE000  }
0x96: {  	[tilespmem:s18], [sflag:$0x3] =	stream.indirect.gather [hbm4b:s4+s21], $0x80, s15, s21, $0xb8;
	[tilespmem:$0x1EA00] =	vst v63  }
0x97: {  	_ = 	snop  }
0x98: {  	[tilespmem:s19], [sflag:$0xB] =	stream.linear.gather [hbm4b:s16+s3], $0x80, $0x38;
	[tilespmem:$0x1EA00] =	vst v63  }
.Ltmp0:
0x99: {  	s15 =	simm.s32 $0x16900;
	(pc) =	sbr.rel @p0 .LBB2_2-.Ltmp0, $4  }
0x9a: {  	_ =	swait.ge [sflag:s20], $0x2000  }
0x9b: {  	[sflag:s20] =	ssyncset.done $0x0  }
0x9c: {  	s16 =	sadd.s32 s5, s6;
	s6 =	simm.s32 $0x1CA00;
	[sflag:s20] =	ssyncadd.s32 $0xFFFFE000  }
0x9d: {  	[tilespmem:s24], [sflag:$0x4] =	stream.indirect.gather [hbm4b:s4+s21], $0x80, s9, s21, $0xb8;
	[tilespmem:$0x1EA00] =	vst v63  }
0x9e: {  	s8 =	simm.s32 $0x16980;
	s9 =	simm.s32 $0x1  }
0x9f: {  	[tilespmem:s8], [sflag:$0xC] =	stream.linear.gather [hbm4b:s16+s3], $0x80, $0x38;
	[tilespmem:$0x1EA00] =	vst v63  }
0xa0: {  	_ =	swait.ge [sflag:s9], $0x2000  }
0xa1: {  	[sflag:s9] =	ssyncset.done $0x0  }
0xa2: {  	s17 =	simm.s32 $0x9;
	[sflag:s9] =	ssyncadd.s32 $0xFFFFE000  }
0xa3: {  	_ =	swait.ge [sflag:s17], $0x80  }
0xa4: {  	[sflag:s17] =	ssyncset.done $0x0  }
0xa5: {  	s18 =	simm.s32 $0x2;
	[sflag:s17] =	ssyncadd.s32 $0xFFFFFF80  }
0xa6: {  	[spmem:s2] =	stream.indirect.scatter.add.f32 [tilespmem:s26], [sflag:$0x5], $0x80, s22, s21, $0xb8;
	[tilespmem:$0x1EA00] =	vst v63  }
0xa7: {  	_ =	swait.ge [sflag:s18], $0x2000  }
0xa8: {  	[sflag:s18] =	ssyncset.done $0x0  }
0xa9: {  	[sflag:s18] =	ssyncadd.s32 $0xFFFFE000  }
0xaa: {  	_ =	swait.ge [sflag:s28], $0x80  }
0xab: {  	[sflag:s28] =	ssyncset.done $0x0  }
0xac: {  	[sflag:s28] =	ssyncadd.s32 $0xFFFFFF80  }
0xad: {  	[spmem:s2] =	stream.indirect.scatter.add.f32 [tilespmem:s23], [sflag:$0x6], $0x80, s1, s21, $0xb8;
	[tilespmem:$0x1EA00] =	vst v63  }
0xae: {  	_ =	swait.ge [sflag:s31], $0x2000  }
0xaf: {  	[sflag:s31] =	ssyncset.done $0x0  }
0xb0: {  	[sflag:s31] =	ssyncadd.s32 $0xFFFFE000  }
0xb1: {  	_ =	swait.ge [sflag:s7], $0x80  }
0xb2: {  	[sflag:s7] =	ssyncset.done $0x0  }
0xb3: {  	[sflag:s7] =	ssyncadd.s32 $0xFFFFFF80  }
0xb4: {  	[spmem:s2] =	stream.indirect.scatter.add.f32 [tilespmem:s0], [sflag:$0x7], $0x80, s15, s21, $0xb8;
	[tilespmem:$0x1EA00] =	vst v63  }
0xb5: {  	_ =	swait.ge [sflag:s10], $0x2000  }
0xb6: {  	[sflag:s10] =	ssyncset.done $0x0  }
0xb7: {  	[sflag:s10] =	ssyncadd.s32 $0xFFFFE000  }
0xb8: {  	_ =	swait.ge [sflag:s11], $0x80  }
0xb9: {  	[sflag:s11] =	ssyncset.done $0x0  }
0xba: {  	[sflag:s11] =	ssyncadd.s32 $0xFFFFFF80  }
0xbb: {  	[spmem:s2] =	stream.indirect.scatter.add.f32 [tilespmem:s6], [sflag:$0x8], $0x80, s8, s21, $0xb8;
	[tilespmem:$0x1EA00] =	vst v63  }
0xbc: {  	_ =	swait.ge [sflag:s12], $0x2000  }
0xbd: {  	[sflag:s12] =	ssyncset.done $0x0  }
0xbe: {  	[sflag:s12] =	ssyncadd.s32 $0xFFFFE000  }
0xbf: {  	_ =	swait.ge [sflag:s13], $0x2000  }
0xc0: {  	[sflag:s13] =	ssyncset.done $0x0  }
0xc1: {  	[sflag:s13] =	ssyncadd.s32 $0xFFFFE000  }
0xc2: {  	_ =	swait.ge [sflag:s14], $0x2000  }
0xc3: {  	[sflag:s14] =	ssyncset.done $0x0  }
0xc4: {  	[sflag:s14] =	ssyncadd.s32 $0xFFFFE000  }
0xc5: {  	_ =	swait.ge [sflag:s20], $0x2000  }
0xc6: {  	[sflag:s20] =	ssyncset.done $0x0  }
0xc7: {  	[sflag:s20] =	ssyncadd.s32 $0xFFFFE000  }
0xc8: {  	[bflag:$0x0] =	sbarrier.arrive $0xFFFF  }
0xc9: {  	s9 =	rddreg [dreg:$0x4]  }
0xca: {  	s19 =	rddreg [dreg:$0xa]  }
0xcb: {  	s15 =	simm.s32 $0xD;
	s8 =	rddreg [dreg:$0xc]  }
0xcc: {  	[hbm:s19], [sflag:s9] =	dma.local [spmem:s8], $0x2800  }
0xcd: {  	_ =	swait.ge [sflag:s15], $0x2800  }
0xce: {  	s22 =	rddreg [dreg:$0xd]  }
0xcf: {  	s23 =	rddreg [dreg:$0xb];
	s0 =	sadd.s32 $0x1, s22  }
0xd0: {  	p0 =	sne.s32 s0, s23  }
.Ltmp1:
0xd1: {  	_ = 	snop;
	(pc) =	sbr.rel @p0 .LBB2_1-.Ltmp1, $3  }
0xd2: {  	_ =	sdelay $0x1  }
0xd3: {  	[sflag:s15] =	ssyncset.done $0x0  }
0xd4: {  	[sflag:s15] =	ssyncadd.s32 $0xFFFFD800  }
0xd5: {  	_ =	sfence.sel $0x180000  }
0xd6: {  	[bflag:$0x0] =	sbarrier.arrive $0xFFFF  }
0xd7: {  	_ =	strace $0x9000004A  }
0xd8: {  	s0 =	stileid.u32;
	[bflag:$0x2] =	sbarrier.arrive $0xFFFF  }
0xd9: {  	p0 =	sne.s32 s0, $0x0;
	s0 =	rddreg [dreg:$0x2]  }
0xda: {  	s0 =	sadd.s32 @!p0 $0x100000, s0  }
0xdb: {  	[sflag:s0] =	ssyncadd.tile.s32 @!p0 $0x1;
	_ =	shalt  }
.Lfunc_end2:
_tile_overlayer_lowered:
.L_overlay_start_2:
0xdc: {  	(tag) =	ssettag $0x2  }
0xdd: {  	s0 =	rddreg [dreg:$0x0];
	s2 =	stileid.u32  }
0xde: {  	s1 =	rddreg [dreg:$0x1];
	p0 =	sne.s32 s2, $0x0  }
0xdf: {  	s3 =	rddreg [dreg:$0x2];
	[bflag:$0x3] =	sbarrier.arrive $0xFFFF;
	s2 =	simm.s32 @!p0 $0x1C0D  }
0xe0: {  	[timem:s3], [sflag:s2] =	dma.local @!p0 [hbm:s0], s1  }
0xe1: {  	s0 =	simm.s32 @!p0 $0xD  }
0xe2: {  	_ =	swait.ge @!p0 [sflag:s0], s1  }
0xe3: {  	s1 =	ssub.s32 @!p0 $0x0, s1;
	[sflag:s0] =	ssyncset.done @!p0 $0x0  }
0xe4: {  	[sflag:s0] =	ssyncadd.s32 @!p0 s1  }
0xe5: {  	[bflag:$0x3] =	sbarrier.arrive $0xFFFF  }
0xe6: {  	_ =	shalt  }

// kernel: kernel.15.cloned.1.call-start
scs
__scs_entry_jumppad:
0x0: {  	(pc) =	sbr.rel $0x88, $3  }
0x1: {  	(tag) =	ssettag $0x0;
	lr =	simm.s32 $0x1  }
0x2: {  	[smem:$0x3F93] =	sst lr;
	_ =	strace $0xD0000000  }
0x3: {  	_ = 	snop  }
0x4: {  	_ = 	snop  }
0x5: {  	_ = 	snop  }
0x6: {  	_ = 	snop  }
0x7: {  	_ = 	snop  }
__scs_overlays_trampoline_lowered:
0x8: {  	[smem:$0x3FA2] =	sst s0  }
0x9: {  	[smem:$0x3FA3] =	sst s1  }
0xa: {  	[smem:$0x3FA4] =	sst s2  }
0xb: {  	[smem:$0x3FA5] =	sst s3  }
0xc: {  	[smem:$0x3FA6] =	sst s4  }
0xd: {  	[smem:$0x3FA7] =	sst s5  }
0xe: {  	[smem:$0x3FA8] =	sst s6  }
0xf: {  	[smem:$0x3FA9] =	sst s7  }
0x10: {  	[smem:$0x3FAA] =	sst s8  }
0x11: {  	[smem:$0x3FAB] =	sst s9;
	s0 =	simm.s32 @!p0 $0x0  }
0x12: {  	s1 =	sld [smem:$0x3F91];
	s0 =	simm.s32 @p0 $0x1  }
0x13: {  	[smem:$0x3FAC] =	sst s0;
	s0 =	simm.s32 @!p1 $0x0  }
0x14: {  	s2 =	sld [smem:$0x3F90];
	s0 =	simm.s32 @p1 $0x1  }
0x15: {  	[smem:$0x3FAD] =	sst s0;
	s0 =	simm.s32 @!p2 $0x0  }
0x16: {  	s3 =	sld [smem:$0x3FDB];
	s0 =	simm.s32 @p2 $0x1  }
0x17: {  	s4 =	simm.s32 $0x1BF5;
	[smem:$0x3FAF] =	sst s0  }
0x18: {  	s0 =	sld [smem:$0x3F92];
	_ =	swait.ge [sflag:s4], $0x0  }
0x19: {  	s7 =	sld [smem:$0x3F93]  }
0x1a: {  	s8 =	sadd.s32 $0xFFFFE003, lr  }
0x1b: {  	s9 =	sadd.s32 $0xFFFFFEF7, lr;
	s5 =	simm.s32 $0xFFFFFFFF;
	p2 =	slt.u32 s8, $0xFFFFF086  }
0x1c: {  	p1 =	slt.u32 s9, $0xF7A;
	s5 =	simm.s32 @!p2 $0x0  }
0x1d: {  	s5 =	simm.s32 @p1 $0x1;
	p0 =	seq.s32 s7, s2  }
0x1e: {  	s7 =	smul.u32 @!p0 $0xF7A, s2;
	p2 =	seq.s32 @!p0 s5, $0x0  }
0x1f: {  	s9 =	smul.u32 $0xF7A, s1;
	s8 =	simm.s32 @!p0 $0x1BF5;
	p2 =	por !p2, p0  }
0x20: {  	[sflag:s8] =	ssyncset.s32 @!p0 $0xFFFFF086;
	s6 =	sadd.s32 @!p0 s3, s7;
	s7 =	simm.s32 @!p0 $0x108  }
0x21: {  	s3 =	sadd.s32 s3, s9;
	s6 =	sadd.s32 @!p0 $0x88, s6;
	s7 =	simm.s32 @p2 $0x1082  }
0x22: {  	[simem:s7], [sflag:s8] =	dma.local @!p0 [hbm:s6], $0xF7A  }
0x23: {  	s9 =	sor.u32 $0xD0000000, s2;
	s6 =	simm.s32 $0x108;
	_ =	swait.ge @!p0 [sflag:s8], $0x0  }
0x24: {  	s3 =	sadd.s32 $0x88, s3;
	s6 =	simm.s32 @!p1 $0x1082;
	[sflag:s4] =	ssyncset.s32 $0xFFFFF086  }
0x25: {  	[simem:s6], [sflag:s4] =	dma.local [hbm:s3], $0xF7A  }
0x26: {  	[smem:$0x3F93] =	sst s1;
	(tag) =	ssettag s2;
	_ =	strace s9  }
0x27: {  	s1 =	sld [smem:$0x3FA3]  }
0x28: {  	s2 =	sld [smem:$0x3FA4]  }
0x29: {  	s4 =	sld [smem:$0x3FA6]  }
0x2a: {  	p0 =	seq.s32 s5, $0x0;
	s5 =	sld [smem:$0x3FA7]  }
0x2b: {  	s6 =	sld [smem:$0x3FA8]  }
0x2c: {  	s7 =	sld [smem:$0x3FA9]  }
0x2d: {  	s3 =	simm.s32 $0x108;
	s8 =	sld [smem:$0x3FAA]  }
0x2e: {  	s3 =	simm.s32 @!p0 $0x1082;
	s9 =	sld [smem:$0x3FAB]  }
0x2f: {  	lr =	sadd.s32 s0, s3;
	s0 =	sld [smem:$0x3FA2]  }
0x30: {  	s3 =	sld [smem:$0x3FA5]  }
0x31: {  	[smem:$0x3FAE] =	sst s10  }
0x32: {  	s10 =	sld [smem:$0x3FAC];
	_ =	sdelay $0x3  }
0x33: {  	p0 =	seq.s32 s10, $0x1;
	s10 =	sld [smem:$0x3FAE];
	_ =	sdelay $0x3  }
0x34: {  	[smem:$0x3FAE] =	sst s10  }
0x35: {  	s10 =	sld [smem:$0x3FAD];
	_ =	sdelay $0x3  }
0x36: {  	p1 =	seq.s32 s10, $0x1;
	s10 =	sld [smem:$0x3FAE];
	_ =	sdelay $0x3  }
0x37: {  	[smem:$0x3FAE] =	sst s10  }
0x38: {  	s10 =	sld [smem:$0x3FAF]  }
0x39: {  	_ = 	snop;
	(pc) =	sbr.ind lr, $3  }
0x3a: {  	_ = 	snop  }
0x3b: {  	_ = 	snop  }
0x3c: {  	p2 =	seq.s32 s10, $0x1;
	s10 =	sld [smem:$0x3FAE]  }
0x3d: {  	_ =	shalt  }
0x3e: {  	_ =	shalt  }
0x3f: {  	_ =	shalt  }
0x40: {  	_ =	shalt  }
0x41: {  	_ =	shalt  }
0x42: {  	_ =	shalt  }
0x43: {  	_ =	shalt  }
0x44: {  	_ =	shalt  }
0x45: {  	_ =	shalt  }
0x46: {  	_ =	shalt  }
0x47: {  	_ =	shalt  }
0x48: {  	_ =	shalt  }
0x49: {  	_ =	shalt  }
0x4a: {  	_ =	shalt  }
0x4b: {  	_ =	shalt  }
0x4c: {  	_ =	shalt  }
0x4d: {  	_ =	shalt  }
0x4e: {  	_ =	shalt  }
0x4f: {  	_ =	shalt  }
0x50: {  	_ =	shalt  }
0x51: {  	_ =	shalt  }
0x52: {  	_ =	shalt  }
0x53: {  	_ =	shalt  }
0x54: {  	_ =	shalt  }
0x55: {  	_ =	shalt  }
0x56: {  	_ =	shalt  }
0x57: {  	_ =	shalt  }
0x58: {  	_ =	shalt  }
0x59: {  	_ =	shalt  }
0x5a: {  	_ =	shalt  }
0x5b: {  	_ =	shalt  }
0x5c: {  	_ =	shalt  }
0x5d: {  	_ =	shalt  }
0x5e: {  	_ =	shalt  }
0x5f: {  	_ =	shalt  }
0x60: {  	_ =	shalt  }
0x61: {  	_ =	shalt  }
0x62: {  	_ =	shalt  }
0x63: {  	_ =	shalt  }
0x64: {  	_ =	shalt  }
0x65: {  	_ =	shalt  }
0x66: {  	_ =	shalt  }
0x67: {  	_ =	shalt  }
0x68: {  	_ =	shalt  }
0x69: {  	_ =	shalt  }
0x6a: {  	_ =	shalt  }
0x6b: {  	_ =	shalt  }
0x6c: {  	_ =	shalt  }
0x6d: {  	_ =	shalt  }
0x6e: {  	_ =	shalt  }
0x6f: {  	_ =	shalt  }
0x70: {  	_ =	shalt  }
0x71: {  	_ =	shalt  }
0x72: {  	_ =	shalt  }
0x73: {  	_ =	shalt  }
0x74: {  	_ =	shalt  }
0x75: {  	_ =	shalt  }
0x76: {  	_ =	shalt  }
0x77: {  	_ =	shalt  }
0x78: {  	_ =	shalt  }
0x79: {  	_ =	shalt  }
0x7a: {  	_ =	shalt  }
0x7b: {  	_ =	shalt  }
0x7c: {  	_ =	shalt  }
0x7d: {  	_ =	shalt  }
0x7e: {  	_ =	shalt  }
0x7f: {  	_ =	shalt  }
0x80: {  	_ =	shalt  }
0x81: {  	_ =	shalt  }
0x82: {  	_ =	shalt  }
0x83: {  	_ =	shalt  }
0x84: {  	_ =	shalt  }
0x85: {  	_ =	shalt  }
0x86: {  	_ =	shalt  }
0x87: {  	_ =	shalt  }
.Lfunc_end0:
.L_simem_size_0:
called_computation.2_lowered:
.L_overlay_start_0:
0x88: {  	s2 =	sld [smem:$0x3FD9]  }
0x89: {  	s3 =	sld [smem:$0x3FFE];
	_ =	sdelay $0x1  }
0x8a: {  	s1 =	srdreg.scid  }
0x8b: {  	s0 =	sand.u32 $0x1, s1  }
0x8c: {  	s16 =	sshll.u32 s0, $0xA;
	s2 =	sadd.s32 s3, s2  }
0x8d: {  	s2 =	sadd.s32 s2, s16  }
0x8e: {  	[smem:$0x3FBA] =	sst s2  }
0x8f: {  	_ = 	snop  }
0x90: {  	(tm) =	ssettm $0x1  }
0x91: {  	s17 =	sld [smem:$0x3FFB];
	_ =	sdelay $0x3  }
0x92: {  	_ =	strace s17  }
0x93: {  	s2 =	sld [smem:$0x3FFC];
	_ =	sdelay $0x3  }
0x94: {  	_ =	strace s2  }
0x95: {  	s2 =	sld [smem:$0x3FFD];
	_ =	sdelay $0x3  }
0x96: {  	_ =	strace s2  }
0x97: {  	_ =	strace $0x8FFFFFFF  }
0x98: {  	s18 =	sld [smem:$0x3FDB];
	_ =	sdelay $0x1  }
0x99: {  	s19 =	simm.s32 $_scs_section_size  }
0x9a: {  	s4 =	simm.s32 $_size__tile_overlayer_lowered;
	s5 =	simm.s32 $_tile_overlayer_lowered  }
0x9b: {  	s22 =	simm.s32 $0x1BFF;
	s21 =	sshll.u32 s5, $0x1;
	s2 =	sadd.s32 s19, s18  }
0x9c: {  	s6 =	simm.s32 $0x0;
	s20 =	sshll.u32 s4, $0x1;
	s4 =	sadd.s32 s21, s2  }
0x9d: {  	[timem:s6], [sflag:s22] =	dma.local [hbm:s4], s20  }
0x9e: {  	_ =	swait.ge [sflag:s22], s20  }
0x9f: {  	s3 =	ssub.s32 $0x0, s20;
	[sflag:s22] =	ssyncset.done $0x0  }
0xa0: {  	[sflag:s22] =	ssyncadd.s32 s3;
	_ =	sdelay $0x1  }
0xa1: {  	s23 =	simm.s32 $0x1B8B  }
0xa2: {  	_ =	swait.ge [sflag:s23], $0x1  }
0xa3: {  	[sflag:s23] =	ssyncset.done $0x0  }
0xa4: {  	s25 =	simm.s32 $0x1B8E;
	s24 =	sld [smem:$0x3FFE];
	[sflag:s23] =	ssyncadd.s32 $0xFFFFFFFF  }
0xa5: {  	s26 =	simm.s32 $execute0_lowered;
	[smem:$0x3FD2] =	sst s25  }
0xa6: {  	s4 =	sshll.u32 s26, $0x1;
	_ =	strace $0x8000004C;
	[dreg:$0x1] =	wrdreg $0xFFFFFFFF  }
0xa7: {  	s28 =	simm.s32 $_size_execute0_lowered;
	s2 =	sadd.s32 s2, s4;
	[dreg:$0x0] =	wrdreg $0x0  }
0xa8: {  	s4 =	sshll.u32 s28, $0x1;
	[dreg:$0x2] =	wrdreg s2  }
0xa9: {  	[dreg:$0x3] =	wrdreg s4  }
0xaa: {  	[dreg:$0x4] =	wrdreg $0xC0  }
0xab: {  	_ =	task [dreg:s6], $0x5FFFF  }
0xac: {  	[dreg:$0x1] =	wrdreg $0xFFFFFFFF  }
0xad: {  	[dreg:$0x0] =	wrdreg $0x60  }
0xae: {  	[dreg:$0x2] =	wrdreg s24  }
0xaf: {  	[dreg:$0x3] =	wrdreg $0x0  }
0xb0: {  	[dreg:$0x4] =	wrdreg $0x9  }
0xb1: {  	_ =	task.clear_ibuf [dreg:s6], $0x5FFFF;
	_ =	strace $0x9000004C  }
0xb2: {  	s29 =	simm.s32 $0x9;
	_ =	strace $0x8000004E  }
0xb3: {  	_ =	swait.ge [sflag:s29], $0x1  }
0xb4: {  	[sflag:s29] =	ssyncadd.s32 $0xFFFFFFFF  }
0xb5: {  	_ =	strace $0x9000004E  }
0xb6: {  	_ =	sfence  }
0xb7: {  	s30 =	sld [smem:$0x0];
	_ =	sdelay $0x2  }
0xb8: {  	s31 =	sshll.u32 s1, $0xD;
	s1 =	sshrl.u32 s1, $0x2  }
0xb9: {  	s3 =	sand.u32 $0x4000, s31;
	s1 =	sadd.s32 s1, s30  }
0xba: {  	s0 =	sor.u32 s3, s0;
	s1 =	sshll.u32 s1, $0x11  }
0xbb: {  	s0 =	sor.u32 s1, s0  }
0xbc: {  	s0 =	sadd.s32 $0x8F2B, s0  }
0xbd: {  	[sflag:s0] =	ssyncadd.remote.s32 $0x1  }
0xbe: {  	_ =	sfence.sel $0xFFFF  }
0xbf: {  	[dreg:$0x0] =	wrdreg $0xFFFFFFFF;
	(pc) =	sbr.abs _section_cstart, $3  }
0xc0: {  	[dreg:$0x1] =	wrdreg $0xFFFFFFFF  }
0xc1: {  	_ =	task.clear_ibuf [dreg:s6], $0x2FFFF;
	_ =	strace $0x9FFFFFFF  }
0xc2: {  	(tm) =	ssettm $0x7FFFFFFF  }
0xc3: {  	_ =	shalt  }
tec
execute0_lowered:
.L_overlay_start_1:
0x0: {  	(tag) =	ssettag $0x1  }
0x1: {  	s0 =	rddreg [dreg:$0x0];
	s1 =	srdreg.scid  }
0x2: {  	s12 =	stileid.u32;
	s2 =	rddreg [dreg:$0x1];
	s28 =	simm.s32 $0xA  }
0x3: {  	s31 =	simm.s32 $0x3;
	s13 =	simm.s32 $0x6;
	s29 =	simm.s32 $0x16A00  }
0x4: {  	s30 =	simm.s32 $0x16800;
	s1 =	sand.u32 $0x1, s1;
	s8 =	smul.u32 $0x14000, s12  }
0x5: {  	s3 =	sshll.u32 s12, $0x1;
	s4 =	sshrl.u32 s12, $0x2;
	s16 =	smul.u32 $0x50000, s12  }
0x6: {  	s18 =	sshll.u32 s12, $0x6;
	s12 =	simm.s32 $0x5;
	s6 =	sor.u32 s1, s3  }
0x7: {  	s3 =	simm.s32 $0x0;
	s5 =	smul.u32 $0x14000, s4;
	s4 =	sadd.s32 $0x49200, s0  }
0x8: {  	s9 =	smul.u32 $0x140000, s1;
	s1 =	ssub.s32 $0x2, s1;
	s14 =	sshll.u32 s6, $0x7  }
0x9: {  	[smem:$0x7FF] =	sst s3;
	s15 =	sshrl.u32 s8, $0x3;
	s11 =	sshrl.u32 s1, $0x1  }
0xa: {  	s25 =	smul.u32 $0x5000, s6;
	s17 =	sshrl.u32 s16, $0x2;
	s7 =	sand.u32 $0x380, s14  }
0xb: {  	_ =	strace $0x8000004D;
	s8 =	sadd.s32 s8, s9;
	s1 =	ssub.s32 s1, s11  }
0xc: {  	s9 =	sor.u32 $0x1C0D, s18;
	s11 =	simm.s32 $0xC;
	s14 =	simm.s32 $0x7  }
0xd: {  	s5 =	sor.u32 s5, s7;
	s7 =	sadd.s32 s15, s0;
	s8 =	sshrl.u32 s8, $0x3  }
0xe: {  	s19 =	sshrl.u32 s25, $0x3;
	s26 =	smax.u32 s1, $0x1;
	s15 =	simm.s32 $0xD  }
0xf: {  	[dreg:$0x4] =	wrdreg s9;
	s5 =	sshrl.u32 s5, $0x3;
	s20 =	sadd.s32 $0x21200, s7  }
0x10: {  	[dreg:$0xb] =	wrdreg s26;
	s7 =	simm.s32 $0xB;
	s10 =	sadd.s32 s5, s0  }
0x11: {  	s5 =	sadd.s32 $0x3200, s0;
	[dreg:$0x3] =	wrdreg s20;
	s22 =	sadd.s32 $0x17200, s10  }
0x12: {  	s0 =	sadd.s32 s8, s0;
	s21 =	sadd.s32 s5, s19;
	[dreg:$0x6] =	wrdreg s22  }
0x13: {  	s8 =	sadd.s32 s17, s2;
	s0 =	sadd.s32 $0x70400, s0;
	[dreg:$0x5] =	wrdreg s21  }
0x14: {  	s26 =	simm.s32 $0x16A00;
	s8 =	sshrl.u32 s8, $0x3;
	[dreg:$0xa] =	wrdreg s0  }
0x15: {  	s20 =	simm.s32 $0x8;
	s23 =	sadd.s32 $0x10, s21;
	[dreg:$0xc] =	wrdreg s8  }
0x16: {  	s10 =	simm.s32 $0x4;
	s24 =	sadd.s32 $0x20, s21;
	[dreg:$0x7] =	wrdreg s23  }
0x17: {  	s6 =	sadd.s32 $0x30, s21;
	s21 =	simm.s32 $0x40;
	[dreg:$0x8] =	wrdreg s24  }
0x18: {  	s0 =	simm.s32 $0x0;
	[dreg:$0x9] =	wrdreg s6;
	s24 =	simm.s32 $0x1CA00  }
.LBB2_1:
0x19: {  	[dreg:$0xd] =	wrdreg s0  }
0x1a: {  	s6 =	rddreg [dreg:$0x3]  }
0x1b: {  	[spmem:s8], [sflag:s9] =	dma.local [hbm:s6], $0x2800  }
0x1c: {  	_ =	swait.ge [sflag:s15], $0x2800  }
0x1d: {  	s0 =	simm.s32 $0x80;
	s1 =	simm.s32 $0x400;
	[sflag:s15] =	ssyncset.done $0x0  }
0x1e: {  	s16 =	simm.s32 $0x14000;
	s23 =	rddreg [dreg:$0x6];
	[sflag:s15] =	ssyncadd.s32 $0xFFFFD800  }
0x1f: {  	[tilespmem:s16], [sflag:$0xD] =	stream.strided.gather [hbm4b:s23+s0], $0x2800, s1, s0, $0x38;
	[tilespmem:$0x1EA00] =	vst v63  }
0x20: {  	_ =	swait.ge [sflag:s15], $0x2800  }
0x21: {  	[sflag:s15] =	ssyncset.done $0x0  }
0x22: {  	[sflag:s15] =	ssyncadd.s32 $0xFFFFD800  }
0x23: {  	s15 =	simm.s32 $0x16A00;
	[bflag:$0x0] =	sbarrier.arrive $0xFFFF  }
0x24: {  	[tilespmem:s15], [sflag:$0x1] =	stream.indirect.gather [hbm4b:s4+s21], $0x80, s16, s21, $0xb8;
	[tilespmem:$0x1EA00] =	vst v63  }
0x25: {  	s17 =	simm.s32 $0x16800;
	s9 =	rddreg [dreg:$0x5]  }
0x26: {  	[tilespmem:s17], [sflag:$0x9] =	stream.linear.gather [hbm4b:s9+s3], $0x80, $0x38;
	[tilespmem:$0x1EA00] =	vst v63  }
0x27: {  	s1 =	simm.s32 $0x18A00;
	s16 =	simm.s32 $0x14040  }
0x28: {  	[tilespmem:s1], [sflag:$0x2] =	stream.indirect.gather [hbm4b:s4+s21], $0x80, s16, s21, $0xb8;
	[tilespmem:$0x1EA00] =	vst v63  }
0x29: {  	s0 =	simm.s32 $0x16880;
	s18 =	rddreg [dreg:$0x7]  }
0x2a: {  	[tilespmem:s0], [sflag:$0xA] =	stream.linear.gather [hbm4b:s18+s3], $0x80, $0x38;
	[tilespmem:$0x1EA00] =	vst v63  }
0x2b: {  	s19 =	simm.s32 $0x14080;
	s18 =	simm.s32 $0x1AA00  }
0x2c: {  	[tilespmem:s18], [sflag:$0x3] =	stream.indirect.gather [hbm4b:s4+s21], $0x80, s19, s21, $0xb8;
	[tilespmem:$0x1EA00] =	vst v63  }
0x2d: {  	s22 =	rddreg [dreg:$0x8];
	s19 =	simm.s32 $0x16900  }
0x2e: {  	[tilespmem:s19], [sflag:$0xB] =	stream.linear.gather [hbm4b:s22+s3], $0x80, $0x38;
	[tilespmem:$0x1EA00] =	vst v63  }
0x2f: {  	s23 =	simm.s32 $0x140C0;
	s22 =	simm.s32 $0x1CA00  }
0x30: {  	[tilespmem:s22], [sflag:$0x4] =	stream.indirect.gather [hbm4b:s4+s21], $0x80, s23, s21, $0xb8;
	[tilespmem:$0x1EA00] =	vst v63  }
0x31: {  	s8 =	rddreg [dreg:$0x9];
	s9 =	simm.s32 $0x16980;
	s16 =	simm.s32 $0x1  }
0x32: {  	[tilespmem:s9], [sflag:$0xC] =	stream.linear.gather [hbm4b:s8+s3], $0x80, $0x38;
	[tilespmem:$0x1EA00] =	vst v63  }
0x33: {  	_ =	swait.ge [sflag:s16], $0x2000  }
0x34: {  	[sflag:s16] =	ssyncset.done $0x0  }
0x35: {  	s23 =	simm.s32 $0x9;
	[sflag:s16] =	ssyncadd.s32 $0xFFFFE000  }
0x36: {  	_ =	swait.ge [sflag:s23], $0x80  }
0x37: {  	[sflag:s23] =	ssyncset.done $0x0  }
0x38: {  	s8 =	simm.s32 $0x2;
	[sflag:s23] =	ssyncadd.s32 $0xFFFFFF80  }
0x39: {  	[spmem:s2] =	stream.indirect.scatter.add.f32 [tilespmem:s15], [sflag:$0x5], $0x80, s17, s21, $0xb8;
	[tilespmem:$0x1EA00] =	vst v63  }
0x3a: {  	_ =	swait.ge [sflag:s8], $0x2000  }
0x3b: {  	[sflag:s8] =	ssyncset.done $0x0  }
0x3c: {  	[sflag:s8] =	ssyncadd.s32 $0xFFFFE000  }
0x3d: {  	_ =	swait.ge [sflag:s28], $0x80  }
0x3e: {  	[sflag:s28] =	ssyncset.done $0x0  }
0x3f: {  	[sflag:s28] =	ssyncadd.s32 $0xFFFFFF80  }
0x40: {  	[spmem:s2] =	stream.indirect.scatter.add.f32 [tilespmem:s1], [sflag:$0x6], $0x80, s0, s21, $0xb8;
	[tilespmem:$0x1EA00] =	vst v63  }
0x41: {  	_ =	swait.ge [sflag:s31], $0x2000  }
0x42: {  	[sflag:s31] =	ssyncset.done $0x0  }
0x43: {  	[sflag:s31] =	ssyncadd.s32 $0xFFFFE000  }
0x44: {  	_ =	swait.ge [sflag:s7], $0x80  }
0x45: {  	[sflag:s7] =	ssyncset.done $0x0  }
0x46: {  	[sflag:s7] =	ssyncadd.s32 $0xFFFFFF80  }
0x47: {  	[spmem:s2] =	stream.indirect.scatter.add.f32 [tilespmem:s18], [sflag:$0x7], $0x80, s19, s21, $0xb8;
	[tilespmem:$0x1EA00] =	vst v63  }
0x48: {  	_ =	swait.ge [sflag:s10], $0x2000  }
0x49: {  	[sflag:s10] =	ssyncset.done $0x0  }
0x4a: {  	[sflag:s10] =	ssyncadd.s32 $0xFFFFE000  }
0x4b: {  	_ =	swait.ge [sflag:s11], $0x80  }
0x4c: {  	s16 =	simm.s32 $0x200;
	[sflag:s11] =	ssyncset.done $0x0  }
0x4d: {  	s23 =	sand.u32 $0xFC00, s16;
	[sflag:s11] =	ssyncadd.s32 $0xFFFFFF80  }
0x4e: {  	[spmem:s2] =	stream.indirect.scatter.add.f32 [tilespmem:s22], [sflag:$0x8], $0x80, s9, s21, $0xb8;
	[tilespmem:$0x1EA00] =	vst v63  }
0x4f: {  	s8 =	sand.u32 $0x200, s16;
	s16 =	sadd.s32 s25, s23;
	_ =	swait.ge [sflag:s12], $0x2000  }
0x50: {  	s8 =	sor.u32 s8, s16;
	[sflag:s12] =	ssyncset.done $0x0  }
0x51: {  	s6 =	simm.s32 $0x14100;
	s8 =	sshrl.u32 s8, $0x3;
	[sflag:s12] =	ssyncadd.s32 $0xFFFFE000  }
0x52: {  	[tilespmem:s15], [sflag:$0x1] =	stream.indirect.gather [hbm4b:s4+s21], $0x80, s6, s21, $0xb8;
	[tilespmem:$0x1EA00] =	vst v63  }
0x53: {  	s8 =	sadd.s32 s5, s8;
	s15 =	simm.s32 $0x280  }
0x54: {  	[tilespmem:s17], [sflag:$0x9] =	stream.linear.gather [hbm4b:s8+s3], $0x80, $0x38;
	[tilespmem:$0x1EA00] =	vst v63  }
0x55: {  	s17 =	sand.u32 $0x280, s15;
	_ =	swait.ge [sflag:s13], $0x2000  }
0x56: {  	s8 =	sor.u32 s16, s17;
	[sflag:s13] =	ssyncset.done $0x0  }
0x57: {  	s23 =	simm.s32 $0x14140;
	s8 =	sshrl.u32 s8, $0x3;
	[sflag:s13] =	ssyncadd.s32 $0xFFFFE000  }
0x58: {  	[tilespmem:s1], [sflag:$0x2] =	stream.indirect.gather [hbm4b:s4+s21], $0x80, s23, s21, $0xb8;
	[tilespmem:$0x1EA00] =	vst v63  }
0x59: {  	s6 =	simm.s32 $0x300;
	s8 =	sadd.s32 s5, s8  }
0x5a: {  	[tilespmem:s0], [sflag:$0xA] =	stream.linear.gather [hbm4b:s8+s3], $0x80, $0x38;
	[tilespmem:$0x1EA00] =	vst v63  }
0x5b: {  	s15 =	sand.u32 $0x300, s6;
	_ =	swait.ge [sflag:s14], $0x2000  }
0x5c: {  	s8 =	sor.u32 s16, s15;
	[sflag:s14] =	ssyncset.done $0x0  }
0x5d: {  	s17 =	simm.s32 $0x14180;
	s8 =	sshrl.u32 s8, $0x3;
	[sflag:s14] =	ssyncadd.s32 $0xFFFFE000  }
0x5e: {  	[tilespmem:s18], [sflag:$0x3] =	stream.indirect.gather [hbm4b:s4+s21], $0x80, s17, s21, $0xb8;
	[tilespmem:$0x1EA00] =	vst v63  }
0x5f: {  	s23 =	simm.s32 $0x380;
	s8 =	sadd.s32 s5, s8  }
0x60: {  	[tilespmem:s19], [sflag:$0xB] =	stream.linear.gather [hbm4b:s8+s3], $0x80, $0x38;
	[tilespmem:$0x1EA00] =	vst v63  }
0x61: {  	s8 =	sand.u32 $0x380, s23  }
0x62: {  	_ =	swait.ge [sflag:s20], $0x2000;
	s8 =	sor.u32 s16, s8  }
0x63: {  	s9 =	simm.s32 $0x141C0;
	[sflag:s20] =	ssyncset.done $0x0;
	s16 =	sshrl.u32 s8, $0x3  }
0x64: {  	s8 =	simm.s32 $0x580;
	[sflag:s20] =	ssyncadd.s32 $0xFFFFE000;
	s16 =	sadd.s32 s5, s16  }
0x65: {  	[tilespmem:s22], [sflag:$0x4] =	stream.indirect.gather [hbm4b:s4+s21], $0x80, s9, s21, $0xb8;
	[tilespmem:$0x1EA00] =	vst v63  }
.LBB2_2:
0x66: {  	p0 =	sne.s32 s8, $0x4F80;
	s9 =	sadd.s32 $0x100, s9;
	s17 =	smov.u32 s8  }
0x67: {  	s8 =	sadd.s32 $0x200, s8;
	s23 =	simm.s32 $0x16980;
	s0 =	simm.s32 $0x1  }
0x68: {  	[tilespmem:s23], [sflag:$0xC] =	stream.linear.gather [hbm4b:s16+s3], $0x80, $0x38;
	[tilespmem:$0x1EA00] =	vst v63  }
0x69: {  	_ =	swait.ge [sflag:s0], $0x2000  }
0x6a: {  	[sflag:s0] =	ssyncset.done $0x0  }
0x6b: {  	[sflag:s0] =	ssyncadd.s32 $0xFFFFE000;
	s0 =	simm.s32 $0x9  }
0x6c: {  	_ =	swait.ge [sflag:s0], $0x80  }
0x6d: {  	[sflag:s0] =	ssyncset.done $0x0  }
0x6e: {  	[sflag:s0] =	ssyncadd.s32 $0xFFFFFF80;
	s0 =	simm.s32 $0x2  }
0x6f: {  	[spmem:s2] =	stream.indirect.scatter.add.f32 [tilespmem:s29], [sflag:$0x5], $0x80, s30, s21, $0xb8;
	[tilespmem:$0x1EA00] =	vst v63  }
0x70: {  	_ =	swait.ge [sflag:s0], $0x2000  }
0x71: {  	[sflag:s0] =	ssyncset.done $0x0  }
0x72: {  	[sflag:s0] =	ssyncadd.s32 $0xFFFFE000  }
0x73: {  	_ =	swait.ge [sflag:s28], $0x80  }
0x74: {  	[sflag:s28] =	ssyncset.done $0x0  }
0x75: {  	s1 =	simm.s32 $0x18A00;
	s0 =	simm.s32 $0x16880;
	[sflag:s28] =	ssyncadd.s32 $0xFFFFFF80  }
0x76: {  	[spmem:s2] =	stream.indirect.scatter.add.f32 [tilespmem:s1], [sflag:$0x6], $0x80, s0, s21, $0xb8;
	[tilespmem:$0x1EA00] =	vst v63  }
0x77: {  	_ =	swait.ge [sflag:s31], $0x2000  }
0x78: {  	[sflag:s31] =	ssyncset.done $0x0  }
0x79: {  	[sflag:s31] =	ssyncadd.s32 $0xFFFFE000  }
0x7a: {  	_ =	swait.ge [sflag:s7], $0x80  }
0x7b: {  	[sflag:s7] =	ssyncset.done $0x0  }
0x7c: {  	s18 =	simm.s32 $0x1AA00;
	s19 =	simm.s32 $0x16900;
	[sflag:s7] =	ssyncadd.s32 $0xFFFFFF80  }
0x7d: {  	[spmem:s2] =	stream.indirect.scatter.add.f32 [tilespmem:s18], [sflag:$0x7], $0x80, s19, s21, $0xb8;
	[tilespmem:$0x1EA00] =	vst v63  }
0x7e: {  	_ =	swait.ge [sflag:s10], $0x2000  }
0x7f: {  	[sflag:s10] =	ssyncset.done $0x0  }
0x80: {  	[sflag:s10] =	ssyncadd.s32 $0xFFFFE000  }
0x81: {  	s16 =	sadd.s32 $0xFFFFFF00, s17;
	s15 =	sand.u32 $0x380, s17;
	_ =	swait.ge [sflag:s11], $0x80  }
0x82: {  	s6 =	sadd.s32 $0xFFFFFF40, s9;
	s22 =	sadd.s32 $0xFFFFFF80, s17;
	[sflag:s11] =	ssyncset.done $0x0  }
0x83: {  	s17 =	sadd.s32 $0xFFFFFE80, s17;
	s22 =	sand.u32 $0x300, s22;
	[sflag:s11] =	ssyncadd.s32 $0xFFFFFF80  }
0x84: {  	[spmem:s2] =	stream.indirect.scatter.add.f32 [tilespmem:s24], [sflag:$0x8], $0x80, s23, s21, $0xb8;
	[tilespmem:$0x1EA00] =	vst v63  }
0x85: {  	s23 =	sand.u32 $0xFC00, s17  }
0x86: {  	s17 =	sand.u32 $0x200, s17;
	_ =	swait.ge [sflag:s12], $0x2000;
	s23 =	sadd.s32 s25, s23  }
0x87: {  	s16 =	sand.u32 $0x280, s16;
	[sflag:s12] =	ssyncset.done $0x0;
	s17 =	sor.u32 s17, s23  }
0x88: {  	s16 =	sor.u32 s23, s16;
	s15 =	sor.u32 s23, s15;
	[sflag:s12] =	ssyncadd.s32 $0xFFFFE000  }
0x89: {  	[tilespmem:s29], [sflag:$0x1] =	stream.indirect.gather [hbm4b:s4+s21], $0x80, s6, s21, $0xb8;
	[tilespmem:$0x1EA00] =	vst v63  }
0x8a: {  	s16 =	sshrl.u32 s16, $0x3;
	s6 =	sshrl.u32 s17, $0x3;
	s17 =	sor.u32 s23, s22  }
0x8b: {  	s22 =	simm.s32 $0x16800;
	s6 =	sadd.s32 s5, s6;
	s17 =	sshrl.u32 s17, $0x3  }
0x8c: {  	[tilespmem:s30], [sflag:$0x9] =	stream.linear.gather [hbm4b:s6+s3], $0x80, $0x38;
	[tilespmem:$0x1EA00] =	vst v63  }
0x8d: {  	s6 =	sshrl.u32 s15, $0x3;
	_ =	swait.ge [sflag:s13], $0x2000  }
0x8e: {  	s15 =	sadd.s32 $0xFFFFFF80, s9;
	[sflag:s13] =	ssyncset.done $0x0  }
0x8f: {  	s16 =	sadd.s32 s5, s16;
	s23 =	simm.s32 $0x18A00;
	[sflag:s13] =	ssyncadd.s32 $0xFFFFE000  }
0x90: {  	[tilespmem:s1], [sflag:$0x2] =	stream.indirect.gather [hbm4b:s4+s21], $0x80, s15, s21, $0xb8;
	[tilespmem:$0x1EA00] =	vst v63  }
0x91: {  	s1 =	simm.s32 $0x16880  }
0x92: {  	[tilespmem:s0], [sflag:$0xA] =	stream.linear.gather [hbm4b:s16+s3], $0x80, $0x38;
	[tilespmem:$0x1EA00] =	vst v63  }
0x93: {  	_ =	swait.ge [sflag:s14], $0x2000  }
0x94: {  	s15 =	sadd.s32 $0xFFFFFFC0, s9;
	[sflag:s14] =	ssyncset.done $0x0  }
0x95: {  	s16 =	sadd.s32 s5, s17;
	s0 =	simm.s32 $0x1AA00;
	[sflag:s14] =	ssyncadd.s32 $0xFFFFE000  }
0x96: {  	[tilespmem:s18], [sflag:$0x3] =	stream.indirect.gather [hbm4b:s4+s21], $0x80, s15, s21, $0xb8;
	[tilespmem:$0x1EA00] =	vst v63  }
0x97: {  	_ = 	snop  }
0x98: {  	[tilespmem:s19], [sflag:$0xB] =	stream.linear.gather [hbm4b:s16+s3], $0x80, $0x38;
	[tilespmem:$0x1EA00] =	vst v63  }
.Ltmp0:
0x99: {  	s15 =	simm.s32 $0x16900;
	(pc) =	sbr.rel @p0 .LBB2_2-.Ltmp0, $4  }
0x9a: {  	_ =	swait.ge [sflag:s20], $0x2000  }
0x9b: {  	[sflag:s20] =	ssyncset.done $0x0  }
0x9c: {  	s16 =	sadd.s32 s5, s6;
	s6 =	simm.s32 $0x1CA00;
	[sflag:s20] =	ssyncadd.s32 $0xFFFFE000  }
0x9d: {  	[tilespmem:s24], [sflag:$0x4] =	stream.indirect.gather [hbm4b:s4+s21], $0x80, s9, s21, $0xb8;
	[tilespmem:$0x1EA00] =	vst v63  }
0x9e: {  	s8 =	simm.s32 $0x16980;
	s9 =	simm.s32 $0x1  }
0x9f: {  	[tilespmem:s8], [sflag:$0xC] =	stream.linear.gather [hbm4b:s16+s3], $0x80, $0x38;
	[tilespmem:$0x1EA00] =	vst v63  }
0xa0: {  	_ =	swait.ge [sflag:s9], $0x2000  }
0xa1: {  	[sflag:s9] =	ssyncset.done $0x0  }
0xa2: {  	s17 =	simm.s32 $0x9;
	[sflag:s9] =	ssyncadd.s32 $0xFFFFE000  }
0xa3: {  	_ =	swait.ge [sflag:s17], $0x80  }
0xa4: {  	[sflag:s17] =	ssyncset.done $0x0  }
0xa5: {  	s18 =	simm.s32 $0x2;
	[sflag:s17] =	ssyncadd.s32 $0xFFFFFF80  }
0xa6: {  	[spmem:s2] =	stream.indirect.scatter.add.f32 [tilespmem:s26], [sflag:$0x5], $0x80, s22, s21, $0xb8;
	[tilespmem:$0x1EA00] =	vst v63  }
0xa7: {  	_ =	swait.ge [sflag:s18], $0x2000  }
0xa8: {  	[sflag:s18] =	ssyncset.done $0x0  }
0xa9: {  	[sflag:s18] =	ssyncadd.s32 $0xFFFFE000  }
0xaa: {  	_ =	swait.ge [sflag:s28], $0x80  }
0xab: {  	[sflag:s28] =	ssyncset.done $0x0  }
0xac: {  	[sflag:s28] =	ssyncadd.s32 $0xFFFFFF80  }
0xad: {  	[spmem:s2] =	stream.indirect.scatter.add.f32 [tilespmem:s23], [sflag:$0x6], $0x80, s1, s21, $0xb8;
	[tilespmem:$0x1EA00] =	vst v63  }
0xae: {  	_ =	swait.ge [sflag:s31], $0x2000  }
0xaf: {  	[sflag:s31] =	ssyncset.done $0x0  }
0xb0: {  	[sflag:s31] =	ssyncadd.s32 $0xFFFFE000  }
0xb1: {  	_ =	swait.ge [sflag:s7], $0x80  }
0xb2: {  	[sflag:s7] =	ssyncset.done $0x0  }
0xb3: {  	[sflag:s7] =	ssyncadd.s32 $0xFFFFFF80  }
0xb4: {  	[spmem:s2] =	stream.indirect.scatter.add.f32 [tilespmem:s0], [sflag:$0x7], $0x80, s15, s21, $0xb8;
	[tilespmem:$0x1EA00] =	vst v63  }
0xb5: {  	_ =	swait.ge [sflag:s10], $0x2000  }
0xb6: {  	[sflag:s10] =	ssyncset.done $0x0  }
0xb7: {  	[sflag:s10] =	ssyncadd.s32 $0xFFFFE000  }
0xb8: {  	_ =	swait.ge [sflag:s11], $0x80  }
0xb9: {  	[sflag:s11] =	ssyncset.done $0x0  }
0xba: {  	[sflag:s11] =	ssyncadd.s32 $0xFFFFFF80  }
0xbb: {  	[spmem:s2] =	stream.indirect.scatter.add.f32 [tilespmem:s6], [sflag:$0x8], $0x80, s8, s21, $0xb8;
	[tilespmem:$0x1EA00] =	vst v63  }
0xbc: {  	_ =	swait.ge [sflag:s12], $0x2000  }
0xbd: {  	[sflag:s12] =	ssyncset.done $0x0  }
0xbe: {  	[sflag:s12] =	ssyncadd.s32 $0xFFFFE000  }
0xbf: {  	_ =	swait.ge [sflag:s13], $0x2000  }
0xc0: {  	[sflag:s13] =	ssyncset.done $0x0  }
0xc1: {  	[sflag:s13] =	ssyncadd.s32 $0xFFFFE000  }
0xc2: {  	_ =	swait.ge [sflag:s14], $0x2000  }
0xc3: {  	[sflag:s14] =	ssyncset.done $0x0  }
0xc4: {  	[sflag:s14] =	ssyncadd.s32 $0xFFFFE000  }
0xc5: {  	_ =	swait.ge [sflag:s20], $0x2000  }
0xc6: {  	[sflag:s20] =	ssyncset.done $0x0  }
0xc7: {  	[sflag:s20] =	ssyncadd.s32 $0xFFFFE000  }
0xc8: {  	[bflag:$0x0] =	sbarrier.arrive $0xFFFF  }
0xc9: {  	s9 =	rddreg [dreg:$0x4]  }
0xca: {  	s19 =	rddreg [dreg:$0xa]  }
0xcb: {  	s15 =	simm.s32 $0xD;
	s8 =	rddreg [dreg:$0xc]  }
0xcc: {  	[hbm:s19], [sflag:s9] =	dma.local [spmem:s8], $0x2800  }
0xcd: {  	_ =	swait.ge [sflag:s15], $0x2800  }
0xce: {  	s22 =	rddreg [dreg:$0xd]  }
0xcf: {  	s23 =	rddreg [dreg:$0xb];
	s0 =	sadd.s32 $0x1, s22  }
0xd0: {  	p0 =	sne.s32 s0, s23  }
.Ltmp1:
0xd1: {  	_ = 	snop;
	(pc) =	sbr.rel @p0 .LBB2_1-.Ltmp1, $3  }
0xd2: {  	_ =	sdelay $0x1  }
0xd3: {  	[sflag:s15] =	ssyncset.done $0x0  }
0xd4: {  	[sflag:s15] =	ssyncadd.s32 $0xFFFFD800  }
0xd5: {  	_ =	sfence.sel $0x180000  }
0xd6: {  	[bflag:$0x0] =	sbarrier.arrive $0xFFFF  }
0xd7: {  	_ =	strace $0x9000004D  }
0xd8: {  	s0 =	stileid.u32;
	[bflag:$0x2] =	sbarrier.arrive $0xFFFF  }
0xd9: {  	p0 =	sne.s32 s0, $0x0;
	s0 =	rddreg [dreg:$0x2]  }
0xda: {  	s0 =	sadd.s32 @!p0 $0x100000, s0  }
0xdb: {  	[sflag:s0] =	ssyncadd.tile.s32 @!p0 $0x1;
	_ =	shalt  }
.Lfunc_end2:
_tile_overlayer_lowered:
.L_overlay_start_2:
0xdc: {  	(tag) =	ssettag $0x2  }
0xdd: {  	s0 =	rddreg [dreg:$0x0];
	s2 =	stileid.u32  }
0xde: {  	s1 =	rddreg [dreg:$0x1];
	p0 =	sne.s32 s2, $0x0  }
0xdf: {  	s3 =	rddreg [dreg:$0x2];
	[bflag:$0x3] =	sbarrier.arrive $0xFFFF;
	s2 =	simm.s32 @!p0 $0x1C0D  }
0xe0: {  	[timem:s3], [sflag:s2] =	dma.local @!p0 [hbm:s0], s1  }
0xe1: {  	s0 =	simm.s32 @!p0 $0xD  }
0xe2: {  	_ =	swait.ge @!p0 [sflag:s0], s1  }
0xe3: {  	s1 =	ssub.s32 @!p0 $0x0, s1;
	[sflag:s0] =	ssyncset.done @!p0 $0x0  }
0xe4: {  	[sflag:s0] =	ssyncadd.s32 @!p0 s1  }
0xe5: {  	[bflag:$0x3] =	sbarrier.arrive $0xFFFF  }
0xe6: {  	_ =	shalt  }

// kernel: kernel.9.cloned.1.call-start
scs
__scs_entry_jumppad:
0x0: {  	(pc) =	sbr.rel $0x88, $3  }
0x1: {  	(tag) =	ssettag $0x0;
	lr =	simm.s32 $0x1  }
0x2: {  	[smem:$0x3F93] =	sst lr;
	_ =	strace $0xD0000000  }
0x3: {  	_ = 	snop  }
0x4: {  	_ = 	snop  }
0x5: {  	_ = 	snop  }
0x6: {  	_ = 	snop  }
0x7: {  	_ = 	snop  }
__scs_overlays_trampoline_lowered:
0x8: {  	[smem:$0x3FA2] =	sst s0  }
0x9: {  	[smem:$0x3FA3] =	sst s1  }
0xa: {  	[smem:$0x3FA4] =	sst s2  }
0xb: {  	[smem:$0x3FA5] =	sst s3  }
0xc: {  	[smem:$0x3FA6] =	sst s4  }
0xd: {  	[smem:$0x3FA7] =	sst s5  }
0xe: {  	[smem:$0x3FA8] =	sst s6  }
0xf: {  	[smem:$0x3FA9] =	sst s7  }
0x10: {  	[smem:$0x3FAA] =	sst s8  }
0x11: {  	[smem:$0x3FAB] =	sst s9;
	s0 =	simm.s32 @!p0 $0x0  }
0x12: {  	s1 =	sld [smem:$0x3F91];
	s0 =	simm.s32 @p0 $0x1  }
0x13: {  	[smem:$0x3FAC] =	sst s0;
	s0 =	simm.s32 @!p1 $0x0  }
0x14: {  	s2 =	sld [smem:$0x3F90];
	s0 =	simm.s32 @p1 $0x1  }
0x15: {  	[smem:$0x3FAD] =	sst s0;
	s0 =	simm.s32 @!p2 $0x0  }
0x16: {  	s3 =	sld [smem:$0x3FDB];
	s0 =	simm.s32 @p2 $0x1  }
0x17: {  	s4 =	simm.s32 $0x1BF5;
	[smem:$0x3FAF] =	sst s0  }
0x18: {  	s0 =	sld [smem:$0x3F92];
	_ =	swait.ge [sflag:s4], $0x0  }
0x19: {  	s7 =	sld [smem:$0x3F93]  }
0x1a: {  	s8 =	sadd.s32 $0xFFFFE003, lr  }
0x1b: {  	s9 =	sadd.s32 $0xFFFFFEF7, lr;
	s5 =	simm.s32 $0xFFFFFFFF;
	p2 =	slt.u32 s8, $0xFFFFF086  }
0x1c: {  	p1 =	slt.u32 s9, $0xF7A;
	s5 =	simm.s32 @!p2 $0x0  }
0x1d: {  	s5 =	simm.s32 @p1 $0x1;
	p0 =	seq.s32 s7, s2  }
0x1e: {  	s7 =	smul.u32 @!p0 $0xF7A, s2;
	p2 =	seq.s32 @!p0 s5, $0x0  }
0x1f: {  	s9 =	smul.u32 $0xF7A, s1;
	s8 =	simm.s32 @!p0 $0x1BF5;
	p2 =	por !p2, p0  }
0x20: {  	[sflag:s8] =	ssyncset.s32 @!p0 $0xFFFFF086;
	s6 =	sadd.s32 @!p0 s3, s7;
	s7 =	simm.s32 @!p0 $0x108  }
0x21: {  	s3 =	sadd.s32 s3, s9;
	s6 =	sadd.s32 @!p0 $0x88, s6;
	s7 =	simm.s32 @p2 $0x1082  }
0x22: {  	[simem:s7], [sflag:s8] =	dma.local @!p0 [hbm:s6], $0xF7A  }
0x23: {  	s9 =	sor.u32 $0xD0000000, s2;
	s6 =	simm.s32 $0x108;
	_ =	swait.ge @!p0 [sflag:s8], $0x0  }
0x24: {  	s3 =	sadd.s32 $0x88, s3;
	s6 =	simm.s32 @!p1 $0x1082;
	[sflag:s4] =	ssyncset.s32 $0xFFFFF086  }
0x25: {  	[simem:s6], [sflag:s4] =	dma.local [hbm:s3], $0xF7A  }
0x26: {  	[smem:$0x3F93] =	sst s1;
	(tag) =	ssettag s2;
	_ =	strace s9  }
0x27: {  	s1 =	sld [smem:$0x3FA3]  }
0x28: {  	s2 =	sld [smem:$0x3FA4]  }
0x29: {  	s4 =	sld [smem:$0x3FA6]  }
0x2a: {  	p0 =	seq.s32 s5, $0x0;
	s5 =	sld [smem:$0x3FA7]  }
0x2b: {  	s6 =	sld [smem:$0x3FA8]  }
0x2c: {  	s7 =	sld [smem:$0x3FA9]  }
0x2d: {  	s3 =	simm.s32 $0x108;
	s8 =	sld [smem:$0x3FAA]  }
0x2e: {  	s3 =	simm.s32 @!p0 $0x1082;
	s9 =	sld [smem:$0x3FAB]  }
0x2f: {  	lr =	sadd.s32 s0, s3;
	s0 =	sld [smem:$0x3FA2]  }
0x30: {  	s3 =	sld [smem:$0x3FA5]  }
0x31: {  	[smem:$0x3FAE] =	sst s10  }
0x32: {  	s10 =	sld [smem:$0x3FAC];
	_ =	sdelay $0x3  }
0x33: {  	p0 =	seq.s32 s10, $0x1;
	s10 =	sld [smem:$0x3FAE];
	_ =	sdelay $0x3  }
0x34: {  	[smem:$0x3FAE] =	sst s10  }
0x35: {  	s10 =	sld [smem:$0x3FAD];
	_ =	sdelay $0x3  }
0x36: {  	p1 =	seq.s32 s10, $0x1;
	s10 =	sld [smem:$0x3FAE];
	_ =	sdelay $0x3  }
0x37: {  	[smem:$0x3FAE] =	sst s10  }
0x38: {  	s10 =	sld [smem:$0x3FAF]  }
0x39: {  	_ = 	snop;
	(pc) =	sbr.ind lr, $3  }
0x3a: {  	_ = 	snop  }
0x3b: {  	_ = 	snop  }
0x3c: {  	p2 =	seq.s32 s10, $0x1;
	s10 =	sld [smem:$0x3FAE]  }
0x3d: {  	_ =	shalt  }
0x3e: {  	_ =	shalt  }
0x3f: {  	_ =	shalt  }
0x40: {  	_ =	shalt  }
0x41: {  	_ =	shalt  }
0x42: {  	_ =	shalt  }
0x43: {  	_ =	shalt  }
0x44: {  	_ =	shalt  }
0x45: {  	_ =	shalt  }
0x46: {  	_ =	shalt  }
0x47: {  	_ =	shalt  }
0x48: {  	_ =	shalt  }
0x49: {  	_ =	shalt  }
0x4a: {  	_ =	shalt  }
0x4b: {  	_ =	shalt  }
0x4c: {  	_ =	shalt  }
0x4d: {  	_ =	shalt  }
0x4e: {  	_ =	shalt  }
0x4f: {  	_ =	shalt  }
0x50: {  	_ =	shalt  }
0x51: {  	_ =	shalt  }
0x52: {  	_ =	shalt  }
0x53: {  	_ =	shalt  }
0x54: {  	_ =	shalt  }
0x55: {  	_ =	shalt  }
0x56: {  	_ =	shalt  }
0x57: {  	_ =	shalt  }
0x58: {  	_ =	shalt  }
0x59: {  	_ =	shalt  }
0x5a: {  	_ =	shalt  }
0x5b: {  	_ =	shalt  }
0x5c: {  	_ =	shalt  }
0x5d: {  	_ =	shalt  }
0x5e: {  	_ =	shalt  }
0x5f: {  	_ =	shalt  }
0x60: {  	_ =	shalt  }
0x61: {  	_ =	shalt  }
0x62: {  	_ =	shalt  }
0x63: {  	_ =	shalt  }
0x64: {  	_ =	shalt  }
0x65: {  	_ =	shalt  }
0x66: {  	_ =	shalt  }
0x67: {  	_ =	shalt  }
0x68: {  	_ =	shalt  }
0x69: {  	_ =	shalt  }
0x6a: {  	_ =	shalt  }
0x6b: {  	_ =	shalt  }
0x6c: {  	_ =	shalt  }
0x6d: {  	_ =	shalt  }
0x6e: {  	_ =	shalt  }
0x6f: {  	_ =	shalt  }
0x70: {  	_ =	shalt  }
0x71: {  	_ =	shalt  }
0x72: {  	_ =	shalt  }
0x73: {  	_ =	shalt  }
0x74: {  	_ =	shalt  }
0x75: {  	_ =	shalt  }
0x76: {  	_ =	shalt  }
0x77: {  	_ =	shalt  }
0x78: {  	_ =	shalt  }
0x79: {  	_ =	shalt  }
0x7a: {  	_ =	shalt  }
0x7b: {  	_ =	shalt  }
0x7c: {  	_ =	shalt  }
0x7d: {  	_ =	shalt  }
0x7e: {  	_ =	shalt  }
0x7f: {  	_ =	shalt  }
0x80: {  	_ =	shalt  }
0x81: {  	_ =	shalt  }
0x82: {  	_ =	shalt  }
0x83: {  	_ =	shalt  }
0x84: {  	_ =	shalt  }
0x85: {  	_ =	shalt  }
0x86: {  	_ =	shalt  }
0x87: {  	_ =	shalt  }
.Lfunc_end0:
.L_simem_size_0:
called_computation_lowered:
.L_overlay_start_0:
0x88: {  	s2 =	sld [smem:$0x3FD9]  }
0x89: {  	s3 =	sld [smem:$0x3FFE];
	_ =	sdelay $0x1  }
0x8a: {  	s1 =	srdreg.scid  }
0x8b: {  	s0 =	sand.u32 $0x1, s1  }
0x8c: {  	s17 =	sshll.u32 s0, $0xA;
	s2 =	sadd.s32 s3, s2  }
0x8d: {  	s2 =	sadd.s32 s2, s17  }
0x8e: {  	[smem:$0x3FBA] =	sst s2  }
0x8f: {  	_ = 	snop  }
0x90: {  	s2 =	sld [smem:$0x3FC9];
	(tm) =	ssettm $0x1  }
0x91: {  	s18 =	sld [smem:$0x3FFB];
	_ =	sdelay $0x3  }
0x92: {  	_ =	strace s18  }
0x93: {  	s3 =	sld [smem:$0x3FFC];
	_ =	sdelay $0x3  }
0x94: {  	_ =	strace s3  }
0x95: {  	s3 =	sld [smem:$0x3FFD];
	_ =	sdelay $0x3  }
0x96: {  	_ =	strace s3  }
0x97: {  	_ =	strace $0x8FFFFFFF  }
0x98: {  	s19 =	sld [smem:$0x3FDB];
	_ =	sdelay $0x1  }
0x99: {  	s4 =	simm.s32 $_scs_section_size  }
0x9a: {  	s5 =	simm.s32 $_size__tile_overlayer_lowered;
	s6 =	simm.s32 $_tile_overlayer_lowered  }
0x9b: {  	s22 =	simm.s32 $0x1BFF;
	s21 =	sshll.u32 s6, $0x1;
	s3 =	sadd.s32 s4, s19  }
0x9c: {  	s7 =	simm.s32 $0x0;
	s20 =	sshll.u32 s5, $0x1;
	s5 =	sadd.s32 s21, s3  }
0x9d: {  	[timem:s7], [sflag:s22] =	dma.local [hbm:s5], s20  }
0x9e: {  	_ =	swait.ge [sflag:s22], s20  }
0x9f: {  	s4 =	ssub.s32 $0x0, s20;
	[sflag:s22] =	ssyncset.done $0x0  }
0xa0: {  	[sflag:s22] =	ssyncadd.s32 s4;
	_ =	sdelay $0x1  }
0xa1: {  	s23 =	simm.s32 $0x1B8B  }
0xa2: {  	_ =	swait.ge [sflag:s23], $0x1  }
0xa3: {  	[sflag:s23] =	ssyncset.done $0x0  }
0xa4: {  	s25 =	simm.s32 $0x1B8E;
	s24 =	sld [smem:$0x3FFE];
	[sflag:s23] =	ssyncadd.s32 $0xFFFFFFFF  }
0xa5: {  	s26 =	simm.s32 $execute0_lowered;
	[smem:$0x3FD2] =	sst s25  }
0xa6: {  	s5 =	sshll.u32 s26, $0x1;
	_ =	strace $0x80000046;
	[dreg:$0x1] =	wrdreg $0xFFFFFFFF  }
0xa7: {  	s28 =	simm.s32 $_size_execute0_lowered;
	s3 =	sadd.s32 s3, s5;
	[dreg:$0x0] =	wrdreg $0x0  }
0xa8: {  	s5 =	sshll.u32 s28, $0x1;
	[dreg:$0x2] =	wrdreg s3  }
0xa9: {  	[dreg:$0x3] =	wrdreg s5  }
0xaa: {  	[dreg:$0x4] =	wrdreg $0xC0  }
0xab: {  	_ =	task [dreg:s7], $0x5FFFF  }
0xac: {  	[dreg:$0x1] =	wrdreg $0xFFFFFFFF  }
0xad: {  	[dreg:$0x0] =	wrdreg $0x60  }
0xae: {  	[dreg:$0x2] =	wrdreg s2  }
0xaf: {  	[dreg:$0x3] =	wrdreg s24  }
0xb0: {  	[dreg:$0x4] =	wrdreg $0x0  }
0xb1: {  	[dreg:$0x5] =	wrdreg $0x9  }
0xb2: {  	_ =	task.clear_ibuf [dreg:s7], $0x6FFFF;
	_ =	strace $0x90000046  }
0xb3: {  	s29 =	simm.s32 $0x9;
	_ =	strace $0x80000048  }
0xb4: {  	_ =	swait.ge [sflag:s29], $0x1  }
0xb5: {  	[sflag:s29] =	ssyncadd.s32 $0xFFFFFFFF  }
0xb6: {  	_ =	strace $0x90000048  }
0xb7: {  	_ =	sfence  }
0xb8: {  	s30 =	sld [smem:$0x0];
	_ =	sdelay $0x2  }
0xb9: {  	s31 =	sshll.u32 s1, $0xD;
	s1 =	sshrl.u32 s1, $0x2  }
0xba: {  	s3 =	sand.u32 $0x4000, s31;
	s1 =	sadd.s32 s1, s30  }
0xbb: {  	s0 =	sor.u32 s3, s0;
	s1 =	sshll.u32 s1, $0x11  }
0xbc: {  	s0 =	sor.u32 s1, s0  }
0xbd: {  	s0 =	sadd.s32 $0x8F2B, s0  }
0xbe: {  	[sflag:s0] =	ssyncadd.remote.s32 $0x1  }
0xbf: {  	_ =	sfence.sel $0xFFFF  }
0xc0: {  	[dreg:$0x0] =	wrdreg $0xFFFFFFFF;
	(pc) =	sbr.abs _section_cstart, $3  }
0xc1: {  	[dreg:$0x1] =	wrdreg $0xFFFFFFFF  }
0xc2: {  	_ =	task.clear_ibuf [dreg:s7], $0x2FFFF;
	_ =	strace $0x9FFFFFFF  }
0xc3: {  	(tm) =	ssettm $0x7FFFFFFF  }
tec
execute0_lowered:
.L_overlay_start_1:
0x0: {  	(tag) =	ssettag $0x1  }
0x1: {  	s1 =	rddreg [dreg:$0x0]  }
0x2: {  	s0 =	rddreg [dreg:$0x1];
	s2 =	srdreg.scid  }
0x3: {  	s12 =	stileid.u32;
	s3 =	rddreg [dreg:$0x2]  }
0x4: {  	s28 =	simm.s32 $0xA;
	s31 =	simm.s32 $0x3;
	s13 =	simm.s32 $0x6  }
0x5: {  	s14 =	simm.s32 $0x7;
	s29 =	simm.s32 $0x16A00;
	s30 =	simm.s32 $0x16800  }
0x6: {  	s2 =	sand.u32 $0x1, s2;
	s4 =	sshll.u32 s12, $0x1;
	s8 =	smul.u32 $0x14000, s12  }
0x7: {  	s5 =	sshrl.u32 s12, $0x2;
	s16 =	smul.u32 $0x50000, s12;
	s18 =	sshll.u32 s12, $0x6  }
0x8: {  	s12 =	simm.s32 $0x5;
	s6 =	sor.u32 s2, s4;
	s5 =	smul.u32 $0x14000, s5  }
0x9: {  	s4 =	simm.s32 $0x0;
	s9 =	smul.u32 $0x140000, s2;
	s2 =	ssub.s32 $0x2, s2  }
0xa: {  	s7 =	sshll.u32 s6, $0x7;
	[smem:$0x7FF] =	sst s4;
	s15 =	sshrl.u32 s8, $0x3  }
0xb: {  	s11 =	sshrl.u32 s2, $0x1;
	s25 =	smul.u32 $0x5000, s6;
	s17 =	sshrl.u32 s16, $0x2  }
0xc: {  	s7 =	sand.u32 $0x380, s7;
	_ =	strace $0x80000047;
	s8 =	sadd.s32 s8, s9  }
0xd: {  	s2 =	ssub.s32 s2, s11;
	s9 =	sor.u32 $0x1C0D, s18;
	s11 =	simm.s32 $0xC  }
0xe: {  	s5 =	sor.u32 s5, s7;
	s7 =	sadd.s32 s15, s0;
	s8 =	sshrl.u32 s8, $0x3  }
0xf: {  	s19 =	sshrl.u32 s25, $0x3;
	s26 =	smax.u32 s2, $0x1;
	s15 =	simm.s32 $0xD  }
0x10: {  	[dreg:$0x5] =	wrdreg s9;
	s5 =	sshrl.u32 s5, $0x3;
	s20 =	sadd.s32 $0x21200, s7  }
0x11: {  	[dreg:$0xc] =	wrdreg s26;
	s7 =	simm.s32 $0xB;
	s10 =	sadd.s32 s5, s0  }
0x12: {  	s5 =	sadd.s32 $0x3200, s0;
	[dreg:$0x4] =	wrdreg s20;
	s22 =	sadd.s32 $0x17200, s10  }
0x13: {  	s0 =	sadd.s32 s8, s0;
	s21 =	sadd.s32 s5, s19;
	[dreg:$0x7] =	wrdreg s22  }
0x14: {  	s8 =	sadd.s32 s17, s3;
	s0 =	sadd.s32 $0x49200, s0;
	[dreg:$0x6] =	wrdreg s21  }
0x15: {  	s26 =	simm.s32 $0x16A00;
	s8 =	sshrl.u32 s8, $0x3;
	[dreg:$0xb] =	wrdreg s0  }
0x16: {  	s20 =	simm.s32 $0x8;
	s23 =	sadd.s32 $0x10, s21;
	[dreg:$0xd] =	wrdreg s8  }
0x17: {  	s10 =	simm.s32 $0x4;
	s24 =	sadd.s32 $0x20, s21;
	[dreg:$0x8] =	wrdreg s23  }
0x18: {  	s6 =	sadd.s32 $0x30, s21;
	s21 =	simm.s32 $0x40;
	[dreg:$0x9] =	wrdreg s24  }
0x19: {  	s0 =	simm.s32 $0x0;
	[dreg:$0xa] =	wrdreg s6;
	s24 =	simm.s32 $0x1CA00  }
.LBB2_1:
0x1a: {  	[dreg:$0xe] =	wrdreg s0  }
0x1b: {  	s6 =	rddreg [dreg:$0x4]  }
0x1c: {  	[spmem:s8], [sflag:s9] =	dma.local [hbm:s6], $0x2800  }
0x1d: {  	_ =	swait.ge [sflag:s15], $0x2800  }
0x1e: {  	s0 =	simm.s32 $0x80;
	s2 =	simm.s32 $0x400;
	[sflag:s15] =	ssyncset.done $0x0  }
0x1f: {  	s16 =	simm.s32 $0x14000;
	s23 =	rddreg [dreg:$0x7];
	[sflag:s15] =	ssyncadd.s32 $0xFFFFD800  }
0x20: {  	[tilespmem:s16], [sflag:$0xD] =	stream.strided.gather [hbm4b:s23+s0], $0x2800, s2, s0, $0x38;
	[tilespmem:$0x1EA00] =	vst v63  }
0x21: {  	_ =	swait.ge [sflag:s15], $0x2800  }
0x22: {  	[sflag:s15] =	ssyncset.done $0x0  }
0x23: {  	[sflag:s15] =	ssyncadd.s32 $0xFFFFD800  }
0x24: {  	s15 =	simm.s32 $0x16A00;
	[bflag:$0x0] =	sbarrier.arrive $0xFFFF  }
0x25: {  	[tilespmem:s15], [sflag:$0x1] =	stream.indirect.gather [hbm4b:s1+s21], $0x80, s16, s21, $0xb8;
	[tilespmem:$0x1EA00] =	vst v63  }
0x26: {  	s17 =	simm.s32 $0x16800;
	s9 =	rddreg [dreg:$0x6]  }
0x27: {  	[tilespmem:s17], [sflag:$0x9] =	stream.linear.gather [hbm4b:s9+s4], $0x80, $0x38;
	[tilespmem:$0x1EA00] =	vst v63  }
0x28: {  	s2 =	simm.s32 $0x18A00;
	s16 =	simm.s32 $0x14040  }
0x29: {  	[tilespmem:s2], [sflag:$0x2] =	stream.indirect.gather [hbm4b:s1+s21], $0x80, s16, s21, $0xb8;
	[tilespmem:$0x1EA00] =	vst v63  }
0x2a: {  	s0 =	simm.s32 $0x16880;
	s18 =	rddreg [dreg:$0x8]  }
0x2b: {  	[tilespmem:s0], [sflag:$0xA] =	stream.linear.gather [hbm4b:s18+s4], $0x80, $0x38;
	[tilespmem:$0x1EA00] =	vst v63  }
0x2c: {  	s19 =	simm.s32 $0x14080;
	s18 =	simm.s32 $0x1AA00  }
0x2d: {  	[tilespmem:s18], [sflag:$0x3] =	stream.indirect.gather [hbm4b:s1+s21], $0x80, s19, s21, $0xb8;
	[tilespmem:$0x1EA00] =	vst v63  }
0x2e: {  	s22 =	rddreg [dreg:$0x9];
	s19 =	simm.s32 $0x16900  }
0x2f: {  	[tilespmem:s19], [sflag:$0xB] =	stream.linear.gather [hbm4b:s22+s4], $0x80, $0x38;
	[tilespmem:$0x1EA00] =	vst v63  }
0x30: {  	s23 =	simm.s32 $0x140C0;
	s22 =	simm.s32 $0x1CA00  }
0x31: {  	[tilespmem:s22], [sflag:$0x4] =	stream.indirect.gather [hbm4b:s1+s21], $0x80, s23, s21, $0xb8;
	[tilespmem:$0x1EA00] =	vst v63  }
0x32: {  	s8 =	rddreg [dreg:$0xa];
	s9 =	simm.s32 $0x16980;
	s16 =	simm.s32 $0x1  }
0x33: {  	[tilespmem:s9], [sflag:$0xC] =	stream.linear.gather [hbm4b:s8+s4], $0x80, $0x38;
	[tilespmem:$0x1EA00] =	vst v63  }
0x34: {  	_ =	swait.ge [sflag:s16], $0x2000  }
0x35: {  	[sflag:s16] =	ssyncset.done $0x0  }
0x36: {  	s23 =	simm.s32 $0x9;
	[sflag:s16] =	ssyncadd.s32 $0xFFFFE000  }
0x37: {  	_ =	swait.ge [sflag:s23], $0x80  }
0x38: {  	[sflag:s23] =	ssyncset.done $0x0  }
0x39: {  	s8 =	simm.s32 $0x2;
	[sflag:s23] =	ssyncadd.s32 $0xFFFFFF80  }
0x3a: {  	[spmem:s3] =	stream.indirect.scatter.add.f32 [tilespmem:s15], [sflag:$0x5], $0x80, s17, s21, $0xb8;
	[tilespmem:$0x1EA00] =	vst v63  }
0x3b: {  	_ =	swait.ge [sflag:s8], $0x2000  }
0x3c: {  	[sflag:s8] =	ssyncset.done $0x0  }
0x3d: {  	[sflag:s8] =	ssyncadd.s32 $0xFFFFE000  }
0x3e: {  	_ =	swait.ge [sflag:s28], $0x80  }
0x3f: {  	[sflag:s28] =	ssyncset.done $0x0  }
0x40: {  	[sflag:s28] =	ssyncadd.s32 $0xFFFFFF80  }
0x41: {  	[spmem:s3] =	stream.indirect.scatter.add.f32 [tilespmem:s2], [sflag:$0x6], $0x80, s0, s21, $0xb8;
	[tilespmem:$0x1EA00] =	vst v63  }
0x42: {  	_ =	swait.ge [sflag:s31], $0x2000  }
0x43: {  	[sflag:s31] =	ssyncset.done $0x0  }
0x44: {  	[sflag:s31] =	ssyncadd.s32 $0xFFFFE000  }
0x45: {  	_ =	swait.ge [sflag:s7], $0x80  }
0x46: {  	[sflag:s7] =	ssyncset.done $0x0  }
0x47: {  	[sflag:s7] =	ssyncadd.s32 $0xFFFFFF80  }
0x48: {  	[spmem:s3] =	stream.indirect.scatter.add.f32 [tilespmem:s18], [sflag:$0x7], $0x80, s19, s21, $0xb8;
	[tilespmem:$0x1EA00] =	vst v63  }
0x49: {  	_ =	swait.ge [sflag:s10], $0x2000  }
0x4a: {  	[sflag:s10] =	ssyncset.done $0x0  }
0x4b: {  	[sflag:s10] =	ssyncadd.s32 $0xFFFFE000  }
0x4c: {  	_ =	swait.ge [sflag:s11], $0x80  }
0x4d: {  	s16 =	simm.s32 $0x200;
	[sflag:s11] =	ssyncset.done $0x0  }
0x4e: {  	s23 =	sand.u32 $0xFC00, s16;
	[sflag:s11] =	ssyncadd.s32 $0xFFFFFF80  }
0x4f: {  	[spmem:s3] =	stream.indirect.scatter.add.f32 [tilespmem:s22], [sflag:$0x8], $0x80, s9, s21, $0xb8;
	[tilespmem:$0x1EA00] =	vst v63  }
0x50: {  	s8 =	sand.u32 $0x200, s16;
	s16 =	sadd.s32 s25, s23;
	_ =	swait.ge [sflag:s12], $0x2000  }
0x51: {  	s8 =	sor.u32 s8, s16;
	[sflag:s12] =	ssyncset.done $0x0  }
0x52: {  	s6 =	simm.s32 $0x14100;
	s8 =	sshrl.u32 s8, $0x3;
	[sflag:s12] =	ssyncadd.s32 $0xFFFFE000  }
0x53: {  	[tilespmem:s15], [sflag:$0x1] =	stream.indirect.gather [hbm4b:s1+s21], $0x80, s6, s21, $0xb8;
	[tilespmem:$0x1EA00] =	vst v63  }
0x54: {  	s8 =	sadd.s32 s5, s8;
	s15 =	simm.s32 $0x280  }
0x55: {  	[tilespmem:s17], [sflag:$0x9] =	stream.linear.gather [hbm4b:s8+s4], $0x80, $0x38;
	[tilespmem:$0x1EA00] =	vst v63  }
0x56: {  	s17 =	sand.u32 $0x280, s15;
	_ =	swait.ge [sflag:s13], $0x2000  }
0x57: {  	s8 =	sor.u32 s16, s17;
	[sflag:s13] =	ssyncset.done $0x0  }
0x58: {  	s23 =	simm.s32 $0x14140;
	s8 =	sshrl.u32 s8, $0x3;
	[sflag:s13] =	ssyncadd.s32 $0xFFFFE000  }
0x59: {  	[tilespmem:s2], [sflag:$0x2] =	stream.indirect.gather [hbm4b:s1+s21], $0x80, s23, s21, $0xb8;
	[tilespmem:$0x1EA00] =	vst v63  }
0x5a: {  	s6 =	simm.s32 $0x300;
	s8 =	sadd.s32 s5, s8  }
0x5b: {  	[tilespmem:s0], [sflag:$0xA] =	stream.linear.gather [hbm4b:s8+s4], $0x80, $0x38;
	[tilespmem:$0x1EA00] =	vst v63  }
0x5c: {  	s15 =	sand.u32 $0x300, s6;
	_ =	swait.ge [sflag:s14], $0x2000  }
0x5d: {  	s8 =	sor.u32 s16, s15;
	[sflag:s14] =	ssyncset.done $0x0  }
0x5e: {  	s17 =	simm.s32 $0x14180;
	s8 =	sshrl.u32 s8, $0x3;
	[sflag:s14] =	ssyncadd.s32 $0xFFFFE000  }
0x5f: {  	[tilespmem:s18], [sflag:$0x3] =	stream.indirect.gather [hbm4b:s1+s21], $0x80, s17, s21, $0xb8;
	[tilespmem:$0x1EA00] =	vst v63  }
0x60: {  	s23 =	simm.s32 $0x380;
	s8 =	sadd.s32 s5, s8  }
0x61: {  	[tilespmem:s19], [sflag:$0xB] =	stream.linear.gather [hbm4b:s8+s4], $0x80, $0x38;
	[tilespmem:$0x1EA00] =	vst v63  }
0x62: {  	s8 =	sand.u32 $0x380, s23  }
0x63: {  	_ =	swait.ge [sflag:s20], $0x2000;
	s8 =	sor.u32 s16, s8  }
0x64: {  	s9 =	simm.s32 $0x141C0;
	[sflag:s20] =	ssyncset.done $0x0;
	s16 =	sshrl.u32 s8, $0x3  }
0x65: {  	s8 =	simm.s32 $0x580;
	[sflag:s20] =	ssyncadd.s32 $0xFFFFE000;
	s16 =	sadd.s32 s5, s16  }
0x66: {  	[tilespmem:s22], [sflag:$0x4] =	stream.indirect.gather [hbm4b:s1+s21], $0x80, s9, s21, $0xb8;
	[tilespmem:$0x1EA00] =	vst v63  }
.LBB2_2:
0x67: {  	p0 =	sne.s32 s8, $0x4F80;
	s9 =	sadd.s32 $0x100, s9;
	s17 =	smov.u32 s8  }
0x68: {  	s8 =	sadd.s32 $0x200, s8;
	s23 =	simm.s32 $0x16980;
	s0 =	simm.s32 $0x1  }
0x69: {  	[tilespmem:s23], [sflag:$0xC] =	stream.linear.gather [hbm4b:s16+s4], $0x80, $0x38;
	[tilespmem:$0x1EA00] =	vst v63  }
0x6a: {  	_ =	swait.ge [sflag:s0], $0x2000  }
0x6b: {  	[sflag:s0] =	ssyncset.done $0x0  }
0x6c: {  	[sflag:s0] =	ssyncadd.s32 $0xFFFFE000;
	s0 =	simm.s32 $0x9  }
0x6d: {  	_ =	swait.ge [sflag:s0], $0x80  }
0x6e: {  	[sflag:s0] =	ssyncset.done $0x0  }
0x6f: {  	[sflag:s0] =	ssyncadd.s32 $0xFFFFFF80;
	s0 =	simm.s32 $0x2  }
0x70: {  	[spmem:s3] =	stream.indirect.scatter.add.f32 [tilespmem:s29], [sflag:$0x5], $0x80, s30, s21, $0xb8;
	[tilespmem:$0x1EA00] =	vst v63  }
0x71: {  	_ =	swait.ge [sflag:s0], $0x2000  }
0x72: {  	[sflag:s0] =	ssyncset.done $0x0  }
0x73: {  	[sflag:s0] =	ssyncadd.s32 $0xFFFFE000  }
0x74: {  	_ =	swait.ge [sflag:s28], $0x80  }
0x75: {  	[sflag:s28] =	ssyncset.done $0x0  }
0x76: {  	s2 =	simm.s32 $0x18A00;
	s0 =	simm.s32 $0x16880;
	[sflag:s28] =	ssyncadd.s32 $0xFFFFFF80  }
0x77: {  	[spmem:s3] =	stream.indirect.scatter.add.f32 [tilespmem:s2], [sflag:$0x6], $0x80, s0, s21, $0xb8;
	[tilespmem:$0x1EA00] =	vst v63  }
0x78: {  	_ =	swait.ge [sflag:s31], $0x2000  }
0x79: {  	[sflag:s31] =	ssyncset.done $0x0  }
0x7a: {  	[sflag:s31] =	ssyncadd.s32 $0xFFFFE000  }
0x7b: {  	_ =	swait.ge [sflag:s7], $0x80  }
0x7c: {  	[sflag:s7] =	ssyncset.done $0x0  }
0x7d: {  	s18 =	simm.s32 $0x1AA00;
	s19 =	simm.s32 $0x16900;
	[sflag:s7] =	ssyncadd.s32 $0xFFFFFF80  }
0x7e: {  	[spmem:s3] =	stream.indirect.scatter.add.f32 [tilespmem:s18], [sflag:$0x7], $0x80, s19, s21, $0xb8;
	[tilespmem:$0x1EA00] =	vst v63  }
0x7f: {  	_ =	swait.ge [sflag:s10], $0x2000  }
0x80: {  	[sflag:s10] =	ssyncset.done $0x0  }
0x81: {  	[sflag:s10] =	ssyncadd.s32 $0xFFFFE000  }
0x82: {  	s16 =	sadd.s32 $0xFFFFFF00, s17;
	s15 =	sand.u32 $0x380, s17;
	_ =	swait.ge [sflag:s11], $0x80  }
0x83: {  	s6 =	sadd.s32 $0xFFFFFF40, s9;
	s22 =	sadd.s32 $0xFFFFFF80, s17;
	[sflag:s11] =	ssyncset.done $0x0  }
0x84: {  	s17 =	sadd.s32 $0xFFFFFE80, s17;
	s22 =	sand.u32 $0x300, s22;
	[sflag:s11] =	ssyncadd.s32 $0xFFFFFF80  }
0x85: {  	[spmem:s3] =	stream.indirect.scatter.add.f32 [tilespmem:s24], [sflag:$0x8], $0x80, s23, s21, $0xb8;
	[tilespmem:$0x1EA00] =	vst v63  }
0x86: {  	s23 =	sand.u32 $0xFC00, s17  }
0x87: {  	s17 =	sand.u32 $0x200, s17;
	_ =	swait.ge [sflag:s12], $0x2000;
	s23 =	sadd.s32 s25, s23  }
0x88: {  	s16 =	sand.u32 $0x280, s16;
	[sflag:s12] =	ssyncset.done $0x0;
	s17 =	sor.u32 s17, s23  }
0x89: {  	s16 =	sor.u32 s23, s16;
	s15 =	sor.u32 s23, s15;
	[sflag:s12] =	ssyncadd.s32 $0xFFFFE000  }
0x8a: {  	[tilespmem:s29], [sflag:$0x1] =	stream.indirect.gather [hbm4b:s1+s21], $0x80, s6, s21, $0xb8;
	[tilespmem:$0x1EA00] =	vst v63  }
0x8b: {  	s16 =	sshrl.u32 s16, $0x3;
	s6 =	sshrl.u32 s17, $0x3;
	s17 =	sor.u32 s23, s22  }
0x8c: {  	s22 =	simm.s32 $0x16800;
	s6 =	sadd.s32 s5, s6;
	s17 =	sshrl.u32 s17, $0x3  }
0x8d: {  	[tilespmem:s30], [sflag:$0x9] =	stream.linear.gather [hbm4b:s6+s4], $0x80, $0x38;
	[tilespmem:$0x1EA00] =	vst v63  }
0x8e: {  	s6 =	sshrl.u32 s15, $0x3;
	_ =	swait.ge [sflag:s13], $0x2000  }
0x8f: {  	s15 =	sadd.s32 $0xFFFFFF80, s9;
	[sflag:s13] =	ssyncset.done $0x0  }
0x90: {  	s16 =	sadd.s32 s5, s16;
	s23 =	simm.s32 $0x18A00;
	[sflag:s13] =	ssyncadd.s32 $0xFFFFE000  }
0x91: {  	[tilespmem:s2], [sflag:$0x2] =	stream.indirect.gather [hbm4b:s1+s21], $0x80, s15, s21, $0xb8;
	[tilespmem:$0x1EA00] =	vst v63  }
0x92: {  	s2 =	simm.s32 $0x16880  }
0x93: {  	[tilespmem:s0], [sflag:$0xA] =	stream.linear.gather [hbm4b:s16+s4], $0x80, $0x38;
	[tilespmem:$0x1EA00] =	vst v63  }
0x94: {  	_ =	swait.ge [sflag:s14], $0x2000  }
0x95: {  	s15 =	sadd.s32 $0xFFFFFFC0, s9;
	[sflag:s14] =	ssyncset.done $0x0  }
0x96: {  	s16 =	sadd.s32 s5, s17;
	s0 =	simm.s32 $0x1AA00;
	[sflag:s14] =	ssyncadd.s32 $0xFFFFE000  }
0x97: {  	[tilespmem:s18], [sflag:$0x3] =	stream.indirect.gather [hbm4b:s1+s21], $0x80, s15, s21, $0xb8;
	[tilespmem:$0x1EA00] =	vst v63  }
0x98: {  	_ = 	snop  }
0x99: {  	[tilespmem:s19], [sflag:$0xB] =	stream.linear.gather [hbm4b:s16+s4], $0x80, $0x38;
	[tilespmem:$0x1EA00] =	vst v63  }
.Ltmp0:
0x9a: {  	s15 =	simm.s32 $0x16900;
	(pc) =	sbr.rel @p0 .LBB2_2-.Ltmp0, $4  }
0x9b: {  	_ =	swait.ge [sflag:s20], $0x2000  }
0x9c: {  	[sflag:s20] =	ssyncset.done $0x0  }
0x9d: {  	s16 =	sadd.s32 s5, s6;
	s6 =	simm.s32 $0x1CA00;
	[sflag:s20] =	ssyncadd.s32 $0xFFFFE000  }
0x9e: {  	[tilespmem:s24], [sflag:$0x4] =	stream.indirect.gather [hbm4b:s1+s21], $0x80, s9, s21, $0xb8;
	[tilespmem:$0x1EA00] =	vst v63  }
0x9f: {  	s8 =	simm.s32 $0x16980;
	s9 =	simm.s32 $0x1  }
0xa0: {  	[tilespmem:s8], [sflag:$0xC] =	stream.linear.gather [hbm4b:s16+s4], $0x80, $0x38;
	[tilespmem:$0x1EA00] =	vst v63  }
0xa1: {  	_ =	swait.ge [sflag:s9], $0x2000  }
0xa2: {  	[sflag:s9] =	ssyncset.done $0x0  }
0xa3: {  	s17 =	simm.s32 $0x9;
	[sflag:s9] =	ssyncadd.s32 $0xFFFFE000  }
0xa4: {  	_ =	swait.ge [sflag:s17], $0x80  }
0xa5: {  	[sflag:s17] =	ssyncset.done $0x0  }
0xa6: {  	s18 =	simm.s32 $0x2;
	[sflag:s17] =	ssyncadd.s32 $0xFFFFFF80  }
0xa7: {  	[spmem:s3] =	stream.indirect.scatter.add.f32 [tilespmem:s26], [sflag:$0x5], $0x80, s22, s21, $0xb8;
	[tilespmem:$0x1EA00] =	vst v63  }
0xa8: {  	_ =	swait.ge [sflag:s18], $0x2000  }
0xa9: {  	[sflag:s18] =	ssyncset.done $0x0  }
0xaa: {  	[sflag:s18] =	ssyncadd.s32 $0xFFFFE000  }
0xab: {  	_ =	swait.ge [sflag:s28], $0x80  }
0xac: {  	[sflag:s28] =	ssyncset.done $0x0  }
0xad: {  	[sflag:s28] =	ssyncadd.s32 $0xFFFFFF80  }
0xae: {  	[spmem:s3] =	stream.indirect.scatter.add.f32 [tilespmem:s23], [sflag:$0x6], $0x80, s2, s21, $0xb8;
	[tilespmem:$0x1EA00] =	vst v63  }
0xaf: {  	_ =	swait.ge [sflag:s31], $0x2000  }
0xb0: {  	[sflag:s31] =	ssyncset.done $0x0  }
0xb1: {  	[sflag:s31] =	ssyncadd.s32 $0xFFFFE000  }
0xb2: {  	_ =	swait.ge [sflag:s7], $0x80  }
0xb3: {  	[sflag:s7] =	ssyncset.done $0x0  }
0xb4: {  	[sflag:s7] =	ssyncadd.s32 $0xFFFFFF80  }
0xb5: {  	[spmem:s3] =	stream.indirect.scatter.add.f32 [tilespmem:s0], [sflag:$0x7], $0x80, s15, s21, $0xb8;
	[tilespmem:$0x1EA00] =	vst v63  }
0xb6: {  	_ =	swait.ge [sflag:s10], $0x2000  }
0xb7: {  	[sflag:s10] =	ssyncset.done $0x0  }
0xb8: {  	[sflag:s10] =	ssyncadd.s32 $0xFFFFE000  }
0xb9: {  	_ =	swait.ge [sflag:s11], $0x80  }
0xba: {  	[sflag:s11] =	ssyncset.done $0x0  }
0xbb: {  	[sflag:s11] =	ssyncadd.s32 $0xFFFFFF80  }
0xbc: {  	[spmem:s3] =	stream.indirect.scatter.add.f32 [tilespmem:s6], [sflag:$0x8], $0x80, s8, s21, $0xb8;
	[tilespmem:$0x1EA00] =	vst v63  }
0xbd: {  	_ =	swait.ge [sflag:s12], $0x2000  }
0xbe: {  	[sflag:s12] =	ssyncset.done $0x0  }
0xbf: {  	[sflag:s12] =	ssyncadd.s32 $0xFFFFE000  }
0xc0: {  	_ =	swait.ge [sflag:s13], $0x2000  }
0xc1: {  	[sflag:s13] =	ssyncset.done $0x0  }
0xc2: {  	[sflag:s13] =	ssyncadd.s32 $0xFFFFE000  }
0xc3: {  	_ =	swait.ge [sflag:s14], $0x2000  }
0xc4: {  	[sflag:s14] =	ssyncset.done $0x0  }
0xc5: {  	[sflag:s14] =	ssyncadd.s32 $0xFFFFE000  }
0xc6: {  	_ =	swait.ge [sflag:s20], $0x2000  }
0xc7: {  	[sflag:s20] =	ssyncset.done $0x0  }
0xc8: {  	[sflag:s20] =	ssyncadd.s32 $0xFFFFE000  }
0xc9: {  	[bflag:$0x0] =	sbarrier.arrive $0xFFFF  }
0xca: {  	s9 =	rddreg [dreg:$0x5]  }
0xcb: {  	s19 =	rddreg [dreg:$0xb]  }
0xcc: {  	s15 =	simm.s32 $0xD;
	s8 =	rddreg [dreg:$0xd]  }
0xcd: {  	[hbm:s19], [sflag:s9] =	dma.local [spmem:s8], $0x2800  }
0xce: {  	_ =	swait.ge [sflag:s15], $0x2800  }
0xcf: {  	s22 =	rddreg [dreg:$0xe]  }
0xd0: {  	s23 =	rddreg [dreg:$0xc];
	s0 =	sadd.s32 $0x1, s22  }
0xd1: {  	p0 =	sne.s32 s0, s23  }
.Ltmp1:
0xd2: {  	_ = 	snop;
	(pc) =	sbr.rel @p0 .LBB2_1-.Ltmp1, $3  }
0xd3: {  	_ =	sdelay $0x1  }
0xd4: {  	[sflag:s15] =	ssyncset.done $0x0  }
0xd5: {  	[sflag:s15] =	ssyncadd.s32 $0xFFFFD800  }
0xd6: {  	_ =	sfence.sel $0x180000  }
0xd7: {  	[bflag:$0x0] =	sbarrier.arrive $0xFFFF  }
0xd8: {  	_ =	strace $0x90000047  }
0xd9: {  	s0 =	stileid.u32;
	[bflag:$0x2] =	sbarrier.arrive $0xFFFF  }
0xda: {  	p0 =	sne.s32 s0, $0x0;
	s0 =	rddreg [dreg:$0x3]  }
0xdb: {  	s0 =	sadd.s32 @!p0 $0x100000, s0  }
0xdc: {  	[sflag:s0] =	ssyncadd.tile.s32 @!p0 $0x1;
	_ =	shalt  }
.Lfunc_end2:
_tile_overlayer_lowered:
.L_overlay_start_2:
0xdd: {  	(tag) =	ssettag $0x2  }
0xde: {  	s0 =	rddreg [dreg:$0x0];
	s2 =	stileid.u32  }
0xdf: {  	s1 =	rddreg [dreg:$0x1];
	p0 =	sne.s32 s2, $0x0  }
0xe0: {  	s3 =	rddreg [dreg:$0x2];
	[bflag:$0x3] =	sbarrier.arrive $0xFFFF;
	s2 =	simm.s32 @!p0 $0x1C0D  }
0xe1: {  	[timem:s3], [sflag:s2] =	dma.local @!p0 [hbm:s0], s1  }
0xe2: {  	s0 =	simm.s32 @!p0 $0xD  }
0xe3: {  	_ =	swait.ge @!p0 [sflag:s0], s1  }
0xe4: {  	s1 =	ssub.s32 @!p0 $0x0, s1;
	[sflag:s0] =	ssyncset.done @!p0 $0x0  }
0xe5: {  	[sflag:s0] =	ssyncadd.s32 @!p0 s1  }
0xe6: {  	[bflag:$0x3] =	sbarrier.arrive $0xFFFF  }
0xe7: {  	_ =	shalt  }

</sc_bundles>
